<compile_context>
chip_gen: v7x
topology: tpu7x:2x2x1
jax: 0.10.2.dev20260603
libtpu: 0.0.44.dev20260713+nightly
codegen_flags: <defaults>
</compile_context>

<pallas_src>
import functools

import jax
import jax.numpy as jnp
from jax import lax
from jax.experimental import pallas as pl
from jax.experimental.pallas import tpu as pltpu
from jax.experimental.pallas import tpu_sc as plsc

_B = 128
_DEPTH = 8
_PER = 511
_PERP = 512
_N = _B * _PER
_EMB = 64
_HID = 64

_NW = 32
_ROWS = 2 * _B * _PERP
_CH = 128
_RPW = _ROWS // _NW
_NCH = _RPW // _CH
_KFIRE = 4
_NG = _NCH // _KFIRE

_G = 16
_NA = _B // _G
_PRB = _G * (_PERP // 2)

_PO = [0, 128, 192, 224, 240, 248, 252, 254]


def _sc_gather(emb, sort_emb, tok_idx, srt_idx):
    mesh = plsc.VectorSubcoreMesh(core_axis_name="c", subcore_axis_name="s")

    @functools.partial(
        pl.kernel,
        mesh=mesh,
        compiler_params=pltpu.CompilerParams(use_tc_tiling_on_sc=False),
        out_type=(
            jax.ShapeDtypeStruct((_ROWS, _EMB), jnp.float32),
            jax.ShapeDtypeStruct((_ROWS, _EMB), jnp.float32),
        ),
        scratch_types=[
            pltpu.VMEM((_NCH, _CH), jnp.int32),
            pltpu.VMEM((_NCH, _CH), jnp.int32),
            pltpu.VMEM((2, _KFIRE, _CH, _EMB), jnp.float32),
            pltpu.SemaphoreType.DMA,
        ],
    )
    def gather_kernel(emb_hbm, semb_hbm, tidx_hbm, sidx_hbm,
                      tout_hbm, sout_hbm, tidx_v, sidx_v, buf, sem):
        wid = lax.axis_index("s") * 2 + lax.axis_index("c")
        row0 = wid * _RPW
        pltpu.sync_copy(tidx_hbm.at[pl.ds(wid * _NCH, _NCH)], tidx_v)
        pltpu.sync_copy(sidx_hbm.at[pl.ds(wid * _NCH, _NCH)], sidx_v)

        for table, idxv, out in ((emb_hbm, tidx_v, tout_hbm),
                                 (semb_hbm, sidx_v, sout_hbm)):
            def fire(g, bank, table=table, idxv=idxv):
                for b in range(_KFIRE):
                    j = g * _KFIRE + b
                    pltpu.async_copy(table.at[idxv.at[j]],
                                     buf.at[bank].at[b], sem)

            fire(0, 0)

            def group_body(g, _, table=table, idxv=idxv, out=out):
                bank = lax.rem(g, 2)

                @pl.when(g + 1 < _NG)
                def _():
                    fire(g + 1, 1 - bank)

                for b in range(_KFIRE):
                    j = g * _KFIRE + b
                    pltpu.make_async_copy(table.at[idxv.at[j]],
                                          buf.at[bank].at[b], sem).wait()
                    pltpu.sync_copy(buf.at[bank].at[b],
                                    out.at[pl.ds(row0 + j * _CH, _CH)])
                return 0

            lax.fori_loop(0, _NG, group_body, 0)

    return gather_kernel(emb, sort_emb, tok_idx, srt_idx)


def _fold(x, r):
    z = x.reshape(r, 2, _HID)
    return jnp.concatenate([z[:, 0, :], z[:, 1, :]], axis=1)


def _lstm_pass(x3, D_U, D_Uf, Uiou):
    H = _HID
    x0 = x3[:, 0:128, :].reshape(_G * 128, 512)
    i_p = jax.nn.sigmoid(x0[:, 0:2 * H])
    o_p = jax.nn.sigmoid(x0[:, 2 * H:4 * H])
    u_p = jnp.tanh(x0[:, 4 * H:6 * H])
    c_p = i_p * u_p
    h_p = o_p * jnp.tanh(c_p)

    for t in range(1, _DEPTH):
        p = 128 >> t
        xt = x3[:, _PO[t]:_PO[t] + p, :].reshape(_G * p, 512)
        hc = jnp.concatenate([h_p, c_p], axis=1)
        z = hc.reshape(_G * p, 2, 4 * H)
        q = jnp.concatenate([z[:, 0, :], z[:, 1, :]], axis=1)
        hq_l, cq_l = q[:, 0:2 * H], q[:, 2 * H:4 * H]
        hq_r, cq_r = q[:, 4 * H:6 * H], q[:, 6 * H:8 * H]
        hs_pair = jnp.concatenate(
            [hq_l[:, :H] + hq_l[:, H:], hq_r[:, :H] + hq_r[:, H:]], axis=1)
        iou = xt[:, 0:6 * H] + jnp.dot(
            hs_pair, D_U, preferred_element_type=jnp.float32)
        i_p = jax.nn.sigmoid(iou[:, 0:2 * H])
        o_p = jax.nn.sigmoid(iou[:, 2 * H:4 * H])
        u_p = jnp.tanh(iou[:, 4 * H:6 * H])
        xf_l = xt[:, 6 * H:7 * H]
        xf_r = xt[:, 7 * H:8 * H]
        f_l = jax.nn.sigmoid(
            jnp.dot(hq_l, D_Uf, preferred_element_type=jnp.float32)
            + jnp.concatenate([xf_l, xf_l], axis=1))
        f_r = jax.nn.sigmoid(
            jnp.dot(hq_r, D_Uf, preferred_element_type=jnp.float32)
            + jnp.concatenate([xf_r, xf_r], axis=1))
        fcl = f_l * cq_l
        fcr = f_r * cq_r
        cs_pair = jnp.concatenate(
            [fcl[:, :H] + fcl[:, H:], fcr[:, :H] + fcr[:, H:]], axis=1)
        c_p = i_p * u_p + cs_pair
        h_p = o_p * jnp.tanh(c_p)

    x_r = x3[:, 255, :]
    hs = h_p[:, :H] + h_p[:, H:]
    hsU = jnp.dot(hs, Uiou, preferred_element_type=jnp.float32)
    i_r = jax.nn.sigmoid(x_r[:, 0:H] + hsU[:, 0:H])
    o_r = jax.nn.sigmoid(x_r[:, 2 * H:3 * H] + hsU[:, H:2 * H])
    u_r = jnp.tanh(x_r[:, 4 * H:5 * H] + hsU[:, 2 * H:3 * H])
    hU = jnp.dot(h_p, D_Uf, preferred_element_type=jnp.float32)
    xf = x_r[:, 6 * H:7 * H]
    f = jax.nn.sigmoid(hU + jnp.concatenate([xf, xf], axis=1))
    fc = f * c_p
    c_root = i_r * u_r + fc[:, :H] + fc[:, H:]
    return o_r * jnp.tanh(c_root)


def _lstm_body(tok, srt, cst, Wbig_r, bbig_r, DU_r, DUf_r, Uiou_r, out_ref):
    X = jnp.concatenate([tok[...], srt[...], cst[...]], axis=1)
    xall = jnp.dot(X, Wbig_r[...],
                   preferred_element_type=jnp.float32) + bbig_r[...]
    x3 = xall.reshape(_G, _PERP // 2, 512)
    out_ref[...] = _lstm_pass(x3, DU_r[...], DUf_r[...], Uiou_r[...])


def _lstm_call(tokp, srtp, cp, Wbig, bbig, D_U, D_Uf, U_iou,
               base=0, interpret=False):
    wspec = lambda shape: pl.BlockSpec(shape, lambda i: (0, 0))
    return pl.pallas_call(
        _lstm_body,
        grid=(_NA,),
        in_specs=[
            pl.BlockSpec((_PRB, 128), lambda i: (i + base, 0)),
            pl.BlockSpec((_PRB, 128), lambda i: (i + base, 0)),
            pl.BlockSpec((_PRB, 128), lambda i: (i, 0)),
            wspec((6 * _EMB, 512)),
            wspec((1, 512)),
            wspec((2 * _HID, 6 * _HID)),
            wspec((2 * _HID, 2 * _HID)),
            wspec((_HID, 3 * _HID)),
        ],
        out_specs=pl.BlockSpec((_G, _HID), lambda i: (i, 0)),
        out_shape=jax.ShapeDtypeStruct((_B, _HID), jnp.float32),
        interpret=interpret,
    )(tokp, srtp, cp, Wbig, bbig, D_U, D_Uf, U_iou)


def _mlp_body(ha_r, hb_r, fc1W_r, fc1b_r, fc2W_r, fc2b_r, out_ref):
    h_a = ha_r[...]
    h_b = hb_r[...]
    fc1W = fc1W_r[...]
    dotp = jnp.sum(h_a * h_b, axis=1, keepdims=True)
    hid1 = (jnp.dot(h_a, fc1W[:_HID], preferred_element_type=jnp.float32)
            + jnp.dot(h_b, fc1W[_HID:2 * _HID],
                      preferred_element_type=jnp.float32)
            + dotp * fc1W[2 * _HID:2 * _HID + 1]
            + fc1b_r[...])
    hid1 = jax.nn.relu(hid1)
    out_ref[...] = jnp.dot(hid1, fc2W_r[...],
                           preferred_element_type=jnp.float32) + fc2b_r[...]


def _mlp_call(h_a, h_b, fc1_W, fc1_b, fc2_W, fc2_b, interpret=False):
    return pl.pallas_call(
        _mlp_body,
        out_shape=jax.ShapeDtypeStruct((_B, 2), jnp.float32),
        interpret=interpret,
    )(h_a, h_b, fc1_W, fc1_b.reshape(1, -1), fc2_W, fc2_b.reshape(1, -1))


def _pad_ids(col):
    padded = jnp.pad(col.reshape(_B, _PER), ((0, 0), (0, 1))).reshape(-1)
    return padded.astype(jnp.int32)


def _interleave_weights(W_iou, W_f, b_iou, b_f, U_iou, U_f):
    H = _HID
    Z = jnp.zeros((H, H), jnp.float32)

    def stack_l(Wsub):
        return jnp.concatenate(
            [Wsub[0:H], Z, Wsub[H:2 * H], Z, Wsub[2 * H:3 * H], Z], axis=0)

    def stack_r(Wsub):
        return jnp.concatenate(
            [Z, Wsub[0:H], Z, Wsub[H:2 * H], Z, Wsub[2 * H:3 * H]], axis=0)

    Wi, Wo, Wu = W_iou[:, 0:H], W_iou[:, H:2 * H], W_iou[:, 2 * H:3 * H]
    Wbig = jnp.concatenate([
        stack_l(Wi), stack_r(Wi), stack_l(Wo), stack_r(Wo),
        stack_l(Wu), stack_r(Wu), stack_l(W_f), stack_r(W_f)], axis=1)
    bi, bo, bu = b_iou[0:H], b_iou[H:2 * H], b_iou[2 * H:3 * H]
    bbig = jnp.concatenate([bi, bi, bo, bo, bu, bu, b_f, b_f]).reshape(1, -1)

    Ui, Uo, Uu = U_iou[:, 0:H], U_iou[:, H:2 * H], U_iou[:, 2 * H:3 * H]

    def blk_l(U):
        return jnp.concatenate([U, Z], axis=0)

    def blk_r(U):
        return jnp.concatenate([Z, U], axis=0)

    D_U = jnp.concatenate([
        blk_l(Ui), blk_r(Ui), blk_l(Uo), blk_r(Uo), blk_l(Uu), blk_r(Uu)],
        axis=1)
    D_Uf = jnp.concatenate([
        jnp.concatenate([U_f, Z], axis=1),
        jnp.concatenate([Z, U_f], axis=1)], axis=0)
    return Wbig, bbig, D_U, D_Uf


def _const_pair(feats):
    c = feats[:, 2:2 + _EMB].reshape(_B, _PER, _EMB)
    return jnp.pad(c, ((0, 0), (0, 1), (0, 0))).reshape(-1, 2 * _EMB)


def kernel(features_a, features_b, node_order, adjacency_list, edge_order,
           tree_sizes, emb, sort_emb, W_iou, b_iou, U_iou, W_f, b_f, U_f,
           fc1_W, fc1_b, fc2_W, fc2_b):
    tok_idx = jnp.concatenate([
        _pad_ids(features_a[:, 0]), _pad_ids(features_b[:, 0]),
    ]).reshape(_ROWS // _CH, _CH)
    srt_idx = jnp.concatenate([
        _pad_ids(features_a[:, 1]), _pad_ids(features_b[:, 1]),
    ]).reshape(_ROWS // _CH, _CH)
    tok_all, srt_all = _sc_gather(emb, sort_emb, tok_idx, srt_idx)
    tokp = tok_all.reshape(-1, 2 * _EMB)
    srtp = srt_all.reshape(-1, 2 * _EMB)

    Wbig, bbig, D_U, D_Uf = _interleave_weights(
        W_iou, W_f, b_iou, b_f, U_iou, U_f)

    h_a = _lstm_call(tokp, srtp, _const_pair(features_a),
                     Wbig, bbig, D_U, D_Uf, U_iou, base=0)
    h_b = _lstm_call(tokp, srtp, _const_pair(features_b),
                     Wbig, bbig, D_U, D_Uf, U_iou, base=_NA)

    return _mlp_call(h_a, h_b, fc1_W, fc1_b, fc2_W, fc2_b)

# --- scband reference (transcript-rebuilt; emitter-appended) ---
"""Pipeline reference for scband-model-28819230556898 (READ-ONLY COPY).

The authoritative reference and input builder live on the scoring server;
editing this copy changes nothing except your own understanding.
"""

import jax, jax.numpy as jnp
import numpy as np

VOCAB = 100000
SORT_VOCAB = 1000
EMB_DIM = 64
CONST_EMB_DIM = 64
TREE_DIM = 64
B = 128
DEPTH = 8
PER = 2 ** (DEPTH + 1) - 1


def _build_tree_structure():
    sizes = [2 ** (DEPTH - t) for t in range(DEPTH + 1)]
    offsets = np.concatenate([[0], np.cumsum(sizes)]).astype(np.int64)
    node_order_t = np.concatenate([np.full(s, t, dtype=np.int64) for t, s in enumerate(sizes)])
    adj = []
    eord = []
    for t in range(1, DEPTH + 1):
        for j in range(sizes[t]):
            p = offsets[t] + j
            adj.append([p, offsets[t - 1] + 2 * j])
            adj.append([p, offsets[t - 1] + 2 * j + 1])
            eord.append(t)
            eord.append(t)
    adj = np.asarray(adj, dtype=np.int64)
    eord = np.asarray(eord, dtype=np.int64)
    bases = np.arange(B, dtype=np.int64) * PER
    adjacency = np.concatenate([adj + b for b in bases], axis=0)
    node_order = np.tile(node_order_t, B)
    edge_order = np.tile(eord, B)
    tree_sizes = np.full(B, PER, dtype=np.int64)
    return node_order, adjacency, edge_order, tree_sizes


def setup_inputs(seed: int = 0):
    key = jax.random.key(seed)
    ks = jax.random.split(key, 18)
    node_order, adjacency_list, edge_order, tree_sizes = _build_tree_structure()
    N = B * PER

    def make_feats(k0, k1, k2):
        tok = jax.random.randint(k0, (N,), 0, 2 * VOCAB).astype(jnp.float32)
        srt = jax.random.randint(k1, (N,), 0, 2 * SORT_VOCAB).astype(jnp.float32)
        const = jax.random.normal(k2, (N, EMB_DIM), jnp.float32)
        return jnp.concatenate([tok[:, None], srt[:, None], const], axis=1)

    features_a = make_feats(ks[0], ks[1], ks[2])
    features_b = make_feats(ks[3], ks[4], ks[5])
    in_dim = EMB_DIM * 2 + CONST_EMB_DIM
    hid = TREE_DIM
    return {
        'features_a': features_a,
        'features_b': features_b,
        'node_order': node_order,
        'adjacency_list': adjacency_list,
        'edge_order': edge_order,
        'tree_sizes': tree_sizes,
        'emb': jax.random.normal(ks[6], (2 * VOCAB, EMB_DIM), jnp.float32) * 0.1,
        'sort_emb': jax.random.normal(ks[7], (2 * SORT_VOCAB, EMB_DIM), jnp.float32) * 0.1,
        'W_iou': jax.random.normal(ks[8], (in_dim, 3 * hid), jnp.float32) * 0.05,
        'b_iou': jnp.zeros((3 * hid,), jnp.float32),
        'U_iou': jax.random.normal(ks[9], (hid, 3 * hid), jnp.float32) * 0.05,
        'W_f': jax.random.normal(ks[10], (in_dim, hid), jnp.float32) * 0.05,
        'b_f': jnp.zeros((hid,), jnp.float32),
        'U_f': jax.random.normal(ks[11], (hid, hid), jnp.float32) * 0.05,
        'fc1_W': jax.random.normal(ks[12], (2 * hid + 1, hid), jnp.float32) * 0.05,
        'fc1_b': jnp.zeros((hid,), jnp.float32),
        'fc2_W': jax.random.normal(ks[13], (hid, 2), jnp.float32) * 0.05,
        'fc2_b': jnp.zeros((2,), jnp.float32),
    }


def _tree_lstm(feats, node_order, adjacency_list, edge_order, W_iou, b_iou, U_iou, W_f, b_f, U_f):
    N = feats.shape[0]
    hid = U_f.shape[0]
    h = jnp.zeros((N, hid), feats.dtype)
    c = jnp.zeros((N, hid), feats.dtype)
    for it in range(DEPTH + 1):
        n_count = B * (2 ** (DEPTH - it))
        nidx = jnp.nonzero(node_order == it, size=n_count)[0]
        x = feats[nidx]
        if it == 0:
            iou = x @ W_iou + b_iou
            i, o, u = jnp.split(iou, 3, axis=1)
            i = jax.nn.sigmoid(i); o = jax.nn.sigmoid(o); u = jnp.tanh(u)
            c_new = i * u
        else:
            eidx = jnp.nonzero(edge_order == it, size=2 * n_count)[0]
            adj = adjacency_list[eidx]
            parent = adj[:, 0]
            child = adj[:, 1]
            child_h = h[child]
            child_c = c[child]
            seg = jnp.searchsorted(nidx, parent)
            h_sum = jax.ops.segment_sum(child_h, seg, num_segments=n_count)
            iou = x @ W_iou + b_iou + h_sum @ U_iou
            i, o, u = jnp.split(iou, 3, axis=1)
            i = jax.nn.sigmoid(i); o = jax.nn.sigmoid(o); u = jnp.tanh(u)
            f = jax.nn.sigmoid(feats[parent] @ W_f + b_f + child_h @ U_f)
            c_sum = jax.ops.segment_sum(f * child_c, seg, num_segments=n_count)
            c_new = i * u + c_sum
        c = c.at[nidx].set(c_new)
        h = h.at[nidx].set(o * jnp.tanh(c_new))
    return h, c


def _forward_tree(features, node_order, adjacency_list, edge_order, emb, sort_emb, W_iou, b_iou, U_iou, W_f, b_f, U_f):
    token = features[:, 0].astype(jnp.int32)
    srt = features[:, 1].astype(jnp.int32)
    token_emb = jnp.take(emb, token, axis=0)
    s_emb = jnp.take(sort_emb, srt, axis=0)
    const_emb = features[:, 2:2 + EMB_DIM] * 1.0
    feats = jnp.concatenate([token_emb, s_emb, const_emb], axis=1)
    return _tree_lstm(feats, node_order, adjacency_list, edge_order, W_iou, b_iou, U_iou, W_f, b_f, U_f)


def reference(features_a, features_b, node_order, adjacency_list, edge_order, tree_sizes, emb, sort_emb, W_iou, b_iou, U_iou, W_f, b_f, U_f, fc1_W, fc1_b, fc2_W, fc2_b):
    h_a_raw, _ = _forward_tree(features_a, node_order, adjacency_list, edge_order, emb, sort_emb, W_iou, b_iou, U_iou, W_f, b_f, U_f)
    h_b_raw, _ = _forward_tree(features_b, node_order, adjacency_list, edge_order, emb, sort_emb, W_iou, b_iou, U_iou, W_f, b_f, U_f)
    roots = jnp.cumsum(tree_sizes) - 1
    h_a = h_a_raw[roots]
    h_b = h_b_raw[roots]
    bs = tree_sizes.shape[0]
    dotp = jnp.diag(h_a @ h_b.T).reshape(bs, 1, -1)
    h_a3 = h_a.reshape(bs, 1, -1)
    h_b3 = h_b.reshape(bs, 1, -1)
    hcat = jnp.concatenate([h_a3, h_b3, dotp], axis=-1)
    hidden = jax.nn.relu(hcat @ fc1_W + fc1_b)
    logits = hidden @ fc2_W + fc2_b
    return logits.reshape(bs, -1)

if __name__ == "__main__":
    import jax
    _d = setup_inputs()
    print(jax.jit(kernel)(*tuple(_d.values())))

</pallas_src>

<mosaic_0001>
#map = affine_map<(d0, d1) -> (0, 0)>
module attributes {stable_mosaic.version = 14 : i64} {
  func.func @gather_kernel(%arg0: i32, %arg1: i32, %arg2: memref<200000x64xf32, #tpu.memory_space<hbm>>, %arg3: memref<2000x64xf32, #tpu.memory_space<hbm>>, %arg4: memref<1024x128xi32, #tpu.memory_space<hbm>>, %arg5: memref<1024x128xi32, #tpu.memory_space<hbm>>, %arg6: memref<131072x64xf32, #tpu.memory_space<hbm>>, %arg7: memref<131072x64xf32, #tpu.memory_space<hbm>>, %arg8: memref<32x128xi32, #tpu.memory_space<vmem>>, %arg9: memref<32x128xi32, #tpu.memory_space<vmem>>, %arg10: memref<2x4x128x64xf32, #tpu.memory_space<vmem>>, %arg11: memref<!tpu.dma_semaphore, #tpu.memory_space<semaphore_mem>>) attributes {dimension_semantics = [#tpu.dimension_semantics<core_parallel>, #tpu.dimension_semantics<subcore_parallel>], iteration_bounds = array<i64: 2, 16>, scalar_prefetch = 0 : i64, scratch_operands = 4 : i64, tpu.core_type = #tpu.core_type<sc_vector_subcore>, window_params = [{transform_indices = #map}, {transform_indices = #map}, {transform_indices = #map}, {transform_indices = #map}, {transform_indices = #map}, {transform_indices = #map}]} {
    %mul3A = arith.constant 2 : i32
    %mul3A_0 = arith.muli %arg1, %mul3A : i32
    %add3A = arith.addi %mul3A_0, %arg0 : i32
    %mul3A_1 = arith.constant 4096 : i32
    %mul3A_2 = arith.muli %add3A, %mul3A_1 : i32
    %mul3A_3 = arith.constant 32 : i32
    %mul3A_4 = arith.muli %add3A, %mul3A_3 : i32
    "tpu.region"() ({
      %run_scoped3A = tpu.sem_alloc : memref<!tpu.dma_semaphore, #tpu.memory_space<semaphore_mem>>
      %dma_start3A_163 = arith.constant 0 : i32
      %dma_start3A_164 = tpu.memref_slice %arg4[%mul3A_4, %dma_start3A_163] : memref<1024x128xi32, #tpu.memory_space<hbm>> -> memref<32x128xi32, #tpu.memory_space<hbm>>
      %dma_start3A_165 = arith.constant 0 : i32
      %dma_start3A_166 = tpu.memref_slice %arg4[%mul3A_4, %dma_start3A_165] : memref<1024x128xi32, #tpu.memory_space<hbm>> -> memref<32x128xi32, #tpu.memory_space<hbm>>
      tpu.enqueue_dma source(%dma_start3A_166 : memref<32x128xi32, #tpu.memory_space<hbm>>) target(%arg8 : memref<32x128xi32, #tpu.memory_space<vmem>>) target_semaphore(%run_scoped3A : memref<!tpu.dma_semaphore, #tpu.memory_space<semaphore_mem>>)
      %dma_wait3A = arith.constant 0 : i32
      %dma_wait3A_167 = tpu.memref_slice %arg4[%mul3A_4, %dma_wait3A] : memref<1024x128xi32, #tpu.memory_space<hbm>> -> memref<32x128xi32, #tpu.memory_space<hbm>>
      %dma_wait3A_168 = arith.constant 0 : i32
      %dma_wait3A_169 = tpu.memref_slice %arg4[%mul3A_4, %dma_wait3A_168] : memref<1024x128xi32, #tpu.memory_space<hbm>> -> memref<32x128xi32, #tpu.memory_space<hbm>>
      tpu.wait_dma2 semaphore(%run_scoped3A : memref<!tpu.dma_semaphore, #tpu.memory_space<semaphore_mem>>) src(%dma_wait3A_169 : memref<32x128xi32, #tpu.memory_space<hbm>>) dst(%arg8 : memref<32x128xi32, #tpu.memory_space<vmem>>)
      tpu.yield
    }) : () -> ()
    %mul3A_5 = arith.constant 32 : i32
    %mul3A_6 = arith.muli %add3A, %mul3A_5 : i32
    "tpu.region"() ({
      %run_scoped3A = tpu.sem_alloc : memref<!tpu.dma_semaphore, #tpu.memory_space<semaphore_mem>>
      %dma_start3A_163 = arith.constant 0 : i32
      %dma_start3A_164 = tpu.memref_slice %arg5[%mul3A_6, %dma_start3A_163] : memref<1024x128xi32, #tpu.memory_space<hbm>> -> memref<32x128xi32, #tpu.memory_space<hbm>>
      %dma_start3A_165 = arith.constant 0 : i32
      %dma_start3A_166 = tpu.memref_slice %arg5[%mul3A_6, %dma_start3A_165] : memref<1024x128xi32, #tpu.memory_space<hbm>> -> memref<32x128xi32, #tpu.memory_space<hbm>>
      tpu.enqueue_dma source(%dma_start3A_166 : memref<32x128xi32, #tpu.memory_space<hbm>>) target(%arg9 : memref<32x128xi32, #tpu.memory_space<vmem>>) target_semaphore(%run_scoped3A : memref<!tpu.dma_semaphore, #tpu.memory_space<semaphore_mem>>)
      %dma_wait3A = arith.constant 0 : i32
      %dma_wait3A_167 = tpu.memref_slice %arg5[%mul3A_6, %dma_wait3A] : memref<1024x128xi32, #tpu.memory_space<hbm>> -> memref<32x128xi32, #tpu.memory_space<hbm>>
      %dma_wait3A_168 = arith.constant 0 : i32
      %dma_wait3A_169 = tpu.memref_slice %arg5[%mul3A_6, %dma_wait3A_168] : memref<1024x128xi32, #tpu.memory_space<hbm>> -> memref<32x128xi32, #tpu.memory_space<hbm>>
      tpu.wait_dma2 semaphore(%run_scoped3A : memref<!tpu.dma_semaphore, #tpu.memory_space<semaphore_mem>>) src(%dma_wait3A_169 : memref<32x128xi32, #tpu.memory_space<hbm>>) dst(%arg9 : memref<32x128xi32, #tpu.memory_space<vmem>>)
      tpu.yield
    }) : () -> ()
    %dma_start3A = arith.constant 0 : i32
    %dma_start3A_7 = arith.constant 0 : i32
    %dma_start3A_8 = arith.constant 0 : i32
    %dma_start3A_9 = arith.constant 0 : i32
    %dma_start3A_10 = arith.constant 0 : i32
    %dma_start3A_11 = arith.constant 0 : i32
    %dma_start3A_12 = tpu.memref_slice %arg10[%dma_start3A_7, %dma_start3A_9, %dma_start3A_10, %dma_start3A_11] : memref<2x4x128x64xf32, #tpu.memory_space<vmem>> -> memref<1x4x128x64xf32, #tpu.memory_space<vmem>>
    %dma_start3A_13 = tpu.memref_squeeze %dma_start3A_12 : memref<1x4x128x64xf32, #tpu.memory_space<vmem>> -> memref<4x128x64xf32, #tpu.memory_space<vmem>>
    %dma_start3A_14 = arith.constant 0 : i32
    %dma_start3A_15 = arith.constant 0 : i32
    %dma_start3A_16 = tpu.memref_slice %dma_start3A_13[%dma_start3A_8, %dma_start3A_14, %dma_start3A_15] : memref<4x128x64xf32, #tpu.memory_space<vmem>> -> memref<1x128x64xf32, #tpu.memory_space<vmem>>
    %dma_start3A_17 = tpu.memref_squeeze %dma_start3A_16 : memref<1x128x64xf32, #tpu.memory_space<vmem>> -> memref<128x64xf32, #tpu.memory_space<vmem>>
    %dma_start3A_18 = arith.constant 0 : i32
    %dma_start3A_19 = tpu.memref_slice %arg8[%dma_start3A, %dma_start3A_18] : memref<32x128xi32, #tpu.memory_space<vmem>> -> memref<1x128xi32, #tpu.memory_space<vmem>>
    %dma_start3A_20 = tpu.memref_squeeze %dma_start3A_19 : memref<1x128xi32, #tpu.memory_space<vmem>> -> memref<128xi32, #tpu.memory_space<vmem>>
    %dma_start3A_21 = arith.constant 0 : i32
    %dma_start3A_22 = arith.constant 0 : i32
    %dma_start3A_23 = tpu.memref_slice %arg2[%dma_start3A_21, %dma_start3A_22] : memref<200000x64xf32, #tpu.memory_space<hbm>> -> memref<200000x64xf32, #tpu.memory_space<hbm>>
    tpu.enqueue_indirect_dma source(%dma_start3A_23 : memref<200000x64xf32, #tpu.memory_space<hbm>>) target(%dma_start3A_17 : memref<128x64xf32, #tpu.memory_space<vmem>>) offsets(%dma_start3A_20 : memref<128xi32, #tpu.memory_space<vmem>>) semaphore(%arg11 : memref<!tpu.dma_semaphore, #tpu.memory_space<semaphore_mem>>)
    %dma_start3A_24 = arith.constant 1 : i32
    %dma_start3A_25 = arith.constant 0 : i32
    %dma_start3A_26 = arith.constant 1 : i32
    %dma_start3A_27 = arith.constant 0 : i32
    %dma_start3A_28 = arith.constant 0 : i32
    %dma_start3A_29 = arith.constant 0 : i32
    %dma_start3A_30 = tpu.memref_slice %arg10[%dma_start3A_25, %dma_start3A_27, %dma_start3A_28, %dma_start3A_29] : memref<2x4x128x64xf32, #tpu.memory_space<vmem>> -> memref<1x4x128x64xf32, #tpu.memory_space<vmem>>
    %dma_start3A_31 = tpu.memref_squeeze %dma_start3A_30 : memref<1x4x128x64xf32, #tpu.memory_space<vmem>> -> memref<4x128x64xf32, #tpu.memory_space<vmem>>
    %dma_start3A_32 = arith.constant 0 : i32
    %dma_start3A_33 = arith.constant 0 : i32
    %dma_start3A_34 = tpu.memref_slice %dma_start3A_31[%dma_start3A_26, %dma_start3A_32, %dma_start3A_33] : memref<4x128x64xf32, #tpu.memory_space<vmem>> -> memref<1x128x64xf32, #tpu.memory_space<vmem>>
    %dma_start3A_35 = tpu.memref_squeeze %dma_start3A_34 : memref<1x128x64xf32, #tpu.memory_space<vmem>> -> memref<128x64xf32, #tpu.memory_space<vmem>>
    %dma_start3A_36 = arith.constant 0 : i32
    %dma_start3A_37 = tpu.memref_slice %arg8[%dma_start3A_24, %dma_start3A_36] : memref<32x128xi32, #tpu.memory_space<vmem>> -> memref<1x128xi32, #tpu.memory_space<vmem>>
    %dma_start3A_38 = tpu.memref_squeeze %dma_start3A_37 : memref<1x128xi32, #tpu.memory_space<vmem>> -> memref<128xi32, #tpu.memory_space<vmem>>
    %dma_start3A_39 = arith.constant 0 : i32
    %dma_start3A_40 = arith.constant 0 : i32
    %dma_start3A_41 = tpu.memref_slice %arg2[%dma_start3A_39, %dma_start3A_40] : memref<200000x64xf32, #tpu.memory_space<hbm>> -> memref<200000x64xf32, #tpu.memory_space<hbm>>
    tpu.enqueue_indirect_dma source(%dma_start3A_41 : memref<200000x64xf32, #tpu.memory_space<hbm>>) target(%dma_start3A_35 : memref<128x64xf32, #tpu.memory_space<vmem>>) offsets(%dma_start3A_38 : memref<128xi32, #tpu.memory_space<vmem>>) semaphore(%arg11 : memref<!tpu.dma_semaphore, #tpu.memory_space<semaphore_mem>>)
    %dma_start3A_42 = arith.constant 2 : i32
    %dma_start3A_43 = arith.constant 0 : i32
    %dma_start3A_44 = arith.constant 2 : i32
    %dma_start3A_45 = arith.constant 0 : i32
    %dma_start3A_46 = arith.constant 0 : i32
    %dma_start3A_47 = arith.constant 0 : i32
    %dma_start3A_48 = tpu.memref_slice %arg10[%dma_start3A_43, %dma_start3A_45, %dma_start3A_46, %dma_start3A_47] : memref<2x4x128x64xf32, #tpu.memory_space<vmem>> -> memref<1x4x128x64xf32, #tpu.memory_space<vmem>>
    %dma_start3A_49 = tpu.memref_squeeze %dma_start3A_48 : memref<1x4x128x64xf32, #tpu.memory_space<vmem>> -> memref<4x128x64xf32, #tpu.memory_space<vmem>>
    %dma_start3A_50 = arith.constant 0 : i32
    %dma_start3A_51 = arith.constant 0 : i32
    %dma_start3A_52 = tpu.memref_slice %dma_start3A_49[%dma_start3A_44, %dma_start3A_50, %dma_start3A_51] : memref<4x128x64xf32, #tpu.memory_space<vmem>> -> memref<1x128x64xf32, #tpu.memory_space<vmem>>
    %dma_start3A_53 = tpu.memref_squeeze %dma_start3A_52 : memref<1x128x64xf32, #tpu.memory_space<vmem>> -> memref<128x64xf32, #tpu.memory_space<vmem>>
    %dma_start3A_54 = arith.constant 0 : i32
    %dma_start3A_55 = tpu.memref_slice %arg8[%dma_start3A_42, %dma_start3A_54] : memref<32x128xi32, #tpu.memory_space<vmem>> -> memref<1x128xi32, #tpu.memory_space<vmem>>
    %dma_start3A_56 = tpu.memref_squeeze %dma_start3A_55 : memref<1x128xi32, #tpu.memory_space<vmem>> -> memref<128xi32, #tpu.memory_space<vmem>>
    %dma_start3A_57 = arith.constant 0 : i32
    %dma_start3A_58 = arith.constant 0 : i32
    %dma_start3A_59 = tpu.memref_slice %arg2[%dma_start3A_57, %dma_start3A_58] : memref<200000x64xf32, #tpu.memory_space<hbm>> -> memref<200000x64xf32, #tpu.memory_space<hbm>>
    tpu.enqueue_indirect_dma source(%dma_start3A_59 : memref<200000x64xf32, #tpu.memory_space<hbm>>) target(%dma_start3A_53 : memref<128x64xf32, #tpu.memory_space<vmem>>) offsets(%dma_start3A_56 : memref<128xi32, #tpu.memory_space<vmem>>) semaphore(%arg11 : memref<!tpu.dma_semaphore, #tpu.memory_space<semaphore_mem>>)
    %dma_start3A_60 = arith.constant 3 : i32
    %dma_start3A_61 = arith.constant 0 : i32
    %dma_start3A_62 = arith.constant 3 : i32
    %dma_start3A_63 = arith.constant 0 : i32
    %dma_start3A_64 = arith.constant 0 : i32
    %dma_start3A_65 = arith.constant 0 : i32
    %dma_start3A_66 = tpu.memref_slice %arg10[%dma_start3A_61, %dma_start3A_63, %dma_start3A_64, %dma_start3A_65] : memref<2x4x128x64xf32, #tpu.memory_space<vmem>> -> memref<1x4x128x64xf32, #tpu.memory_space<vmem>>
    %dma_start3A_67 = tpu.memref_squeeze %dma_start3A_66 : memref<1x4x128x64xf32, #tpu.memory_space<vmem>> -> memref<4x128x64xf32, #tpu.memory_space<vmem>>
    %dma_start3A_68 = arith.constant 0 : i32
    %dma_start3A_69 = arith.constant 0 : i32
    %dma_start3A_70 = tpu.memref_slice %dma_start3A_67[%dma_start3A_62, %dma_start3A_68, %dma_start3A_69] : memref<4x128x64xf32, #tpu.memory_space<vmem>> -> memref<1x128x64xf32, #tpu.memory_space<vmem>>
    %dma_start3A_71 = tpu.memref_squeeze %dma_start3A_70 : memref<1x128x64xf32, #tpu.memory_space<vmem>> -> memref<128x64xf32, #tpu.memory_space<vmem>>
    %dma_start3A_72 = arith.constant 0 : i32
    %dma_start3A_73 = tpu.memref_slice %arg8[%dma_start3A_60, %dma_start3A_72] : memref<32x128xi32, #tpu.memory_space<vmem>> -> memref<1x128xi32, #tpu.memory_space<vmem>>
    %dma_start3A_74 = tpu.memref_squeeze %dma_start3A_73 : memref<1x128xi32, #tpu.memory_space<vmem>> -> memref<128xi32, #tpu.memory_space<vmem>>
    %dma_start3A_75 = arith.constant 0 : i32
    %dma_start3A_76 = arith.constant 0 : i32
    %dma_start3A_77 = tpu.memref_slice %arg2[%dma_start3A_75, %dma_start3A_76] : memref<200000x64xf32, #tpu.memory_space<hbm>> -> memref<200000x64xf32, #tpu.memory_space<hbm>>
    tpu.enqueue_indirect_dma source(%dma_start3A_77 : memref<200000x64xf32, #tpu.memory_space<hbm>>) target(%dma_start3A_71 : memref<128x64xf32, #tpu.memory_space<vmem>>) offsets(%dma_start3A_74 : memref<128xi32, #tpu.memory_space<vmem>>) semaphore(%arg11 : memref<!tpu.dma_semaphore, #tpu.memory_space<semaphore_mem>>)
    %scan3A = arith.constant 0 : i32
    %scan3A_78 = arith.constant 0 : i32
    %scan3A_79 = arith.constant 8 : i32
    %scan3A_80 = arith.addi %scan3A_78, %scan3A_79 : i32
    %scan3A_81 = arith.constant 1 : i32
    %scan3A_82 = scf.for %scan3A_163 = %scan3A_78 to %scan3A_80 step %scan3A_81 iter_args(%scan3A_164 = %scan3A) -> (i32)  : i32 {
      %rem3A = arith.constant 2 : i32
      %rem3A_165 = arith.remsi %scan3A_163, %rem3A : i32
      %add3A_166 = arith.constant 1 : i32
      %add3A_167 = arith.addi %scan3A_163, %add3A_166 : i32
      %lt3A = arith.constant 8 : i32
      %lt3A_168 = arith.cmpi slt, %add3A_167, %lt3A : i32
      %convert_element_type3A = arith.extui %lt3A_168 : i1 to i32
      %cond3A = arith.constant 0 : i32
      %cond3A_169 = arith.cmpi ne, %convert_element_type3A, %cond3A : i32
      scf.if %cond3A_169 {
        %add3A_265 = arith.constant 1 : i32
        %add3A_266 = arith.addi %scan3A_163, %add3A_265 : i32
        %sub3A = arith.constant 1 : i32
        %sub3A_267 = arith.subi %sub3A, %rem3A_165 : i32
        %mul3A_268 = arith.constant 4 : i32
        %mul3A_269 = arith.muli %add3A_266, %mul3A_268 : i32
        %add3A_270 = arith.constant 0 : i32
        %add3A_271 = arith.addi %mul3A_269, %add3A_270 : i32
        %dma_start3A_272 = arith.constant 0 : i32
        %dma_start3A_273 = arith.constant 0 : i32
        %dma_start3A_274 = arith.constant 0 : i32
        %dma_start3A_275 = arith.constant 0 : i32
        %dma_start3A_276 = tpu.memref_slice %arg10[%sub3A_267, %dma_start3A_273, %dma_start3A_274, %dma_start3A_275] : memref<2x4x128x64xf32, #tpu.memory_space<vmem>> -> memref<1x4x128x64xf32, #tpu.memory_space<vmem>>
        %dma_start3A_277 = tpu.memref_squeeze %dma_start3A_276 : memref<1x4x128x64xf32, #tpu.memory_space<vmem>> -> memref<4x128x64xf32, #tpu.memory_space<vmem>>
        %dma_start3A_278 = arith.constant 0 : i32
        %dma_start3A_279 = arith.constant 0 : i32
        %dma_start3A_280 = tpu.memref_slice %dma_start3A_277[%dma_start3A_272, %dma_start3A_278, %dma_start3A_279] : memref<4x128x64xf32, #tpu.memory_space<vmem>> -> memref<1x128x64xf32, #tpu.memory_space<vmem>>
        %dma_start3A_281 = tpu.memref_squeeze %dma_start3A_280 : memref<1x128x64xf32, #tpu.memory_space<vmem>> -> memref<128x64xf32, #tpu.memory_space<vmem>>
        %dma_start3A_282 = arith.constant 0 : i32
        %dma_start3A_283 = tpu.memref_slice %arg8[%add3A_271, %dma_start3A_282] : memref<32x128xi32, #tpu.memory_space<vmem>> -> memref<1x128xi32, #tpu.memory_space<vmem>>
        %dma_start3A_284 = tpu.memref_squeeze %dma_start3A_283 : memref<1x128xi32, #tpu.memory_space<vmem>> -> memref<128xi32, #tpu.memory_space<vmem>>
        %dma_start3A_285 = arith.constant 0 : i32
        %dma_start3A_286 = arith.constant 0 : i32
        %dma_start3A_287 = tpu.memref_slice %arg2[%dma_start3A_285, %dma_start3A_286] : memref<200000x64xf32, #tpu.memory_space<hbm>> -> memref<200000x64xf32, #tpu.memory_space<hbm>>
        tpu.enqueue_indirect_dma source(%dma_start3A_287 : memref<200000x64xf32, #tpu.memory_space<hbm>>) target(%dma_start3A_281 : memref<128x64xf32, #tpu.memory_space<vmem>>) offsets(%dma_start3A_284 : memref<128xi32, #tpu.memory_space<vmem>>) semaphore(%arg11 : memref<!tpu.dma_semaphore, #tpu.memory_space<semaphore_mem>>)
        %mul3A_288 = arith.constant 4 : i32
        %mul3A_289 = arith.muli %add3A_266, %mul3A_288 : i32
        %add3A_290 = arith.constant 1 : i32
        %add3A_291 = arith.addi %mul3A_289, %add3A_290 : i32
        %dma_start3A_292 = arith.constant 1 : i32
        %dma_start3A_293 = arith.constant 0 : i32
        %dma_start3A_294 = arith.constant 0 : i32
        %dma_start3A_295 = arith.constant 0 : i32
        %dma_start3A_296 = tpu.memref_slice %arg10[%sub3A_267, %dma_start3A_293, %dma_start3A_294, %dma_start3A_295] : memref<2x4x128x64xf32, #tpu.memory_space<vmem>> -> memref<1x4x128x64xf32, #tpu.memory_space<vmem>>
        %dma_start3A_297 = tpu.memref_squeeze %dma_start3A_296 : memref<1x4x128x64xf32, #tpu.memory_space<vmem>> -> memref<4x128x64xf32, #tpu.memory_space<vmem>>
        %dma_start3A_298 = arith.constant 0 : i32
        %dma_start3A_299 = arith.constant 0 : i32
        %dma_start3A_300 = tpu.memref_slice %dma_start3A_297[%dma_start3A_292, %dma_start3A_298, %dma_start3A_299] : memref<4x128x64xf32, #tpu.memory_space<vmem>> -> memref<1x128x64xf32, #tpu.memory_space<vmem>>
        %dma_start3A_301 = tpu.memref_squeeze %dma_start3A_300 : memref<1x128x64xf32, #tpu.memory_space<vmem>> -> memref<128x64xf32, #tpu.memory_space<vmem>>
        %dma_start3A_302 = arith.constant 0 : i32
        %dma_start3A_303 = tpu.memref_slice %arg8[%add3A_291, %dma_start3A_302] : memref<32x128xi32, #tpu.memory_space<vmem>> -> memref<1x128xi32, #tpu.memory_space<vmem>>
        %dma_start3A_304 = tpu.memref_squeeze %dma_start3A_303 : memref<1x128xi32, #tpu.memory_space<vmem>> -> memref<128xi32, #tpu.memory_space<vmem>>
        %dma_start3A_305 = arith.constant 0 : i32
        %dma_start3A_306 = arith.constant 0 : i32
        %dma_start3A_307 = tpu.memref_slice %arg2[%dma_start3A_305, %dma_start3A_306] : memref<200000x64xf32, #tpu.memory_space<hbm>> -> memref<200000x64xf32, #tpu.memory_space<hbm>>
        tpu.enqueue_indirect_dma source(%dma_start3A_307 : memref<200000x64xf32, #tpu.memory_space<hbm>>) target(%dma_start3A_301 : memref<128x64xf32, #tpu.memory_space<vmem>>) offsets(%dma_start3A_304 : memref<128xi32, #tpu.memory_space<vmem>>) semaphore(%arg11 : memref<!tpu.dma_semaphore, #tpu.memory_space<semaphore_mem>>)
        %mul3A_308 = arith.constant 4 : i32
        %mul3A_309 = arith.muli %add3A_266, %mul3A_308 : i32
        %add3A_310 = arith.constant 2 : i32
        %add3A_311 = arith.addi %mul3A_309, %add3A_310 : i32
        %dma_start3A_312 = arith.constant 2 : i32
        %dma_start3A_313 = arith.constant 0 : i32
        %dma_start3A_314 = arith.constant 0 : i32
        %dma_start3A_315 = arith.constant 0 : i32
        %dma_start3A_316 = tpu.memref_slice %arg10[%sub3A_267, %dma_start3A_313, %dma_start3A_314, %dma_start3A_315] : memref<2x4x128x64xf32, #tpu.memory_space<vmem>> -> memref<1x4x128x64xf32, #tpu.memory_space<vmem>>
        %dma_start3A_317 = tpu.memref_squeeze %dma_start3A_316 : memref<1x4x128x64xf32, #tpu.memory_space<vmem>> -> memref<4x128x64xf32, #tpu.memory_space<vmem>>
        %dma_start3A_318 = arith.constant 0 : i32
        %dma_start3A_319 = arith.constant 0 : i32
        %dma_start3A_320 = tpu.memref_slice %dma_start3A_317[%dma_start3A_312, %dma_start3A_318, %dma_start3A_319] : memref<4x128x64xf32, #tpu.memory_space<vmem>> -> memref<1x128x64xf32, #tpu.memory_space<vmem>>
        %dma_start3A_321 = tpu.memref_squeeze %dma_start3A_320 : memref<1x128x64xf32, #tpu.memory_space<vmem>> -> memref<128x64xf32, #tpu.memory_space<vmem>>
        %dma_start3A_322 = arith.constant 0 : i32
        %dma_start3A_323 = tpu.memref_slice %arg8[%add3A_311, %dma_start3A_322] : memref<32x128xi32, #tpu.memory_space<vmem>> -> memref<1x128xi32, #tpu.memory_space<vmem>>
        %dma_start3A_324 = tpu.memref_squeeze %dma_start3A_323 : memref<1x128xi32, #tpu.memory_space<vmem>> -> memref<128xi32, #tpu.memory_space<vmem>>
        %dma_start3A_325 = arith.constant 0 : i32
        %dma_start3A_326 = arith.constant 0 : i32
        %dma_start3A_327 = tpu.memref_slice %arg2[%dma_start3A_325, %dma_start3A_326] : memref<200000x64xf32, #tpu.memory_space<hbm>> -> memref<200000x64xf32, #tpu.memory_space<hbm>>
        tpu.enqueue_indirect_dma source(%dma_start3A_327 : memref<200000x64xf32, #tpu.memory_space<hbm>>) target(%dma_start3A_321 : memref<128x64xf32, #tpu.memory_space<vmem>>) offsets(%dma_start3A_324 : memref<128xi32, #tpu.memory_space<vmem>>) semaphore(%arg11 : memref<!tpu.dma_semaphore, #tpu.memory_space<semaphore_mem>>)
        %mul3A_328 = arith.constant 4 : i32
        %mul3A_329 = arith.muli %add3A_266, %mul3A_328 : i32
        %add3A_330 = arith.constant 3 : i32
        %add3A_331 = arith.addi %mul3A_329, %add3A_330 : i32
        %dma_start3A_332 = arith.constant 3 : i32
        %dma_start3A_333 = arith.constant 0 : i32
        %dma_start3A_334 = arith.constant 0 : i32
        %dma_start3A_335 = arith.constant 0 : i32
        %dma_start3A_336 = tpu.memref_slice %arg10[%sub3A_267, %dma_start3A_333, %dma_start3A_334, %dma_start3A_335] : memref<2x4x128x64xf32, #tpu.memory_space<vmem>> -> memref<1x4x128x64xf32, #tpu.memory_space<vmem>>
        %dma_start3A_337 = tpu.memref_squeeze %dma_start3A_336 : memref<1x4x128x64xf32, #tpu.memory_space<vmem>> -> memref<4x128x64xf32, #tpu.memory_space<vmem>>
        %dma_start3A_338 = arith.constant 0 : i32
        %dma_start3A_339 = arith.constant 0 : i32
        %dma_start3A_340 = tpu.memref_slice %dma_start3A_337[%dma_start3A_332, %dma_start3A_338, %dma_start3A_339] : memref<4x128x64xf32, #tpu.memory_space<vmem>> -> memref<1x128x64xf32, #tpu.memory_space<vmem>>
        %dma_start3A_341 = tpu.memref_squeeze %dma_start3A_340 : memref<1x128x64xf32, #tpu.memory_space<vmem>> -> memref<128x64xf32, #tpu.memory_space<vmem>>
        %dma_start3A_342 = arith.constant 0 : i32
        %dma_start3A_343 = tpu.memref_slice %arg8[%add3A_331, %dma_start3A_342] : memref<32x128xi32, #tpu.memory_space<vmem>> -> memref<1x128xi32, #tpu.memory_space<vmem>>
        %dma_start3A_344 = tpu.memref_squeeze %dma_start3A_343 : memref<1x128xi32, #tpu.memory_space<vmem>> -> memref<128xi32, #tpu.memory_space<vmem>>
        %dma_start3A_345 = arith.constant 0 : i32
        %dma_start3A_346 = arith.constant 0 : i32
        %dma_start3A_347 = tpu.memref_slice %arg2[%dma_start3A_345, %dma_start3A_346] : memref<200000x64xf32, #tpu.memory_space<hbm>> -> memref<200000x64xf32, #tpu.memory_space<hbm>>
        tpu.enqueue_indirect_dma source(%dma_start3A_347 : memref<200000x64xf32, #tpu.memory_space<hbm>>) target(%dma_start3A_341 : memref<128x64xf32, #tpu.memory_space<vmem>>) offsets(%dma_start3A_344 : memref<128xi32, #tpu.memory_space<vmem>>) semaphore(%arg11 : memref<!tpu.dma_semaphore, #tpu.memory_space<semaphore_mem>>)
      } else {
      }
      %mul3A_170 = arith.constant 4 : i32
      %mul3A_171 = arith.muli %scan3A_163, %mul3A_170 : i32
      %add3A_172 = arith.constant 0 : i32
      %add3A_173 = arith.addi %mul3A_171, %add3A_172 : i32
      %dma_wait3A = arith.constant 0 : i32
      %dma_wait3A_174 = arith.constant 0 : i32
      %dma_wait3A_175 = arith.constant 0 : i32
      %dma_wait3A_176 = arith.constant 0 : i32
      %dma_wait3A_177 = tpu.memref_slice %arg10[%rem3A_165, %dma_wait3A_174, %dma_wait3A_175, %dma_wait3A_176] : memref<2x4x128x64xf32, #tpu.memory_space<vmem>> -> memref<1x4x128x64xf32, #tpu.memory_space<vmem>>
      %dma_wait3A_178 = tpu.memref_squeeze %dma_wait3A_177 : memref<1x4x128x64xf32, #tpu.memory_space<vmem>> -> memref<4x128x64xf32, #tpu.memory_space<vmem>>
      %dma_wait3A_179 = arith.constant 0 : i32
      %dma_wait3A_180 = arith.constant 0 : i32
      %dma_wait3A_181 = tpu.memref_slice %dma_wait3A_178[%dma_wait3A, %dma_wait3A_179, %dma_wait3A_180] : memref<4x128x64xf32, #tpu.memory_space<vmem>> -> memref<1x128x64xf32, #tpu.memory_space<vmem>>
      %dma_wait3A_182 = tpu.memref_squeeze %dma_wait3A_181 : memref<1x128x64xf32, #tpu.memory_space<vmem>> -> memref<128x64xf32, #tpu.memory_space<vmem>>
      %dma_wait3A_183 = arith.constant 0 : i32
      %dma_wait3A_184 = tpu.memref_slice %arg8[%add3A_173, %dma_wait3A_183] : memref<32x128xi32, #tpu.memory_space<vmem>> -> memref<1x128xi32, #tpu.memory_space<vmem>>
      %dma_wait3A_185 = tpu.memref_squeeze %dma_wait3A_184 : memref<1x128xi32, #tpu.memory_space<vmem>> -> memref<128xi32, #tpu.memory_space<vmem>>
      %dma_wait3A_186 = arith.constant 0 : i32
      %dma_wait3A_187 = arith.constant 0 : i32
      %dma_wait3A_188 = tpu.memref_slice %arg2[%dma_wait3A_186, %dma_wait3A_187] : memref<200000x64xf32, #tpu.memory_space<hbm>> -> memref<200000x64xf32, #tpu.memory_space<hbm>>
      tpu.wait_indirect_dma semaphore(%arg11 : memref<!tpu.dma_semaphore, #tpu.memory_space<semaphore_mem>>) src(%dma_wait3A_188 : memref<200000x64xf32, #tpu.memory_space<hbm>>) dst(%dma_wait3A_182 : memref<128x64xf32, #tpu.memory_space<vmem>>)
      %mul3A_189 = arith.constant 128 : i32
      %mul3A_190 = arith.muli %add3A_173, %mul3A_189 : i32
      %add3A_191 = arith.addi %mul3A_2, %mul3A_190 : i32
      %run_scoped3A = arith.constant 0 : i32
      "tpu.region"() ({
        %run_scoped3A_265 = tpu.sem_alloc : memref<!tpu.dma_semaphore, #tpu.memory_space<semaphore_mem>>
        %dma_start3A_266 = arith.constant 0 : i32
        %dma_start3A_267 = arith.constant 0 : i32
        %dma_start3A_268 = arith.constant 0 : i32
        %dma_start3A_269 = tpu.memref_slice %arg10[%rem3A_165, %dma_start3A_266, %dma_start3A_267, %dma_start3A_268] : memref<2x4x128x64xf32, #tpu.memory_space<vmem>> -> memref<1x4x128x64xf32, #tpu.memory_space<vmem>>
        %dma_start3A_270 = tpu.memref_squeeze %dma_start3A_269 : memref<1x4x128x64xf32, #tpu.memory_space<vmem>> -> memref<4x128x64xf32, #tpu.memory_space<vmem>>
        %dma_start3A_271 = arith.constant 0 : i32
        %dma_start3A_272 = arith.constant 0 : i32
        %dma_start3A_273 = tpu.memref_slice %dma_start3A_270[%run_scoped3A, %dma_start3A_271, %dma_start3A_272] : memref<4x128x64xf32, #tpu.memory_space<vmem>> -> memref<1x128x64xf32, #tpu.memory_space<vmem>>
        %dma_start3A_274 = tpu.memref_squeeze %dma_start3A_273 : memref<1x128x64xf32, #tpu.memory_space<vmem>> -> memref<128x64xf32, #tpu.memory_space<vmem>>
        %dma_start3A_275 = arith.constant 0 : i32
        %dma_start3A_276 = tpu.memref_slice %arg6[%add3A_191, %dma_start3A_275] : memref<131072x64xf32, #tpu.memory_space<hbm>> -> memref<128x64xf32, #tpu.memory_space<hbm>>
        %dma_start3A_277 = arith.constant 0 : i32
        %dma_start3A_278 = tpu.memref_slice %arg6[%add3A_191, %dma_start3A_277] : memref<131072x64xf32, #tpu.memory_space<hbm>> -> memref<128x64xf32, #tpu.memory_space<hbm>>
        %dma_start3A_279 = arith.constant 0 : i32
        %dma_start3A_280 = arith.constant 0 : i32
        %dma_start3A_281 = arith.constant 0 : i32
        %dma_start3A_282 = tpu.memref_slice %arg10[%rem3A_165, %dma_start3A_279, %dma_start3A_280, %dma_start3A_281] : memref<2x4x128x64xf32, #tpu.memory_space<vmem>> -> memref<1x4x128x64xf32, #tpu.memory_space<vmem>>
        %dma_start3A_283 = tpu.memref_squeeze %dma_start3A_282 : memref<1x4x128x64xf32, #tpu.memory_space<vmem>> -> memref<4x128x64xf32, #tpu.memory_space<vmem>>
        %dma_start3A_284 = arith.constant 0 : i32
        %dma_start3A_285 = arith.constant 0 : i32
        %dma_start3A_286 = tpu.memref_slice %dma_start3A_283[%run_scoped3A, %dma_start3A_284, %dma_start3A_285] : memref<4x128x64xf32, #tpu.memory_space<vmem>> -> memref<1x128x64xf32, #tpu.memory_space<vmem>>
        %dma_start3A_287 = tpu.memref_squeeze %dma_start3A_286 : memref<1x128x64xf32, #tpu.memory_space<vmem>> -> memref<128x64xf32, #tpu.memory_space<vmem>>
        tpu.enqueue_dma source(%dma_start3A_287 : memref<128x64xf32, #tpu.memory_space<vmem>>) target(%dma_start3A_278 : memref<128x64xf32, #tpu.memory_space<hbm>>) target_semaphore(%run_scoped3A_265 : memref<!tpu.dma_semaphore, #tpu.memory_space<semaphore_mem>>)
        %dma_wait3A_288 = arith.constant 0 : i32
        %dma_wait3A_289 = arith.constant 0 : i32
        %dma_wait3A_290 = arith.constant 0 : i32
        %dma_wait3A_291 = tpu.memref_slice %arg10[%rem3A_165, %dma_wait3A_288, %dma_wait3A_289, %dma_wait3A_290] : memref<2x4x128x64xf32, #tpu.memory_space<vmem>> -> memref<1x4x128x64xf32, #tpu.memory_space<vmem>>
        %dma_wait3A_292 = tpu.memref_squeeze %dma_wait3A_291 : memref<1x4x128x64xf32, #tpu.memory_space<vmem>> -> memref<4x128x64xf32, #tpu.memory_space<vmem>>
        %dma_wait3A_293 = arith.constant 0 : i32
        %dma_wait3A_294 = arith.constant 0 : i32
        %dma_wait3A_295 = tpu.memref_slice %dma_wait3A_292[%run_scoped3A, %dma_wait3A_293, %dma_wait3A_294] : memref<4x128x64xf32, #tpu.memory_space<vmem>> -> memref<1x128x64xf32, #tpu.memory_space<vmem>>
        %dma_wait3A_296 = tpu.memref_squeeze %dma_wait3A_295 : memref<1x128x64xf32, #tpu.memory_space<vmem>> -> memref<128x64xf32, #tpu.memory_space<vmem>>
        %dma_wait3A_297 = arith.constant 0 : i32
        %dma_wait3A_298 = tpu.memref_slice %arg6[%add3A_191, %dma_wait3A_297] : memref<131072x64xf32, #tpu.memory_space<hbm>> -> memref<128x64xf32, #tpu.memory_space<hbm>>
        %dma_wait3A_299 = arith.constant 0 : i32
        %dma_wait3A_300 = tpu.memref_slice %arg6[%add3A_191, %dma_wait3A_299] : memref<131072x64xf32, #tpu.memory_space<hbm>> -> memref<128x64xf32, #tpu.memory_space<hbm>>
        %dma_wait3A_301 = arith.constant 0 : i32
        %dma_wait3A_302 = arith.constant 0 : i32
        %dma_wait3A_303 = arith.constant 0 : i32
        %dma_wait3A_304 = tpu.memref_slice %arg10[%rem3A_165, %dma_wait3A_301, %dma_wait3A_302, %dma_wait3A_303] : memref<2x4x128x64xf32, #tpu.memory_space<vmem>> -> memref<1x4x128x64xf32, #tpu.memory_space<vmem>>
        %dma_wait3A_305 = tpu.memref_squeeze %dma_wait3A_304 : memref<1x4x128x64xf32, #tpu.memory_space<vmem>> -> memref<4x128x64xf32, #tpu.memory_space<vmem>>
        %dma_wait3A_306 = arith.constant 0 : i32
        %dma_wait3A_307 = arith.constant 0 : i32
        %dma_wait3A_308 = tpu.memref_slice %dma_wait3A_305[%run_scoped3A, %dma_wait3A_306, %dma_wait3A_307] : memref<4x128x64xf32, #tpu.memory_space<vmem>> -> memref<1x128x64xf32, #tpu.memory_space<vmem>>
        %dma_wait3A_309 = tpu.memref_squeeze %dma_wait3A_308 : memref<1x128x64xf32, #tpu.memory_space<vmem>> -> memref<128x64xf32, #tpu.memory_space<vmem>>
        tpu.wait_dma2 semaphore(%run_scoped3A_265 : memref<!tpu.dma_semaphore, #tpu.memory_space<semaphore_mem>>) src(%dma_wait3A_309 : memref<128x64xf32, #tpu.memory_space<vmem>>) dst(%dma_wait3A_300 : memref<128x64xf32, #tpu.memory_space<hbm>>)
        tpu.yield
      }) : () -> ()
      %mul3A_192 = arith.constant 4 : i32
      %mul3A_193 = arith.muli %scan3A_163, %mul3A_192 : i32
      %add3A_194 = arith.constant 1 : i32
      %add3A_195 = arith.addi %mul3A_193, %add3A_194 : i32
      %dma_wait3A_196 = arith.constant 1 : i32
      %dma_wait3A_197 = arith.constant 0 : i32
      %dma_wait3A_198 = arith.constant 0 : i32
      %dma_wait3A_199 = arith.constant 0 : i32
      %dma_wait3A_200 = tpu.memref_slice %arg10[%rem3A_165, %dma_wait3A_197, %dma_wait3A_198, %dma_wait3A_199] : memref<2x4x128x64xf32, #tpu.memory_space<vmem>> -> memref<1x4x128x64xf32, #tpu.memory_space<vmem>>
      %dma_wait3A_201 = tpu.memref_squeeze %dma_wait3A_200 : memref<1x4x128x64xf32, #tpu.memory_space<vmem>> -> memref<4x128x64xf32, #tpu.memory_space<vmem>>
      %dma_wait3A_202 = arith.constant 0 : i32
      %dma_wait3A_203 = arith.constant 0 : i32
      %dma_wait3A_204 = tpu.memref_slice %dma_wait3A_201[%dma_wait3A_196, %dma_wait3A_202, %dma_wait3A_203] : memref<4x128x64xf32, #tpu.memory_space<vmem>> -> memref<1x128x64xf32, #tpu.memory_space<vmem>>
      %dma_wait3A_205 = tpu.memref_squeeze %dma_wait3A_204 : memref<1x128x64xf32, #tpu.memory_space<vmem>> -> memref<128x64xf32, #tpu.memory_space<vmem>>
      %dma_wait3A_206 = arith.constant 0 : i32
      %dma_wait3A_207 = tpu.memref_slice %arg8[%add3A_195, %dma_wait3A_206] : memref<32x128xi32, #tpu.memory_space<vmem>> -> memref<1x128xi32, #tpu.memory_space<vmem>>
      %dma_wait3A_208 = tpu.memref_squeeze %dma_wait3A_207 : memref<1x128xi32, #tpu.memory_space<vmem>> -> memref<128xi32, #tpu.memory_space<vmem>>
      %dma_wait3A_209 = arith.constant 0 : i32
      %dma_wait3A_210 = arith.constant 0 : i32
      %dma_wait3A_211 = tpu.memref_slice %arg2[%dma_wait3A_209, %dma_wait3A_210] : memref<200000x64xf32, #tpu.memory_space<hbm>> -> memref<200000x64xf32, #tpu.memory_space<hbm>>
      tpu.wait_indirect_dma semaphore(%arg11 : memref<!tpu.dma_semaphore, #tpu.memory_space<semaphore_mem>>) src(%dma_wait3A_211 : memref<200000x64xf32, #tpu.memory_space<hbm>>) dst(%dma_wait3A_205 : memref<128x64xf32, #tpu.memory_space<vmem>>)
      %mul3A_212 = arith.constant 128 : i32
      %mul3A_213 = arith.muli %add3A_195, %mul3A_212 : i32
      %add3A_214 = arith.addi %mul3A_2, %mul3A_213 : i32
      %run_scoped3A_215 = arith.constant 1 : i32
      "tpu.region"() ({
        %run_scoped3A_265 = tpu.sem_alloc : memref<!tpu.dma_semaphore, #tpu.memory_space<semaphore_mem>>
        %dma_start3A_266 = arith.constant 0 : i32
        %dma_start3A_267 = arith.constant 0 : i32
        %dma_start3A_268 = arith.constant 0 : i32
        %dma_start3A_269 = tpu.memref_slice %arg10[%rem3A_165, %dma_start3A_266, %dma_start3A_267, %dma_start3A_268] : memref<2x4x128x64xf32, #tpu.memory_space<vmem>> -> memref<1x4x128x64xf32, #tpu.memory_space<vmem>>
        %dma_start3A_270 = tpu.memref_squeeze %dma_start3A_269 : memref<1x4x128x64xf32, #tpu.memory_space<vmem>> -> memref<4x128x64xf32, #tpu.memory_space<vmem>>
        %dma_start3A_271 = arith.constant 0 : i32
        %dma_start3A_272 = arith.constant 0 : i32
        %dma_start3A_273 = tpu.memref_slice %dma_start3A_270[%run_scoped3A_215, %dma_start3A_271, %dma_start3A_272] : memref<4x128x64xf32, #tpu.memory_space<vmem>> -> memref<1x128x64xf32, #tpu.memory_space<vmem>>
        %dma_start3A_274 = tpu.memref_squeeze %dma_start3A_273 : memref<1x128x64xf32, #tpu.memory_space<vmem>> -> memref<128x64xf32, #tpu.memory_space<vmem>>
        %dma_start3A_275 = arith.constant 0 : i32
        %dma_start3A_276 = tpu.memref_slice %arg6[%add3A_214, %dma_start3A_275] : memref<131072x64xf32, #tpu.memory_space<hbm>> -> memref<128x64xf32, #tpu.memory_space<hbm>>
        %dma_start3A_277 = arith.constant 0 : i32
        %dma_start3A_278 = tpu.memref_slice %arg6[%add3A_214, %dma_start3A_277] : memref<131072x64xf32, #tpu.memory_space<hbm>> -> memref<128x64xf32, #tpu.memory_space<hbm>>
        %dma_start3A_279 = arith.constant 0 : i32
        %dma_start3A_280 = arith.constant 0 : i32
        %dma_start3A_281 = arith.constant 0 : i32
        %dma_start3A_282 = tpu.memref_slice %arg10[%rem3A_165, %dma_start3A_279, %dma_start3A_280, %dma_start3A_281] : memref<2x4x128x64xf32, #tpu.memory_space<vmem>> -> memref<1x4x128x64xf32, #tpu.memory_space<vmem>>
        %dma_start3A_283 = tpu.memref_squeeze %dma_start3A_282 : memref<1x4x128x64xf32, #tpu.memory_space<vmem>> -> memref<4x128x64xf32, #tpu.memory_space<vmem>>
        %dma_start3A_284 = arith.constant 0 : i32
        %dma_start3A_285 = arith.constant 0 : i32
        %dma_start3A_286 = tpu.memref_slice %dma_start3A_283[%run_scoped3A_215, %dma_start3A_284, %dma_start3A_285] : memref<4x128x64xf32, #tpu.memory_space<vmem>> -> memref<1x128x64xf32, #tpu.memory_space<vmem>>
        %dma_start3A_287 = tpu.memref_squeeze %dma_start3A_286 : memref<1x128x64xf32, #tpu.memory_space<vmem>> -> memref<128x64xf32, #tpu.memory_space<vmem>>
        tpu.enqueue_dma source(%dma_start3A_287 : memref<128x64xf32, #tpu.memory_space<vmem>>) target(%dma_start3A_278 : memref<128x64xf32, #tpu.memory_space<hbm>>) target_semaphore(%run_scoped3A_265 : memref<!tpu.dma_semaphore, #tpu.memory_space<semaphore_mem>>)
        %dma_wait3A_288 = arith.constant 0 : i32
        %dma_wait3A_289 = arith.constant 0 : i32
        %dma_wait3A_290 = arith.constant 0 : i32
        %dma_wait3A_291 = tpu.memref_slice %arg10[%rem3A_165, %dma_wait3A_288, %dma_wait3A_289, %dma_wait3A_290] : memref<2x4x128x64xf32, #tpu.memory_space<vmem>> -> memref<1x4x128x64xf32, #tpu.memory_space<vmem>>
        %dma_wait3A_292 = tpu.memref_squeeze %dma_wait3A_291 : memref<1x4x128x64xf32, #tpu.memory_space<vmem>> -> memref<4x128x64xf32, #tpu.memory_space<vmem>>
        %dma_wait3A_293 = arith.constant 0 : i32
        %dma_wait3A_294 = arith.constant 0 : i32
        %dma_wait3A_295 = tpu.memref_slice %dma_wait3A_292[%run_scoped3A_215, %dma_wait3A_293, %dma_wait3A_294] : memref<4x128x64xf32, #tpu.memory_space<vmem>> -> memref<1x128x64xf32, #tpu.memory_space<vmem>>
        %dma_wait3A_296 = tpu.memref_squeeze %dma_wait3A_295 : memref<1x128x64xf32, #tpu.memory_space<vmem>> -> memref<128x64xf32, #tpu.memory_space<vmem>>
        %dma_wait3A_297 = arith.constant 0 : i32
        %dma_wait3A_298 = tpu.memref_slice %arg6[%add3A_214, %dma_wait3A_297] : memref<131072x64xf32, #tpu.memory_space<hbm>> -> memref<128x64xf32, #tpu.memory_space<hbm>>
        %dma_wait3A_299 = arith.constant 0 : i32
        %dma_wait3A_300 = tpu.memref_slice %arg6[%add3A_214, %dma_wait3A_299] : memref<131072x64xf32, #tpu.memory_space<hbm>> -> memref<128x64xf32, #tpu.memory_space<hbm>>
        %dma_wait3A_301 = arith.constant 0 : i32
        %dma_wait3A_302 = arith.constant 0 : i32
        %dma_wait3A_303 = arith.constant 0 : i32
        %dma_wait3A_304 = tpu.memref_slice %arg10[%rem3A_165, %dma_wait3A_301, %dma_wait3A_302, %dma_wait3A_303] : memref<2x4x128x64xf32, #tpu.memory_space<vmem>> -> memref<1x4x128x64xf32, #tpu.memory_space<vmem>>
        %dma_wait3A_305 = tpu.memref_squeeze %dma_wait3A_304 : memref<1x4x128x64xf32, #tpu.memory_space<vmem>> -> memref<4x128x64xf32, #tpu.memory_space<vmem>>
        %dma_wait3A_306 = arith.constant 0 : i32
        %dma_wait3A_307 = arith.constant 0 : i32
        %dma_wait3A_308 = tpu.memref_slice %dma_wait3A_305[%run_scoped3A_215, %dma_wait3A_306, %dma_wait3A_307] : memref<4x128x64xf32, #tpu.memory_space<vmem>> -> memref<1x128x64xf32, #tpu.memory_space<vmem>>
        %dma_wait3A_309 = tpu.memref_squeeze %dma_wait3A_308 : memref<1x128x64xf32, #tpu.memory_space<vmem>> -> memref<128x64xf32, #tpu.memory_space<vmem>>
        tpu.wait_dma2 semaphore(%run_scoped3A_265 : memref<!tpu.dma_semaphore, #tpu.memory_space<semaphore_mem>>) src(%dma_wait3A_309 : memref<128x64xf32, #tpu.memory_space<vmem>>) dst(%dma_wait3A_300 : memref<128x64xf32, #tpu.memory_space<hbm>>)
        tpu.yield
      }) : () -> ()
      %mul3A_216 = arith.constant 4 : i32
      %mul3A_217 = arith.muli %scan3A_163, %mul3A_216 : i32
      %add3A_218 = arith.constant 2 : i32
      %add3A_219 = arith.addi %mul3A_217, %add3A_218 : i32
      %dma_wait3A_220 = arith.constant 2 : i32
      %dma_wait3A_221 = arith.constant 0 : i32
      %dma_wait3A_222 = arith.constant 0 : i32
      %dma_wait3A_223 = arith.constant 0 : i32
      %dma_wait3A_224 = tpu.memref_slice %arg10[%rem3A_165, %dma_wait3A_221, %dma_wait3A_222, %dma_wait3A_223] : memref<2x4x128x64xf32, #tpu.memory_space<vmem>> -> memref<1x4x128x64xf32, #tpu.memory_space<vmem>>
      %dma_wait3A_225 = tpu.memref_squeeze %dma_wait3A_224 : memref<1x4x128x64xf32, #tpu.memory_space<vmem>> -> memref<4x128x64xf32, #tpu.memory_space<vmem>>
      %dma_wait3A_226 = arith.constant 0 : i32
      %dma_wait3A_227 = arith.constant 0 : i32
      %dma_wait3A_228 = tpu.memref_slice %dma_wait3A_225[%dma_wait3A_220, %dma_wait3A_226, %dma_wait3A_227] : memref<4x128x64xf32, #tpu.memory_space<vmem>> -> memref<1x128x64xf32, #tpu.memory_space<vmem>>
      %dma_wait3A_229 = tpu.memref_squeeze %dma_wait3A_228 : memref<1x128x64xf32, #tpu.memory_space<vmem>> -> memref<128x64xf32, #tpu.memory_space<vmem>>
      %dma_wait3A_230 = arith.constant 0 : i32
      %dma_wait3A_231 = tpu.memref_slice %arg8[%add3A_219, %dma_wait3A_230] : memref<32x128xi32, #tpu.memory_space<vmem>> -> memref<1x128xi32, #tpu.memory_space<vmem>>
      %dma_wait3A_232 = tpu.memref_squeeze %dma_wait3A_231 : memref<1x128xi32, #tpu.memory_space<vmem>> -> memref<128xi32, #tpu.memory_space<vmem>>
      %dma_wait3A_233 = arith.constant 0 : i32
      %dma_wait3A_234 = arith.constant 0 : i32
      %dma_wait3A_235 = tpu.memref_slice %arg2[%dma_wait3A_233, %dma_wait3A_234] : memref<200000x64xf32, #tpu.memory_space<hbm>> -> memref<200000x64xf32, #tpu.memory_space<hbm>>
      tpu.wait_indirect_dma semaphore(%arg11 : memref<!tpu.dma_semaphore, #tpu.memory_space<semaphore_mem>>) src(%dma_wait3A_235 : memref<200000x64xf32, #tpu.memory_space<hbm>>) dst(%dma_wait3A_229 : memref<128x64xf32, #tpu.memory_space<vmem>>)
      %mul3A_236 = arith.constant 128 : i32
      %mul3A_237 = arith.muli %add3A_219, %mul3A_236 : i32
      %add3A_238 = arith.addi %mul3A_2, %mul3A_237 : i32
      %run_scoped3A_239 = arith.constant 2 : i32
      "tpu.region"() ({
        %run_scoped3A_265 = tpu.sem_alloc : memref<!tpu.dma_semaphore, #tpu.memory_space<semaphore_mem>>
        %dma_start3A_266 = arith.constant 0 : i32
        %dma_start3A_267 = arith.constant 0 : i32
        %dma_start3A_268 = arith.constant 0 : i32
        %dma_start3A_269 = tpu.memref_slice %arg10[%rem3A_165, %dma_start3A_266, %dma_start3A_267, %dma_start3A_268] : memref<2x4x128x64xf32, #tpu.memory_space<vmem>> -> memref<1x4x128x64xf32, #tpu.memory_space<vmem>>
        %dma_start3A_270 = tpu.memref_squeeze %dma_start3A_269 : memref<1x4x128x64xf32, #tpu.memory_space<vmem>> -> memref<4x128x64xf32, #tpu.memory_space<vmem>>
        %dma_start3A_271 = arith.constant 0 : i32
        %dma_start3A_272 = arith.constant 0 : i32
        %dma_start3A_273 = tpu.memref_slice %dma_start3A_270[%run_scoped3A_239, %dma_start3A_271, %dma_start3A_272] : memref<4x128x64xf32, #tpu.memory_space<vmem>> -> memref<1x128x64xf32, #tpu.memory_space<vmem>>
        %dma_start3A_274 = tpu.memref_squeeze %dma_start3A_273 : memref<1x128x64xf32, #tpu.memory_space<vmem>> -> memref<128x64xf32, #tpu.memory_space<vmem>>
        %dma_start3A_275 = arith.constant 0 : i32
        %dma_start3A_276 = tpu.memref_slice %arg6[%add3A_238, %dma_start3A_275] : memref<131072x64xf32, #tpu.memory_space<hbm>> -> memref<128x64xf32, #tpu.memory_space<hbm>>
        %dma_start3A_277 = arith.constant 0 : i32
        %dma_start3A_278 = tpu.memref_slice %arg6[%add3A_238, %dma_start3A_277] : memref<131072x64xf32, #tpu.memory_space<hbm>> -> memref<128x64xf32, #tpu.memory_space<hbm>>
        %dma_start3A_279 = arith.constant 0 : i32
        %dma_start3A_280 = arith.constant 0 : i32
        %dma_start3A_281 = arith.constant 0 : i32
        %dma_start3A_282 = tpu.memref_slice %arg10[%rem3A_165, %dma_start3A_279, %dma_start3A_280, %dma_start3A_281] : memref<2x4x128x64xf32, #tpu.memory_space<vmem>> -> memref<1x4x128x64xf32, #tpu.memory_space<vmem>>
        %dma_start3A_283 = tpu.memref_squeeze %dma_start3A_282 : memref<1x4x128x64xf32, #tpu.memory_space<vmem>> -> memref<4x128x64xf32, #tpu.memory_space<vmem>>
        %dma_start3A_284 = arith.constant 0 : i32
        %dma_start3A_285 = arith.constant 0 : i32
        %dma_start3A_286 = tpu.memref_slice %dma_start3A_283[%run_scoped3A_239, %dma_start3A_284, %dma_start3A_285] : memref<4x128x64xf32, #tpu.memory_space<vmem>> -> memref<1x128x64xf32, #tpu.memory_space<vmem>>
        %dma_start3A_287 = tpu.memref_squeeze %dma_start3A_286 : memref<1x128x64xf32, #tpu.memory_space<vmem>> -> memref<128x64xf32, #tpu.memory_space<vmem>>
        tpu.enqueue_dma source(%dma_start3A_287 : memref<128x64xf32, #tpu.memory_space<vmem>>) target(%dma_start3A_278 : memref<128x64xf32, #tpu.memory_space<hbm>>) target_semaphore(%run_scoped3A_265 : memref<!tpu.dma_semaphore, #tpu.memory_space<semaphore_mem>>)
        %dma_wait3A_288 = arith.constant 0 : i32
        %dma_wait3A_289 = arith.constant 0 : i32
        %dma_wait3A_290 = arith.constant 0 : i32
        %dma_wait3A_291 = tpu.memref_slice %arg10[%rem3A_165, %dma_wait3A_288, %dma_wait3A_289, %dma_wait3A_290] : memref<2x4x128x64xf32, #tpu.memory_space<vmem>> -> memref<1x4x128x64xf32, #tpu.memory_space<vmem>>
        %dma_wait3A_292 = tpu.memref_squeeze %dma_wait3A_291 : memref<1x4x128x64xf32, #tpu.memory_space<vmem>> -> memref<4x128x64xf32, #tpu.memory_space<vmem>>
        %dma_wait3A_293 = arith.constant 0 : i32
        %dma_wait3A_294 = arith.constant 0 : i32
        %dma_wait3A_295 = tpu.memref_slice %dma_wait3A_292[%run_scoped3A_239, %dma_wait3A_293, %dma_wait3A_294] : memref<4x128x64xf32, #tpu.memory_space<vmem>> -> memref<1x128x64xf32, #tpu.memory_space<vmem>>
        %dma_wait3A_296 = tpu.memref_squeeze %dma_wait3A_295 : memref<1x128x64xf32, #tpu.memory_space<vmem>> -> memref<128x64xf32, #tpu.memory_space<vmem>>
        %dma_wait3A_297 = arith.constant 0 : i32
        %dma_wait3A_298 = tpu.memref_slice %arg6[%add3A_238, %dma_wait3A_297] : memref<131072x64xf32, #tpu.memory_space<hbm>> -> memref<128x64xf32, #tpu.memory_space<hbm>>
        %dma_wait3A_299 = arith.constant 0 : i32
        %dma_wait3A_300 = tpu.memref_slice %arg6[%add3A_238, %dma_wait3A_299] : memref<131072x64xf32, #tpu.memory_space<hbm>> -> memref<128x64xf32, #tpu.memory_space<hbm>>
        %dma_wait3A_301 = arith.constant 0 : i32
        %dma_wait3A_302 = arith.constant 0 : i32
        %dma_wait3A_303 = arith.constant 0 : i32
        %dma_wait3A_304 = tpu.memref_slice %arg10[%rem3A_165, %dma_wait3A_301, %dma_wait3A_302, %dma_wait3A_303] : memref<2x4x128x64xf32, #tpu.memory_space<vmem>> -> memref<1x4x128x64xf32, #tpu.memory_space<vmem>>
        %dma_wait3A_305 = tpu.memref_squeeze %dma_wait3A_304 : memref<1x4x128x64xf32, #tpu.memory_space<vmem>> -> memref<4x128x64xf32, #tpu.memory_space<vmem>>
        %dma_wait3A_306 = arith.constant 0 : i32
        %dma_wait3A_307 = arith.constant 0 : i32
        %dma_wait3A_308 = tpu.memref_slice %dma_wait3A_305[%run_scoped3A_239, %dma_wait3A_306, %dma_wait3A_307] : memref<4x128x64xf32, #tpu.memory_space<vmem>> -> memref<1x128x64xf32, #tpu.memory_space<vmem>>
        %dma_wait3A_309 = tpu.memref_squeeze %dma_wait3A_308 : memref<1x128x64xf32, #tpu.memory_space<vmem>> -> memref<128x64xf32, #tpu.memory_space<vmem>>
        tpu.wait_dma2 semaphore(%run_scoped3A_265 : memref<!tpu.dma_semaphore, #tpu.memory_space<semaphore_mem>>) src(%dma_wait3A_309 : memref<128x64xf32, #tpu.memory_space<vmem>>) dst(%dma_wait3A_300 : memref<128x64xf32, #tpu.memory_space<hbm>>)
        tpu.yield
      }) : () -> ()
      %mul3A_240 = arith.constant 4 : i32
      %mul3A_241 = arith.muli %scan3A_163, %mul3A_240 : i32
      %add3A_242 = arith.constant 3 : i32
      %add3A_243 = arith.addi %mul3A_241, %add3A_242 : i32
      %dma_wait3A_244 = arith.constant 3 : i32
      %dma_wait3A_245 = arith.constant 0 : i32
      %dma_wait3A_246 = arith.constant 0 : i32
      %dma_wait3A_247 = arith.constant 0 : i32
      %dma_wait3A_248 = tpu.memref_slice %arg10[%rem3A_165, %dma_wait3A_245, %dma_wait3A_246, %dma_wait3A_247] : memref<2x4x128x64xf32, #tpu.memory_space<vmem>> -> memref<1x4x128x64xf32, #tpu.memory_space<vmem>>
      %dma_wait3A_249 = tpu.memref_squeeze %dma_wait3A_248 : memref<1x4x128x64xf32, #tpu.memory_space<vmem>> -> memref<4x128x64xf32, #tpu.memory_space<vmem>>
      %dma_wait3A_250 = arith.constant 0 : i32
      %dma_wait3A_251 = arith.constant 0 : i32
      %dma_wait3A_252 = tpu.memref_slice %dma_wait3A_249[%dma_wait3A_244, %dma_wait3A_250, %dma_wait3A_251] : memref<4x128x64xf32, #tpu.memory_space<vmem>> -> memref<1x128x64xf32, #tpu.memory_space<vmem>>
      %dma_wait3A_253 = tpu.memref_squeeze %dma_wait3A_252 : memref<1x128x64xf32, #tpu.memory_space<vmem>> -> memref<128x64xf32, #tpu.memory_space<vmem>>
      %dma_wait3A_254 = arith.constant 0 : i32
      %dma_wait3A_255 = tpu.memref_slice %arg8[%add3A_243, %dma_wait3A_254] : memref<32x128xi32, #tpu.memory_space<vmem>> -> memref<1x128xi32, #tpu.memory_space<vmem>>
      %dma_wait3A_256 = tpu.memref_squeeze %dma_wait3A_255 : memref<1x128xi32, #tpu.memory_space<vmem>> -> memref<128xi32, #tpu.memory_space<vmem>>
      %dma_wait3A_257 = arith.constant 0 : i32
      %dma_wait3A_258 = arith.constant 0 : i32
      %dma_wait3A_259 = tpu.memref_slice %arg2[%dma_wait3A_257, %dma_wait3A_258] : memref<200000x64xf32, #tpu.memory_space<hbm>> -> memref<200000x64xf32, #tpu.memory_space<hbm>>
      tpu.wait_indirect_dma semaphore(%arg11 : memref<!tpu.dma_semaphore, #tpu.memory_space<semaphore_mem>>) src(%dma_wait3A_259 : memref<200000x64xf32, #tpu.memory_space<hbm>>) dst(%dma_wait3A_253 : memref<128x64xf32, #tpu.memory_space<vmem>>)
      %mul3A_260 = arith.constant 128 : i32
      %mul3A_261 = arith.muli %add3A_243, %mul3A_260 : i32
      %add3A_262 = arith.addi %mul3A_2, %mul3A_261 : i32
      %run_scoped3A_263 = arith.constant 3 : i32
      "tpu.region"() ({
        %run_scoped3A_265 = tpu.sem_alloc : memref<!tpu.dma_semaphore, #tpu.memory_space<semaphore_mem>>
        %dma_start3A_266 = arith.constant 0 : i32
        %dma_start3A_267 = arith.constant 0 : i32
        %dma_start3A_268 = arith.constant 0 : i32
        %dma_start3A_269 = tpu.memref_slice %arg10[%rem3A_165, %dma_start3A_266, %dma_start3A_267, %dma_start3A_268] : memref<2x4x128x64xf32, #tpu.memory_space<vmem>> -> memref<1x4x128x64xf32, #tpu.memory_space<vmem>>
        %dma_start3A_270 = tpu.memref_squeeze %dma_start3A_269 : memref<1x4x128x64xf32, #tpu.memory_space<vmem>> -> memref<4x128x64xf32, #tpu.memory_space<vmem>>
        %dma_start3A_271 = arith.constant 0 : i32
        %dma_start3A_272 = arith.constant 0 : i32
        %dma_start3A_273 = tpu.memref_slice %dma_start3A_270[%run_scoped3A_263, %dma_start3A_271, %dma_start3A_272] : memref<4x128x64xf32, #tpu.memory_space<vmem>> -> memref<1x128x64xf32, #tpu.memory_space<vmem>>
        %dma_start3A_274 = tpu.memref_squeeze %dma_start3A_273 : memref<1x128x64xf32, #tpu.memory_space<vmem>> -> memref<128x64xf32, #tpu.memory_space<vmem>>
        %dma_start3A_275 = arith.constant 0 : i32
        %dma_start3A_276 = tpu.memref_slice %arg6[%add3A_262, %dma_start3A_275] : memref<131072x64xf32, #tpu.memory_space<hbm>> -> memref<128x64xf32, #tpu.memory_space<hbm>>
        %dma_start3A_277 = arith.constant 0 : i32
        %dma_start3A_278 = tpu.memref_slice %arg6[%add3A_262, %dma_start3A_277] : memref<131072x64xf32, #tpu.memory_space<hbm>> -> memref<128x64xf32, #tpu.memory_space<hbm>>
        %dma_start3A_279 = arith.constant 0 : i32
        %dma_start3A_280 = arith.constant 0 : i32
        %dma_start3A_281 = arith.constant 0 : i32
        %dma_start3A_282 = tpu.memref_slice %arg10[%rem3A_165, %dma_start3A_279, %dma_start3A_280, %dma_start3A_281] : memref<2x4x128x64xf32, #tpu.memory_space<vmem>> -> memref<1x4x128x64xf32, #tpu.memory_space<vmem>>
        %dma_start3A_283 = tpu.memref_squeeze %dma_start3A_282 : memref<1x4x128x64xf32, #tpu.memory_space<vmem>> -> memref<4x128x64xf32, #tpu.memory_space<vmem>>
        %dma_start3A_284 = arith.constant 0 : i32
        %dma_start3A_285 = arith.constant 0 : i32
        %dma_start3A_286 = tpu.memref_slice %dma_start3A_283[%run_scoped3A_263, %dma_start3A_284, %dma_start3A_285] : memref<4x128x64xf32, #tpu.memory_space<vmem>> -> memref<1x128x64xf32, #tpu.memory_space<vmem>>
        %dma_start3A_287 = tpu.memref_squeeze %dma_start3A_286 : memref<1x128x64xf32, #tpu.memory_space<vmem>> -> memref<128x64xf32, #tpu.memory_space<vmem>>
        tpu.enqueue_dma source(%dma_start3A_287 : memref<128x64xf32, #tpu.memory_space<vmem>>) target(%dma_start3A_278 : memref<128x64xf32, #tpu.memory_space<hbm>>) target_semaphore(%run_scoped3A_265 : memref<!tpu.dma_semaphore, #tpu.memory_space<semaphore_mem>>)
        %dma_wait3A_288 = arith.constant 0 : i32
        %dma_wait3A_289 = arith.constant 0 : i32
        %dma_wait3A_290 = arith.constant 0 : i32
        %dma_wait3A_291 = tpu.memref_slice %arg10[%rem3A_165, %dma_wait3A_288, %dma_wait3A_289, %dma_wait3A_290] : memref<2x4x128x64xf32, #tpu.memory_space<vmem>> -> memref<1x4x128x64xf32, #tpu.memory_space<vmem>>
        %dma_wait3A_292 = tpu.memref_squeeze %dma_wait3A_291 : memref<1x4x128x64xf32, #tpu.memory_space<vmem>> -> memref<4x128x64xf32, #tpu.memory_space<vmem>>
        %dma_wait3A_293 = arith.constant 0 : i32
        %dma_wait3A_294 = arith.constant 0 : i32
        %dma_wait3A_295 = tpu.memref_slice %dma_wait3A_292[%run_scoped3A_263, %dma_wait3A_293, %dma_wait3A_294] : memref<4x128x64xf32, #tpu.memory_space<vmem>> -> memref<1x128x64xf32, #tpu.memory_space<vmem>>
        %dma_wait3A_296 = tpu.memref_squeeze %dma_wait3A_295 : memref<1x128x64xf32, #tpu.memory_space<vmem>> -> memref<128x64xf32, #tpu.memory_space<vmem>>
        %dma_wait3A_297 = arith.constant 0 : i32
        %dma_wait3A_298 = tpu.memref_slice %arg6[%add3A_262, %dma_wait3A_297] : memref<131072x64xf32, #tpu.memory_space<hbm>> -> memref<128x64xf32, #tpu.memory_space<hbm>>
        %dma_wait3A_299 = arith.constant 0 : i32
        %dma_wait3A_300 = tpu.memref_slice %arg6[%add3A_262, %dma_wait3A_299] : memref<131072x64xf32, #tpu.memory_space<hbm>> -> memref<128x64xf32, #tpu.memory_space<hbm>>
        %dma_wait3A_301 = arith.constant 0 : i32
        %dma_wait3A_302 = arith.constant 0 : i32
        %dma_wait3A_303 = arith.constant 0 : i32
        %dma_wait3A_304 = tpu.memref_slice %arg10[%rem3A_165, %dma_wait3A_301, %dma_wait3A_302, %dma_wait3A_303] : memref<2x4x128x64xf32, #tpu.memory_space<vmem>> -> memref<1x4x128x64xf32, #tpu.memory_space<vmem>>
        %dma_wait3A_305 = tpu.memref_squeeze %dma_wait3A_304 : memref<1x4x128x64xf32, #tpu.memory_space<vmem>> -> memref<4x128x64xf32, #tpu.memory_space<vmem>>
        %dma_wait3A_306 = arith.constant 0 : i32
        %dma_wait3A_307 = arith.constant 0 : i32
        %dma_wait3A_308 = tpu.memref_slice %dma_wait3A_305[%run_scoped3A_263, %dma_wait3A_306, %dma_wait3A_307] : memref<4x128x64xf32, #tpu.memory_space<vmem>> -> memref<1x128x64xf32, #tpu.memory_space<vmem>>
        %dma_wait3A_309 = tpu.memref_squeeze %dma_wait3A_308 : memref<1x128x64xf32, #tpu.memory_space<vmem>> -> memref<128x64xf32, #tpu.memory_space<vmem>>
        tpu.wait_dma2 semaphore(%run_scoped3A_265 : memref<!tpu.dma_semaphore, #tpu.memory_space<semaphore_mem>>) src(%dma_wait3A_309 : memref<128x64xf32, #tpu.memory_space<vmem>>) dst(%dma_wait3A_300 : memref<128x64xf32, #tpu.memory_space<hbm>>)
        tpu.yield
      }) : () -> ()
      %scan3A_264 = arith.constant 0 : i32
      scf.yield %scan3A_264 : i32
    }
    %scan3A_83 = arith.constant 8 : i32
    %dma_start3A_84 = arith.constant 0 : i32
    %dma_start3A_85 = arith.constant 0 : i32
    %dma_start3A_86 = arith.constant 0 : i32
    %dma_start3A_87 = arith.constant 0 : i32
    %dma_start3A_88 = arith.constant 0 : i32
    %dma_start3A_89 = arith.constant 0 : i32
    %dma_start3A_90 = tpu.memref_slice %arg10[%dma_start3A_85, %dma_start3A_87, %dma_start3A_88, %dma_start3A_89] : memref<2x4x128x64xf32, #tpu.memory_space<vmem>> -> memref<1x4x128x64xf32, #tpu.memory_space<vmem>>
    %dma_start3A_91 = tpu.memref_squeeze %dma_start3A_90 : memref<1x4x128x64xf32, #tpu.memory_space<vmem>> -> memref<4x128x64xf32, #tpu.memory_space<vmem>>
    %dma_start3A_92 = arith.constant 0 : i32
    %dma_start3A_93 = arith.constant 0 : i32
    %dma_start3A_94 = tpu.memref_slice %dma_start3A_91[%dma_start3A_86, %dma_start3A_92, %dma_start3A_93] : memref<4x128x64xf32, #tpu.memory_space<vmem>> -> memref<1x128x64xf32, #tpu.memory_space<vmem>>
    %dma_start3A_95 = tpu.memref_squeeze %dma_start3A_94 : memref<1x128x64xf32, #tpu.memory_space<vmem>> -> memref<128x64xf32, #tpu.memory_space<vmem>>
    %dma_start3A_96 = arith.constant 0 : i32
    %dma_start3A_97 = tpu.memref_slice %arg9[%dma_start3A_84, %dma_start3A_96] : memref<32x128xi32, #tpu.memory_space<vmem>> -> memref<1x128xi32, #tpu.memory_space<vmem>>
    %dma_start3A_98 = tpu.memref_squeeze %dma_start3A_97 : memref<1x128xi32, #tpu.memory_space<vmem>> -> memref<128xi32, #tpu.memory_space<vmem>>
    %dma_start3A_99 = arith.constant 0 : i32
    %dma_start3A_100 = arith.constant 0 : i32
    %dma_start3A_101 = tpu.memref_slice %arg3[%dma_start3A_99, %dma_start3A_100] : memref<2000x64xf32, #tpu.memory_space<hbm>> -> memref<2000x64xf32, #tpu.memory_space<hbm>>
    tpu.enqueue_indirect_dma source(%dma_start3A_101 : memref<2000x64xf32, #tpu.memory_space<hbm>>) target(%dma_start3A_95 : memref<128x64xf32, #tpu.memory_space<vmem>>) offsets(%dma_start3A_98 : memref<128xi32, #tpu.memory_space<vmem>>) semaphore(%arg11 : memref<!tpu.dma_semaphore, #tpu.memory_space<semaphore_mem>>)
    %dma_start3A_102 = arith.constant 1 : i32
    %dma_start3A_103 = arith.constant 0 : i32
    %dma_start3A_104 = arith.constant 1 : i32
    %dma_start3A_105 = arith.constant 0 : i32
    %dma_start3A_106 = arith.constant 0 : i32
    %dma_start3A_107 = arith.constant 0 : i32
    %dma_start3A_108 = tpu.memref_slice %arg10[%dma_start3A_103, %dma_start3A_105, %dma_start3A_106, %dma_start3A_107] : memref<2x4x128x64xf32, #tpu.memory_space<vmem>> -> memref<1x4x128x64xf32, #tpu.memory_space<vmem>>
    %dma_start3A_109 = tpu.memref_squeeze %dma_start3A_108 : memref<1x4x128x64xf32, #tpu.memory_space<vmem>> -> memref<4x128x64xf32, #tpu.memory_space<vmem>>
    %dma_start3A_110 = arith.constant 0 : i32
    %dma_start3A_111 = arith.constant 0 : i32
    %dma_start3A_112 = tpu.memref_slice %dma_start3A_109[%dma_start3A_104, %dma_start3A_110, %dma_start3A_111] : memref<4x128x64xf32, #tpu.memory_space<vmem>> -> memref<1x128x64xf32, #tpu.memory_space<vmem>>
    %dma_start3A_113 = tpu.memref_squeeze %dma_start3A_112 : memref<1x128x64xf32, #tpu.memory_space<vmem>> -> memref<128x64xf32, #tpu.memory_space<vmem>>
    %dma_start3A_114 = arith.constant 0 : i32
    %dma_start3A_115 = tpu.memref_slice %arg9[%dma_start3A_102, %dma_start3A_114] : memref<32x128xi32, #tpu.memory_space<vmem>> -> memref<1x128xi32, #tpu.memory_space<vmem>>
    %dma_start3A_116 = tpu.memref_squeeze %dma_start3A_115 : memref<1x128xi32, #tpu.memory_space<vmem>> -> memref<128xi32, #tpu.memory_space<vmem>>
    %dma_start3A_117 = arith.constant 0 : i32
    %dma_start3A_118 = arith.constant 0 : i32
    %dma_start3A_119 = tpu.memref_slice %arg3[%dma_start3A_117, %dma_start3A_118] : memref<2000x64xf32, #tpu.memory_space<hbm>> -> memref<2000x64xf32, #tpu.memory_space<hbm>>
    tpu.enqueue_indirect_dma source(%dma_start3A_119 : memref<2000x64xf32, #tpu.memory_space<hbm>>) target(%dma_start3A_113 : memref<128x64xf32, #tpu.memory_space<vmem>>) offsets(%dma_start3A_116 : memref<128xi32, #tpu.memory_space<vmem>>) semaphore(%arg11 : memref<!tpu.dma_semaphore, #tpu.memory_space<semaphore_mem>>)
    %dma_start3A_120 = arith.constant 2 : i32
    %dma_start3A_121 = arith.constant 0 : i32
    %dma_start3A_122 = arith.constant 2 : i32
    %dma_start3A_123 = arith.constant 0 : i32
    %dma_start3A_124 = arith.constant 0 : i32
    %dma_start3A_125 = arith.constant 0 : i32
    %dma_start3A_126 = tpu.memref_slice %arg10[%dma_start3A_121, %dma_start3A_123, %dma_start3A_124, %dma_start3A_125] : memref<2x4x128x64xf32, #tpu.memory_space<vmem>> -> memref<1x4x128x64xf32, #tpu.memory_space<vmem>>
    %dma_start3A_127 = tpu.memref_squeeze %dma_start3A_126 : memref<1x4x128x64xf32, #tpu.memory_space<vmem>> -> memref<4x128x64xf32, #tpu.memory_space<vmem>>
    %dma_start3A_128 = arith.constant 0 : i32
    %dma_start3A_129 = arith.constant 0 : i32
    %dma_start3A_130 = tpu.memref_slice %dma_start3A_127[%dma_start3A_122, %dma_start3A_128, %dma_start3A_129] : memref<4x128x64xf32, #tpu.memory_space<vmem>> -> memref<1x128x64xf32, #tpu.memory_space<vmem>>
    %dma_start3A_131 = tpu.memref_squeeze %dma_start3A_130 : memref<1x128x64xf32, #tpu.memory_space<vmem>> -> memref<128x64xf32, #tpu.memory_space<vmem>>
    %dma_start3A_132 = arith.constant 0 : i32
    %dma_start3A_133 = tpu.memref_slice %arg9[%dma_start3A_120, %dma_start3A_132] : memref<32x128xi32, #tpu.memory_space<vmem>> -> memref<1x128xi32, #tpu.memory_space<vmem>>
    %dma_start3A_134 = tpu.memref_squeeze %dma_start3A_133 : memref<1x128xi32, #tpu.memory_space<vmem>> -> memref<128xi32, #tpu.memory_space<vmem>>
    %dma_start3A_135 = arith.constant 0 : i32
    %dma_start3A_136 = arith.constant 0 : i32
    %dma_start3A_137 = tpu.memref_slice %arg3[%dma_start3A_135, %dma_start3A_136] : memref<2000x64xf32, #tpu.memory_space<hbm>> -> memref<2000x64xf32, #tpu.memory_space<hbm>>
    tpu.enqueue_indirect_dma source(%dma_start3A_137 : memref<2000x64xf32, #tpu.memory_space<hbm>>) target(%dma_start3A_131 : memref<128x64xf32, #tpu.memory_space<vmem>>) offsets(%dma_start3A_134 : memref<128xi32, #tpu.memory_space<vmem>>) semaphore(%arg11 : memref<!tpu.dma_semaphore, #tpu.memory_space<semaphore_mem>>)
    %dma_start3A_138 = arith.constant 3 : i32
    %dma_start3A_139 = arith.constant 0 : i32
    %dma_start3A_140 = arith.constant 3 : i32
    %dma_start3A_141 = arith.constant 0 : i32
    %dma_start3A_142 = arith.constant 0 : i32
    %dma_start3A_143 = arith.constant 0 : i32
    %dma_start3A_144 = tpu.memref_slice %arg10[%dma_start3A_139, %dma_start3A_141, %dma_start3A_142, %dma_start3A_143] : memref<2x4x128x64xf32, #tpu.memory_space<vmem>> -> memref<1x4x128x64xf32, #tpu.memory_space<vmem>>
    %dma_start3A_145 = tpu.memref_squeeze %dma_start3A_144 : memref<1x4x128x64xf32, #tpu.memory_space<vmem>> -> memref<4x128x64xf32, #tpu.memory_space<vmem>>
    %dma_start3A_146 = arith.constant 0 : i32
    %dma_start3A_147 = arith.constant 0 : i32
    %dma_start3A_148 = tpu.memref_slice %dma_start3A_145[%dma_start3A_140, %dma_start3A_146, %dma_start3A_147] : memref<4x128x64xf32, #tpu.memory_space<vmem>> -> memref<1x128x64xf32, #tpu.memory_space<vmem>>
    %dma_start3A_149 = tpu.memref_squeeze %dma_start3A_148 : memref<1x128x64xf32, #tpu.memory_space<vmem>> -> memref<128x64xf32, #tpu.memory_space<vmem>>
    %dma_start3A_150 = arith.constant 0 : i32
    %dma_start3A_151 = tpu.memref_slice %arg9[%dma_start3A_138, %dma_start3A_150] : memref<32x128xi32, #tpu.memory_space<vmem>> -> memref<1x128xi32, #tpu.memory_space<vmem>>
    %dma_start3A_152 = tpu.memref_squeeze %dma_start3A_151 : memref<1x128xi32, #tpu.memory_space<vmem>> -> memref<128xi32, #tpu.memory_space<vmem>>
    %dma_start3A_153 = arith.constant 0 : i32
    %dma_start3A_154 = arith.constant 0 : i32
    %dma_start3A_155 = tpu.memref_slice %arg3[%dma_start3A_153, %dma_start3A_154] : memref<2000x64xf32, #tpu.memory_space<hbm>> -> memref<2000x64xf32, #tpu.memory_space<hbm>>
    tpu.enqueue_indirect_dma source(%dma_start3A_155 : memref<2000x64xf32, #tpu.memory_space<hbm>>) target(%dma_start3A_149 : memref<128x64xf32, #tpu.memory_space<vmem>>) offsets(%dma_start3A_152 : memref<128xi32, #tpu.memory_space<vmem>>) semaphore(%arg11 : memref<!tpu.dma_semaphore, #tpu.memory_space<semaphore_mem>>)
    %scan3A_156 = arith.constant 0 : i32
    %scan3A_157 = arith.constant 0 : i32
    %scan3A_158 = arith.constant 8 : i32
    %scan3A_159 = arith.addi %scan3A_157, %scan3A_158 : i32
    %scan3A_160 = arith.constant 1 : i32
    %scan3A_161 = scf.for %scan3A_163 = %scan3A_157 to %scan3A_159 step %scan3A_160 iter_args(%scan3A_164 = %scan3A_156) -> (i32)  : i32 {
      %rem3A = arith.constant 2 : i32
      %rem3A_165 = arith.remsi %scan3A_163, %rem3A : i32
      %add3A_166 = arith.constant 1 : i32
      %add3A_167 = arith.addi %scan3A_163, %add3A_166 : i32
      %lt3A = arith.constant 8 : i32
      %lt3A_168 = arith.cmpi slt, %add3A_167, %lt3A : i32
      %convert_element_type3A = arith.extui %lt3A_168 : i1 to i32
      %cond3A = arith.constant 0 : i32
      %cond3A_169 = arith.cmpi ne, %convert_element_type3A, %cond3A : i32
      scf.if %cond3A_169 {
        %add3A_265 = arith.constant 1 : i32
        %add3A_266 = arith.addi %scan3A_163, %add3A_265 : i32
        %sub3A = arith.constant 1 : i32
        %sub3A_267 = arith.subi %sub3A, %rem3A_165 : i32
        %mul3A_268 = arith.constant 4 : i32
        %mul3A_269 = arith.muli %add3A_266, %mul3A_268 : i32
        %add3A_270 = arith.constant 0 : i32
        %add3A_271 = arith.addi %mul3A_269, %add3A_270 : i32
        %dma_start3A_272 = arith.constant 0 : i32
        %dma_start3A_273 = arith.constant 0 : i32
        %dma_start3A_274 = arith.constant 0 : i32
        %dma_start3A_275 = arith.constant 0 : i32
        %dma_start3A_276 = tpu.memref_slice %arg10[%sub3A_267, %dma_start3A_273, %dma_start3A_274, %dma_start3A_275] : memref<2x4x128x64xf32, #tpu.memory_space<vmem>> -> memref<1x4x128x64xf32, #tpu.memory_space<vmem>>
        %dma_start3A_277 = tpu.memref_squeeze %dma_start3A_276 : memref<1x4x128x64xf32, #tpu.memory_space<vmem>> -> memref<4x128x64xf32, #tpu.memory_space<vmem>>
        %dma_start3A_278 = arith.constant 0 : i32
        %dma_start3A_279 = arith.constant 0 : i32
        %dma_start3A_280 = tpu.memref_slice %dma_start3A_277[%dma_start3A_272, %dma_start3A_278, %dma_start3A_279] : memref<4x128x64xf32, #tpu.memory_space<vmem>> -> memref<1x128x64xf32, #tpu.memory_space<vmem>>
        %dma_start3A_281 = tpu.memref_squeeze %dma_start3A_280 : memref<1x128x64xf32, #tpu.memory_space<vmem>> -> memref<128x64xf32, #tpu.memory_space<vmem>>
        %dma_start3A_282 = arith.constant 0 : i32
        %dma_start3A_283 = tpu.memref_slice %arg9[%add3A_271, %dma_start3A_282] : memref<32x128xi32, #tpu.memory_space<vmem>> -> memref<1x128xi32, #tpu.memory_space<vmem>>
        %dma_start3A_284 = tpu.memref_squeeze %dma_start3A_283 : memref<1x128xi32, #tpu.memory_space<vmem>> -> memref<128xi32, #tpu.memory_space<vmem>>
        %dma_start3A_285 = arith.constant 0 : i32
        %dma_start3A_286 = arith.constant 0 : i32
        %dma_start3A_287 = tpu.memref_slice %arg3[%dma_start3A_285, %dma_start3A_286] : memref<2000x64xf32, #tpu.memory_space<hbm>> -> memref<2000x64xf32, #tpu.memory_space<hbm>>
        tpu.enqueue_indirect_dma source(%dma_start3A_287 : memref<2000x64xf32, #tpu.memory_space<hbm>>) target(%dma_start3A_281 : memref<128x64xf32, #tpu.memory_space<vmem>>) offsets(%dma_start3A_284 : memref<128xi32, #tpu.memory_space<vmem>>) semaphore(%arg11 : memref<!tpu.dma_semaphore, #tpu.memory_space<semaphore_mem>>)
        %mul3A_288 = arith.constant 4 : i32
        %mul3A_289 = arith.muli %add3A_266, %mul3A_288 : i32
        %add3A_290 = arith.constant 1 : i32
        %add3A_291 = arith.addi %mul3A_289, %add3A_290 : i32
        %dma_start3A_292 = arith.constant 1 : i32
        %dma_start3A_293 = arith.constant 0 : i32
        %dma_start3A_294 = arith.constant 0 : i32
        %dma_start3A_295 = arith.constant 0 : i32
        %dma_start3A_296 = tpu.memref_slice %arg10[%sub3A_267, %dma_start3A_293, %dma_start3A_294, %dma_start3A_295] : memref<2x4x128x64xf32, #tpu.memory_space<vmem>> -> memref<1x4x128x64xf32, #tpu.memory_space<vmem>>
        %dma_start3A_297 = tpu.memref_squeeze %dma_start3A_296 : memref<1x4x128x64xf32, #tpu.memory_space<vmem>> -> memref<4x128x64xf32, #tpu.memory_space<vmem>>
        %dma_start3A_298 = arith.constant 0 : i32
        %dma_start3A_299 = arith.constant 0 : i32
        %dma_start3A_300 = tpu.memref_slice %dma_start3A_297[%dma_start3A_292, %dma_start3A_298, %dma_start3A_299] : memref<4x128x64xf32, #tpu.memory_space<vmem>> -> memref<1x128x64xf32, #tpu.memory_space<vmem>>
        %dma_start3A_301 = tpu.memref_squeeze %dma_start3A_300 : memref<1x128x64xf32, #tpu.memory_space<vmem>> -> memref<128x64xf32, #tpu.memory_space<vmem>>
        %dma_start3A_302 = arith.constant 0 : i32
        %dma_start3A_303 = tpu.memref_slice %arg9[%add3A_291, %dma_start3A_302] : memref<32x128xi32, #tpu.memory_space<vmem>> -> memref<1x128xi32, #tpu.memory_space<vmem>>
        %dma_start3A_304 = tpu.memref_squeeze %dma_start3A_303 : memref<1x128xi32, #tpu.memory_space<vmem>> -> memref<128xi32, #tpu.memory_space<vmem>>
        %dma_start3A_305 = arith.constant 0 : i32
        %dma_start3A_306 = arith.constant 0 : i32
        %dma_start3A_307 = tpu.memref_slice %arg3[%dma_start3A_305, %dma_start3A_306] : memref<2000x64xf32, #tpu.memory_space<hbm>> -> memref<2000x64xf32, #tpu.memory_space<hbm>>
        tpu.enqueue_indirect_dma source(%dma_start3A_307 : memref<2000x64xf32, #tpu.memory_space<hbm>>) target(%dma_start3A_301 : memref<128x64xf32, #tpu.memory_space<vmem>>) offsets(%dma_start3A_304 : memref<128xi32, #tpu.memory_space<vmem>>) semaphore(%arg11 : memref<!tpu.dma_semaphore, #tpu.memory_space<semaphore_mem>>)
        %mul3A_308 = arith.constant 4 : i32
        %mul3A_309 = arith.muli %add3A_266, %mul3A_308 : i32
        %add3A_310 = arith.constant 2 : i32
        %add3A_311 = arith.addi %mul3A_309, %add3A_310 : i32
        %dma_start3A_312 = arith.constant 2 : i32
        %dma_start3A_313 = arith.constant 0 : i32
        %dma_start3A_314 = arith.constant 0 : i32
        %dma_start3A_315 = arith.constant 0 : i32
        %dma_start3A_316 = tpu.memref_slice %arg10[%sub3A_267, %dma_start3A_313, %dma_start3A_314, %dma_start3A_315] : memref<2x4x128x64xf32, #tpu.memory_space<vmem>> -> memref<1x4x128x64xf32, #tpu.memory_space<vmem>>
        %dma_start3A_317 = tpu.memref_squeeze %dma_start3A_316 : memref<1x4x128x64xf32, #tpu.memory_space<vmem>> -> memref<4x128x64xf32, #tpu.memory_space<vmem>>
        %dma_start3A_318 = arith.constant 0 : i32
        %dma_start3A_319 = arith.constant 0 : i32
        %dma_start3A_320 = tpu.memref_slice %dma_start3A_317[%dma_start3A_312, %dma_start3A_318, %dma_start3A_319] : memref<4x128x64xf32, #tpu.memory_space<vmem>> -> memref<1x128x64xf32, #tpu.memory_space<vmem>>
        %dma_start3A_321 = tpu.memref_squeeze %dma_start3A_320 : memref<1x128x64xf32, #tpu.memory_space<vmem>> -> memref<128x64xf32, #tpu.memory_space<vmem>>
        %dma_start3A_322 = arith.constant 0 : i32
        %dma_start3A_323 = tpu.memref_slice %arg9[%add3A_311, %dma_start3A_322] : memref<32x128xi32, #tpu.memory_space<vmem>> -> memref<1x128xi32, #tpu.memory_space<vmem>>
        %dma_start3A_324 = tpu.memref_squeeze %dma_start3A_323 : memref<1x128xi32, #tpu.memory_space<vmem>> -> memref<128xi32, #tpu.memory_space<vmem>>
        %dma_start3A_325 = arith.constant 0 : i32
        %dma_start3A_326 = arith.constant 0 : i32
        %dma_start3A_327 = tpu.memref_slice %arg3[%dma_start3A_325, %dma_start3A_326] : memref<2000x64xf32, #tpu.memory_space<hbm>> -> memref<2000x64xf32, #tpu.memory_space<hbm>>
        tpu.enqueue_indirect_dma source(%dma_start3A_327 : memref<2000x64xf32, #tpu.memory_space<hbm>>) target(%dma_start3A_321 : memref<128x64xf32, #tpu.memory_space<vmem>>) offsets(%dma_start3A_324 : memref<128xi32, #tpu.memory_space<vmem>>) semaphore(%arg11 : memref<!tpu.dma_semaphore, #tpu.memory_space<semaphore_mem>>)
        %mul3A_328 = arith.constant 4 : i32
        %mul3A_329 = arith.muli %add3A_266, %mul3A_328 : i32
        %add3A_330 = arith.constant 3 : i32
        %add3A_331 = arith.addi %mul3A_329, %add3A_330 : i32
        %dma_start3A_332 = arith.constant 3 : i32
        %dma_start3A_333 = arith.constant 0 : i32
        %dma_start3A_334 = arith.constant 0 : i32
        %dma_start3A_335 = arith.constant 0 : i32
        %dma_start3A_336 = tpu.memref_slice %arg10[%sub3A_267, %dma_start3A_333, %dma_start3A_334, %dma_start3A_335] : memref<2x4x128x64xf32, #tpu.memory_space<vmem>> -> memref<1x4x128x64xf32, #tpu.memory_space<vmem>>
        %dma_start3A_337 = tpu.memref_squeeze %dma_start3A_336 : memref<1x4x128x64xf32, #tpu.memory_space<vmem>> -> memref<4x128x64xf32, #tpu.memory_space<vmem>>
        %dma_start3A_338 = arith.constant 0 : i32
        %dma_start3A_339 = arith.constant 0 : i32
        %dma_start3A_340 = tpu.memref_slice %dma_start3A_337[%dma_start3A_332, %dma_start3A_338, %dma_start3A_339] : memref<4x128x64xf32, #tpu.memory_space<vmem>> -> memref<1x128x64xf32, #tpu.memory_space<vmem>>
        %dma_start3A_341 = tpu.memref_squeeze %dma_start3A_340 : memref<1x128x64xf32, #tpu.memory_space<vmem>> -> memref<128x64xf32, #tpu.memory_space<vmem>>
        %dma_start3A_342 = arith.constant 0 : i32
        %dma_start3A_343 = tpu.memref_slice %arg9[%add3A_331, %dma_start3A_342] : memref<32x128xi32, #tpu.memory_space<vmem>> -> memref<1x128xi32, #tpu.memory_space<vmem>>
        %dma_start3A_344 = tpu.memref_squeeze %dma_start3A_343 : memref<1x128xi32, #tpu.memory_space<vmem>> -> memref<128xi32, #tpu.memory_space<vmem>>
        %dma_start3A_345 = arith.constant 0 : i32
        %dma_start3A_346 = arith.constant 0 : i32
        %dma_start3A_347 = tpu.memref_slice %arg3[%dma_start3A_345, %dma_start3A_346] : memref<2000x64xf32, #tpu.memory_space<hbm>> -> memref<2000x64xf32, #tpu.memory_space<hbm>>
        tpu.enqueue_indirect_dma source(%dma_start3A_347 : memref<2000x64xf32, #tpu.memory_space<hbm>>) target(%dma_start3A_341 : memref<128x64xf32, #tpu.memory_space<vmem>>) offsets(%dma_start3A_344 : memref<128xi32, #tpu.memory_space<vmem>>) semaphore(%arg11 : memref<!tpu.dma_semaphore, #tpu.memory_space<semaphore_mem>>)
      } else {
      }
      %mul3A_170 = arith.constant 4 : i32
      %mul3A_171 = arith.muli %scan3A_163, %mul3A_170 : i32
      %add3A_172 = arith.constant 0 : i32
      %add3A_173 = arith.addi %mul3A_171, %add3A_172 : i32
      %dma_wait3A = arith.constant 0 : i32
      %dma_wait3A_174 = arith.constant 0 : i32
      %dma_wait3A_175 = arith.constant 0 : i32
      %dma_wait3A_176 = arith.constant 0 : i32
      %dma_wait3A_177 = tpu.memref_slice %arg10[%rem3A_165, %dma_wait3A_174, %dma_wait3A_175, %dma_wait3A_176] : memref<2x4x128x64xf32, #tpu.memory_space<vmem>> -> memref<1x4x128x64xf32, #tpu.memory_space<vmem>>
      %dma_wait3A_178 = tpu.memref_squeeze %dma_wait3A_177 : memref<1x4x128x64xf32, #tpu.memory_space<vmem>> -> memref<4x128x64xf32, #tpu.memory_space<vmem>>
      %dma_wait3A_179 = arith.constant 0 : i32
      %dma_wait3A_180 = arith.constant 0 : i32
      %dma_wait3A_181 = tpu.memref_slice %dma_wait3A_178[%dma_wait3A, %dma_wait3A_179, %dma_wait3A_180] : memref<4x128x64xf32, #tpu.memory_space<vmem>> -> memref<1x128x64xf32, #tpu.memory_space<vmem>>
      %dma_wait3A_182 = tpu.memref_squeeze %dma_wait3A_181 : memref<1x128x64xf32, #tpu.memory_space<vmem>> -> memref<128x64xf32, #tpu.memory_space<vmem>>
      %dma_wait3A_183 = arith.constant 0 : i32
      %dma_wait3A_184 = tpu.memref_slice %arg9[%add3A_173, %dma_wait3A_183] : memref<32x128xi32, #tpu.memory_space<vmem>> -> memref<1x128xi32, #tpu.memory_space<vmem>>
      %dma_wait3A_185 = tpu.memref_squeeze %dma_wait3A_184 : memref<1x128xi32, #tpu.memory_space<vmem>> -> memref<128xi32, #tpu.memory_space<vmem>>
      %dma_wait3A_186 = arith.constant 0 : i32
      %dma_wait3A_187 = arith.constant 0 : i32
      %dma_wait3A_188 = tpu.memref_slice %arg3[%dma_wait3A_186, %dma_wait3A_187] : memref<2000x64xf32, #tpu.memory_space<hbm>> -> memref<2000x64xf32, #tpu.memory_space<hbm>>
      tpu.wait_indirect_dma semaphore(%arg11 : memref<!tpu.dma_semaphore, #tpu.memory_space<semaphore_mem>>) src(%dma_wait3A_188 : memref<2000x64xf32, #tpu.memory_space<hbm>>) dst(%dma_wait3A_182 : memref<128x64xf32, #tpu.memory_space<vmem>>)
      %mul3A_189 = arith.constant 128 : i32
      %mul3A_190 = arith.muli %add3A_173, %mul3A_189 : i32
      %add3A_191 = arith.addi %mul3A_2, %mul3A_190 : i32
      %run_scoped3A = arith.constant 0 : i32
      "tpu.region"() ({
        %run_scoped3A_265 = tpu.sem_alloc : memref<!tpu.dma_semaphore, #tpu.memory_space<semaphore_mem>>
        %dma_start3A_266 = arith.constant 0 : i32
        %dma_start3A_267 = arith.constant 0 : i32
        %dma_start3A_268 = arith.constant 0 : i32
        %dma_start3A_269 = tpu.memref_slice %arg10[%rem3A_165, %dma_start3A_266, %dma_start3A_267, %dma_start3A_268] : memref<2x4x128x64xf32, #tpu.memory_space<vmem>> -> memref<1x4x128x64xf32, #tpu.memory_space<vmem>>
        %dma_start3A_270 = tpu.memref_squeeze %dma_start3A_269 : memref<1x4x128x64xf32, #tpu.memory_space<vmem>> -> memref<4x128x64xf32, #tpu.memory_space<vmem>>
        %dma_start3A_271 = arith.constant 0 : i32
        %dma_start3A_272 = arith.constant 0 : i32
        %dma_start3A_273 = tpu.memref_slice %dma_start3A_270[%run_scoped3A, %dma_start3A_271, %dma_start3A_272] : memref<4x128x64xf32, #tpu.memory_space<vmem>> -> memref<1x128x64xf32, #tpu.memory_space<vmem>>
        %dma_start3A_274 = tpu.memref_squeeze %dma_start3A_273 : memref<1x128x64xf32, #tpu.memory_space<vmem>> -> memref<128x64xf32, #tpu.memory_space<vmem>>
        %dma_start3A_275 = arith.constant 0 : i32
        %dma_start3A_276 = tpu.memref_slice %arg7[%add3A_191, %dma_start3A_275] : memref<131072x64xf32, #tpu.memory_space<hbm>> -> memref<128x64xf32, #tpu.memory_space<hbm>>
        %dma_start3A_277 = arith.constant 0 : i32
        %dma_start3A_278 = tpu.memref_slice %arg7[%add3A_191, %dma_start3A_277] : memref<131072x64xf32, #tpu.memory_space<hbm>> -> memref<128x64xf32, #tpu.memory_space<hbm>>
        %dma_start3A_279 = arith.constant 0 : i32
        %dma_start3A_280 = arith.constant 0 : i32
        %dma_start3A_281 = arith.constant 0 : i32
        %dma_start3A_282 = tpu.memref_slice %arg10[%rem3A_165, %dma_start3A_279, %dma_start3A_280, %dma_start3A_281] : memref<2x4x128x64xf32, #tpu.memory_space<vmem>> -> memref<1x4x128x64xf32, #tpu.memory_space<vmem>>
        %dma_start3A_283 = tpu.memref_squeeze %dma_start3A_282 : memref<1x4x128x64xf32, #tpu.memory_space<vmem>> -> memref<4x128x64xf32, #tpu.memory_space<vmem>>
        %dma_start3A_284 = arith.constant 0 : i32
        %dma_start3A_285 = arith.constant 0 : i32
        %dma_start3A_286 = tpu.memref_slice %dma_start3A_283[%run_scoped3A, %dma_start3A_284, %dma_start3A_285] : memref<4x128x64xf32, #tpu.memory_space<vmem>> -> memref<1x128x64xf32, #tpu.memory_space<vmem>>
        %dma_start3A_287 = tpu.memref_squeeze %dma_start3A_286 : memref<1x128x64xf32, #tpu.memory_space<vmem>> -> memref<128x64xf32, #tpu.memory_space<vmem>>
        tpu.enqueue_dma source(%dma_start3A_287 : memref<128x64xf32, #tpu.memory_space<vmem>>) target(%dma_start3A_278 : memref<128x64xf32, #tpu.memory_space<hbm>>) target_semaphore(%run_scoped3A_265 : memref<!tpu.dma_semaphore, #tpu.memory_space<semaphore_mem>>)
        %dma_wait3A_288 = arith.constant 0 : i32
        %dma_wait3A_289 = arith.constant 0 : i32
        %dma_wait3A_290 = arith.constant 0 : i32
        %dma_wait3A_291 = tpu.memref_slice %arg10[%rem3A_165, %dma_wait3A_288, %dma_wait3A_289, %dma_wait3A_290] : memref<2x4x128x64xf32, #tpu.memory_space<vmem>> -> memref<1x4x128x64xf32, #tpu.memory_space<vmem>>
        %dma_wait3A_292 = tpu.memref_squeeze %dma_wait3A_291 : memref<1x4x128x64xf32, #tpu.memory_space<vmem>> -> memref<4x128x64xf32, #tpu.memory_space<vmem>>
        %dma_wait3A_293 = arith.constant 0 : i32
        %dma_wait3A_294 = arith.constant 0 : i32
        %dma_wait3A_295 = tpu.memref_slice %dma_wait3A_292[%run_scoped3A, %dma_wait3A_293, %dma_wait3A_294] : memref<4x128x64xf32, #tpu.memory_space<vmem>> -> memref<1x128x64xf32, #tpu.memory_space<vmem>>
        %dma_wait3A_296 = tpu.memref_squeeze %dma_wait3A_295 : memref<1x128x64xf32, #tpu.memory_space<vmem>> -> memref<128x64xf32, #tpu.memory_space<vmem>>
        %dma_wait3A_297 = arith.constant 0 : i32
        %dma_wait3A_298 = tpu.memref_slice %arg7[%add3A_191, %dma_wait3A_297] : memref<131072x64xf32, #tpu.memory_space<hbm>> -> memref<128x64xf32, #tpu.memory_space<hbm>>
        %dma_wait3A_299 = arith.constant 0 : i32
        %dma_wait3A_300 = tpu.memref_slice %arg7[%add3A_191, %dma_wait3A_299] : memref<131072x64xf32, #tpu.memory_space<hbm>> -> memref<128x64xf32, #tpu.memory_space<hbm>>
        %dma_wait3A_301 = arith.constant 0 : i32
        %dma_wait3A_302 = arith.constant 0 : i32
        %dma_wait3A_303 = arith.constant 0 : i32
        %dma_wait3A_304 = tpu.memref_slice %arg10[%rem3A_165, %dma_wait3A_301, %dma_wait3A_302, %dma_wait3A_303] : memref<2x4x128x64xf32, #tpu.memory_space<vmem>> -> memref<1x4x128x64xf32, #tpu.memory_space<vmem>>
        %dma_wait3A_305 = tpu.memref_squeeze %dma_wait3A_304 : memref<1x4x128x64xf32, #tpu.memory_space<vmem>> -> memref<4x128x64xf32, #tpu.memory_space<vmem>>
        %dma_wait3A_306 = arith.constant 0 : i32
        %dma_wait3A_307 = arith.constant 0 : i32
        %dma_wait3A_308 = tpu.memref_slice %dma_wait3A_305[%run_scoped3A, %dma_wait3A_306, %dma_wait3A_307] : memref<4x128x64xf32, #tpu.memory_space<vmem>> -> memref<1x128x64xf32, #tpu.memory_space<vmem>>
        %dma_wait3A_309 = tpu.memref_squeeze %dma_wait3A_308 : memref<1x128x64xf32, #tpu.memory_space<vmem>> -> memref<128x64xf32, #tpu.memory_space<vmem>>
        tpu.wait_dma2 semaphore(%run_scoped3A_265 : memref<!tpu.dma_semaphore, #tpu.memory_space<semaphore_mem>>) src(%dma_wait3A_309 : memref<128x64xf32, #tpu.memory_space<vmem>>) dst(%dma_wait3A_300 : memref<128x64xf32, #tpu.memory_space<hbm>>)
        tpu.yield
      }) : () -> ()
      %mul3A_192 = arith.constant 4 : i32
      %mul3A_193 = arith.muli %scan3A_163, %mul3A_192 : i32
      %add3A_194 = arith.constant 1 : i32
      %add3A_195 = arith.addi %mul3A_193, %add3A_194 : i32
      %dma_wait3A_196 = arith.constant 1 : i32
      %dma_wait3A_197 = arith.constant 0 : i32
      %dma_wait3A_198 = arith.constant 0 : i32
      %dma_wait3A_199 = arith.constant 0 : i32
      %dma_wait3A_200 = tpu.memref_slice %arg10[%rem3A_165, %dma_wait3A_197, %dma_wait3A_198, %dma_wait3A_199] : memref<2x4x128x64xf32, #tpu.memory_space<vmem>> -> memref<1x4x128x64xf32, #tpu.memory_space<vmem>>
      %dma_wait3A_201 = tpu.memref_squeeze %dma_wait3A_200 : memref<1x4x128x64xf32, #tpu.memory_space<vmem>> -> memref<4x128x64xf32, #tpu.memory_space<vmem>>
      %dma_wait3A_202 = arith.constant 0 : i32
      %dma_wait3A_203 = arith.constant 0 : i32
      %dma_wait3A_204 = tpu.memref_slice %dma_wait3A_201[%dma_wait3A_196, %dma_wait3A_202, %dma_wait3A_203] : memref<4x128x64xf32, #tpu.memory_space<vmem>> -> memref<1x128x64xf32, #tpu.memory_space<vmem>>
      %dma_wait3A_205 = tpu.memref_squeeze %dma_wait3A_204 : memref<1x128x64xf32, #tpu.memory_space<vmem>> -> memref<128x64xf32, #tpu.memory_space<vmem>>
      %dma_wait3A_206 = arith.constant 0 : i32
      %dma_wait3A_207 = tpu.memref_slice %arg9[%add3A_195, %dma_wait3A_206] : memref<32x128xi32, #tpu.memory_space<vmem>> -> memref<1x128xi32, #tpu.memory_space<vmem>>
      %dma_wait3A_208 = tpu.memref_squeeze %dma_wait3A_207 : memref<1x128xi32, #tpu.memory_space<vmem>> -> memref<128xi32, #tpu.memory_space<vmem>>
      %dma_wait3A_209 = arith.constant 0 : i32
      %dma_wait3A_210 = arith.constant 0 : i32
      %dma_wait3A_211 = tpu.memref_slice %arg3[%dma_wait3A_209, %dma_wait3A_210] : memref<2000x64xf32, #tpu.memory_space<hbm>> -> memref<2000x64xf32, #tpu.memory_space<hbm>>
      tpu.wait_indirect_dma semaphore(%arg11 : memref<!tpu.dma_semaphore, #tpu.memory_space<semaphore_mem>>) src(%dma_wait3A_211 : memref<2000x64xf32, #tpu.memory_space<hbm>>) dst(%dma_wait3A_205 : memref<128x64xf32, #tpu.memory_space<vmem>>)
      %mul3A_212 = arith.constant 128 : i32
      %mul3A_213 = arith.muli %add3A_195, %mul3A_212 : i32
      %add3A_214 = arith.addi %mul3A_2, %mul3A_213 : i32
      %run_scoped3A_215 = arith.constant 1 : i32
      "tpu.region"() ({
        %run_scoped3A_265 = tpu.sem_alloc : memref<!tpu.dma_semaphore, #tpu.memory_space<semaphore_mem>>
        %dma_start3A_266 = arith.constant 0 : i32
        %dma_start3A_267 = arith.constant 0 : i32
        %dma_start3A_268 = arith.constant 0 : i32
        %dma_start3A_269 = tpu.memref_slice %arg10[%rem3A_165, %dma_start3A_266, %dma_start3A_267, %dma_start3A_268] : memref<2x4x128x64xf32, #tpu.memory_space<vmem>> -> memref<1x4x128x64xf32, #tpu.memory_space<vmem>>
        %dma_start3A_270 = tpu.memref_squeeze %dma_start3A_269 : memref<1x4x128x64xf32, #tpu.memory_space<vmem>> -> memref<4x128x64xf32, #tpu.memory_space<vmem>>
        %dma_start3A_271 = arith.constant 0 : i32
        %dma_start3A_272 = arith.constant 0 : i32
        %dma_start3A_273 = tpu.memref_slice %dma_start3A_270[%run_scoped3A_215, %dma_start3A_271, %dma_start3A_272] : memref<4x128x64xf32, #tpu.memory_space<vmem>> -> memref<1x128x64xf32, #tpu.memory_space<vmem>>
        %dma_start3A_274 = tpu.memref_squeeze %dma_start3A_273 : memref<1x128x64xf32, #tpu.memory_space<vmem>> -> memref<128x64xf32, #tpu.memory_space<vmem>>
        %dma_start3A_275 = arith.constant 0 : i32
        %dma_start3A_276 = tpu.memref_slice %arg7[%add3A_214, %dma_start3A_275] : memref<131072x64xf32, #tpu.memory_space<hbm>> -> memref<128x64xf32, #tpu.memory_space<hbm>>
        %dma_start3A_277 = arith.constant 0 : i32
        %dma_start3A_278 = tpu.memref_slice %arg7[%add3A_214, %dma_start3A_277] : memref<131072x64xf32, #tpu.memory_space<hbm>> -> memref<128x64xf32, #tpu.memory_space<hbm>>
        %dma_start3A_279 = arith.constant 0 : i32
        %dma_start3A_280 = arith.constant 0 : i32
        %dma_start3A_281 = arith.constant 0 : i32
        %dma_start3A_282 = tpu.memref_slice %arg10[%rem3A_165, %dma_start3A_279, %dma_start3A_280, %dma_start3A_281] : memref<2x4x128x64xf32, #tpu.memory_space<vmem>> -> memref<1x4x128x64xf32, #tpu.memory_space<vmem>>
        %dma_start3A_283 = tpu.memref_squeeze %dma_start3A_282 : memref<1x4x128x64xf32, #tpu.memory_space<vmem>> -> memref<4x128x64xf32, #tpu.memory_space<vmem>>
        %dma_start3A_284 = arith.constant 0 : i32
        %dma_start3A_285 = arith.constant 0 : i32
        %dma_start3A_286 = tpu.memref_slice %dma_start3A_283[%run_scoped3A_215, %dma_start3A_284, %dma_start3A_285] : memref<4x128x64xf32, #tpu.memory_space<vmem>> -> memref<1x128x64xf32, #tpu.memory_space<vmem>>
        %dma_start3A_287 = tpu.memref_squeeze %dma_start3A_286 : memref<1x128x64xf32, #tpu.memory_space<vmem>> -> memref<128x64xf32, #tpu.memory_space<vmem>>
        tpu.enqueue_dma source(%dma_start3A_287 : memref<128x64xf32, #tpu.memory_space<vmem>>) target(%dma_start3A_278 : memref<128x64xf32, #tpu.memory_space<hbm>>) target_semaphore(%run_scoped3A_265 : memref<!tpu.dma_semaphore, #tpu.memory_space<semaphore_mem>>)
        %dma_wait3A_288 = arith.constant 0 : i32
        %dma_wait3A_289 = arith.constant 0 : i32
        %dma_wait3A_290 = arith.constant 0 : i32
        %dma_wait3A_291 = tpu.memref_slice %arg10[%rem3A_165, %dma_wait3A_288, %dma_wait3A_289, %dma_wait3A_290] : memref<2x4x128x64xf32, #tpu.memory_space<vmem>> -> memref<1x4x128x64xf32, #tpu.memory_space<vmem>>
        %dma_wait3A_292 = tpu.memref_squeeze %dma_wait3A_291 : memref<1x4x128x64xf32, #tpu.memory_space<vmem>> -> memref<4x128x64xf32, #tpu.memory_space<vmem>>
        %dma_wait3A_293 = arith.constant 0 : i32
        %dma_wait3A_294 = arith.constant 0 : i32
        %dma_wait3A_295 = tpu.memref_slice %dma_wait3A_292[%run_scoped3A_215, %dma_wait3A_293, %dma_wait3A_294] : memref<4x128x64xf32, #tpu.memory_space<vmem>> -> memref<1x128x64xf32, #tpu.memory_space<vmem>>
        %dma_wait3A_296 = tpu.memref_squeeze %dma_wait3A_295 : memref<1x128x64xf32, #tpu.memory_space<vmem>> -> memref<128x64xf32, #tpu.memory_space<vmem>>
        %dma_wait3A_297 = arith.constant 0 : i32
        %dma_wait3A_298 = tpu.memref_slice %arg7[%add3A_214, %dma_wait3A_297] : memref<131072x64xf32, #tpu.memory_space<hbm>> -> memref<128x64xf32, #tpu.memory_space<hbm>>
        %dma_wait3A_299 = arith.constant 0 : i32
        %dma_wait3A_300 = tpu.memref_slice %arg7[%add3A_214, %dma_wait3A_299] : memref<131072x64xf32, #tpu.memory_space<hbm>> -> memref<128x64xf32, #tpu.memory_space<hbm>>
        %dma_wait3A_301 = arith.constant 0 : i32
        %dma_wait3A_302 = arith.constant 0 : i32
        %dma_wait3A_303 = arith.constant 0 : i32
        %dma_wait3A_304 = tpu.memref_slice %arg10[%rem3A_165, %dma_wait3A_301, %dma_wait3A_302, %dma_wait3A_303] : memref<2x4x128x64xf32, #tpu.memory_space<vmem>> -> memref<1x4x128x64xf32, #tpu.memory_space<vmem>>
        %dma_wait3A_305 = tpu.memref_squeeze %dma_wait3A_304 : memref<1x4x128x64xf32, #tpu.memory_space<vmem>> -> memref<4x128x64xf32, #tpu.memory_space<vmem>>
        %dma_wait3A_306 = arith.constant 0 : i32
        %dma_wait3A_307 = arith.constant 0 : i32
        %dma_wait3A_308 = tpu.memref_slice %dma_wait3A_305[%run_scoped3A_215, %dma_wait3A_306, %dma_wait3A_307] : memref<4x128x64xf32, #tpu.memory_space<vmem>> -> memref<1x128x64xf32, #tpu.memory_space<vmem>>
        %dma_wait3A_309 = tpu.memref_squeeze %dma_wait3A_308 : memref<1x128x64xf32, #tpu.memory_space<vmem>> -> memref<128x64xf32, #tpu.memory_space<vmem>>
        tpu.wait_dma2 semaphore(%run_scoped3A_265 : memref<!tpu.dma_semaphore, #tpu.memory_space<semaphore_mem>>) src(%dma_wait3A_309 : memref<128x64xf32, #tpu.memory_space<vmem>>) dst(%dma_wait3A_300 : memref<128x64xf32, #tpu.memory_space<hbm>>)
        tpu.yield
      }) : () -> ()
      %mul3A_216 = arith.constant 4 : i32
      %mul3A_217 = arith.muli %scan3A_163, %mul3A_216 : i32
      %add3A_218 = arith.constant 2 : i32
      %add3A_219 = arith.addi %mul3A_217, %add3A_218 : i32
      %dma_wait3A_220 = arith.constant 2 : i32
      %dma_wait3A_221 = arith.constant 0 : i32
      %dma_wait3A_222 = arith.constant 0 : i32
      %dma_wait3A_223 = arith.constant 0 : i32
      %dma_wait3A_224 = tpu.memref_slice %arg10[%rem3A_165, %dma_wait3A_221, %dma_wait3A_222, %dma_wait3A_223] : memref<2x4x128x64xf32, #tpu.memory_space<vmem>> -> memref<1x4x128x64xf32, #tpu.memory_space<vmem>>
      %dma_wait3A_225 = tpu.memref_squeeze %dma_wait3A_224 : memref<1x4x128x64xf32, #tpu.memory_space<vmem>> -> memref<4x128x64xf32, #tpu.memory_space<vmem>>
      %dma_wait3A_226 = arith.constant 0 : i32
      %dma_wait3A_227 = arith.constant 0 : i32
      %dma_wait3A_228 = tpu.memref_slice %dma_wait3A_225[%dma_wait3A_220, %dma_wait3A_226, %dma_wait3A_227] : memref<4x128x64xf32, #tpu.memory_space<vmem>> -> memref<1x128x64xf32, #tpu.memory_space<vmem>>
      %dma_wait3A_229 = tpu.memref_squeeze %dma_wait3A_228 : memref<1x128x64xf32, #tpu.memory_space<vmem>> -> memref<128x64xf32, #tpu.memory_space<vmem>>
      %dma_wait3A_230 = arith.constant 0 : i32
      %dma_wait3A_231 = tpu.memref_slice %arg9[%add3A_219, %dma_wait3A_230] : memref<32x128xi32, #tpu.memory_space<vmem>> -> memref<1x128xi32, #tpu.memory_space<vmem>>
      %dma_wait3A_232 = tpu.memref_squeeze %dma_wait3A_231 : memref<1x128xi32, #tpu.memory_space<vmem>> -> memref<128xi32, #tpu.memory_space<vmem>>
      %dma_wait3A_233 = arith.constant 0 : i32
      %dma_wait3A_234 = arith.constant 0 : i32
      %dma_wait3A_235 = tpu.memref_slice %arg3[%dma_wait3A_233, %dma_wait3A_234] : memref<2000x64xf32, #tpu.memory_space<hbm>> -> memref<2000x64xf32, #tpu.memory_space<hbm>>
      tpu.wait_indirect_dma semaphore(%arg11 : memref<!tpu.dma_semaphore, #tpu.memory_space<semaphore_mem>>) src(%dma_wait3A_235 : memref<2000x64xf32, #tpu.memory_space<hbm>>) dst(%dma_wait3A_229 : memref<128x64xf32, #tpu.memory_space<vmem>>)
      %mul3A_236 = arith.constant 128 : i32
      %mul3A_237 = arith.muli %add3A_219, %mul3A_236 : i32
      %add3A_238 = arith.addi %mul3A_2, %mul3A_237 : i32
      %run_scoped3A_239 = arith.constant 2 : i32
      "tpu.region"() ({
        %run_scoped3A_265 = tpu.sem_alloc : memref<!tpu.dma_semaphore, #tpu.memory_space<semaphore_mem>>
        %dma_start3A_266 = arith.constant 0 : i32
        %dma_start3A_267 = arith.constant 0 : i32
        %dma_start3A_268 = arith.constant 0 : i32
        %dma_start3A_269 = tpu.memref_slice %arg10[%rem3A_165, %dma_start3A_266, %dma_start3A_267, %dma_start3A_268] : memref<2x4x128x64xf32, #tpu.memory_space<vmem>> -> memref<1x4x128x64xf32, #tpu.memory_space<vmem>>
        %dma_start3A_270 = tpu.memref_squeeze %dma_start3A_269 : memref<1x4x128x64xf32, #tpu.memory_space<vmem>> -> memref<4x128x64xf32, #tpu.memory_space<vmem>>
        %dma_start3A_271 = arith.constant 0 : i32
        %dma_start3A_272 = arith.constant 0 : i32
        %dma_start3A_273 = tpu.memref_slice %dma_start3A_270[%run_scoped3A_239, %dma_start3A_271, %dma_start3A_272] : memref<4x128x64xf32, #tpu.memory_space<vmem>> -> memref<1x128x64xf32, #tpu.memory_space<vmem>>
        %dma_start3A_274 = tpu.memref_squeeze %dma_start3A_273 : memref<1x128x64xf32, #tpu.memory_space<vmem>> -> memref<128x64xf32, #tpu.memory_space<vmem>>
        %dma_start3A_275 = arith.constant 0 : i32
        %dma_start3A_276 = tpu.memref_slice %arg7[%add3A_238, %dma_start3A_275] : memref<131072x64xf32, #tpu.memory_space<hbm>> -> memref<128x64xf32, #tpu.memory_space<hbm>>
        %dma_start3A_277 = arith.constant 0 : i32
        %dma_start3A_278 = tpu.memref_slice %arg7[%add3A_238, %dma_start3A_277] : memref<131072x64xf32, #tpu.memory_space<hbm>> -> memref<128x64xf32, #tpu.memory_space<hbm>>
        %dma_start3A_279 = arith.constant 0 : i32
        %dma_start3A_280 = arith.constant 0 : i32
        %dma_start3A_281 = arith.constant 0 : i32
        %dma_start3A_282 = tpu.memref_slice %arg10[%rem3A_165, %dma_start3A_279, %dma_start3A_280, %dma_start3A_281] : memref<2x4x128x64xf32, #tpu.memory_space<vmem>> -> memref<1x4x128x64xf32, #tpu.memory_space<vmem>>
        %dma_start3A_283 = tpu.memref_squeeze %dma_start3A_282 : memref<1x4x128x64xf32, #tpu.memory_space<vmem>> -> memref<4x128x64xf32, #tpu.memory_space<vmem>>
        %dma_start3A_284 = arith.constant 0 : i32
        %dma_start3A_285 = arith.constant 0 : i32
        %dma_start3A_286 = tpu.memref_slice %dma_start3A_283[%run_scoped3A_239, %dma_start3A_284, %dma_start3A_285] : memref<4x128x64xf32, #tpu.memory_space<vmem>> -> memref<1x128x64xf32, #tpu.memory_space<vmem>>
        %dma_start3A_287 = tpu.memref_squeeze %dma_start3A_286 : memref<1x128x64xf32, #tpu.memory_space<vmem>> -> memref<128x64xf32, #tpu.memory_space<vmem>>
        tpu.enqueue_dma source(%dma_start3A_287 : memref<128x64xf32, #tpu.memory_space<vmem>>) target(%dma_start3A_278 : memref<128x64xf32, #tpu.memory_space<hbm>>) target_semaphore(%run_scoped3A_265 : memref<!tpu.dma_semaphore, #tpu.memory_space<semaphore_mem>>)
        %dma_wait3A_288 = arith.constant 0 : i32
        %dma_wait3A_289 = arith.constant 0 : i32
        %dma_wait3A_290 = arith.constant 0 : i32
        %dma_wait3A_291 = tpu.memref_slice %arg10[%rem3A_165, %dma_wait3A_288, %dma_wait3A_289, %dma_wait3A_290] : memref<2x4x128x64xf32, #tpu.memory_space<vmem>> -> memref<1x4x128x64xf32, #tpu.memory_space<vmem>>
        %dma_wait3A_292 = tpu.memref_squeeze %dma_wait3A_291 : memref<1x4x128x64xf32, #tpu.memory_space<vmem>> -> memref<4x128x64xf32, #tpu.memory_space<vmem>>
        %dma_wait3A_293 = arith.constant 0 : i32
        %dma_wait3A_294 = arith.constant 0 : i32
        %dma_wait3A_295 = tpu.memref_slice %dma_wait3A_292[%run_scoped3A_239, %dma_wait3A_293, %dma_wait3A_294] : memref<4x128x64xf32, #tpu.memory_space<vmem>> -> memref<1x128x64xf32, #tpu.memory_space<vmem>>
        %dma_wait3A_296 = tpu.memref_squeeze %dma_wait3A_295 : memref<1x128x64xf32, #tpu.memory_space<vmem>> -> memref<128x64xf32, #tpu.memory_space<vmem>>
        %dma_wait3A_297 = arith.constant 0 : i32
        %dma_wait3A_298 = tpu.memref_slice %arg7[%add3A_238, %dma_wait3A_297] : memref<131072x64xf32, #tpu.memory_space<hbm>> -> memref<128x64xf32, #tpu.memory_space<hbm>>
        %dma_wait3A_299 = arith.constant 0 : i32
        %dma_wait3A_300 = tpu.memref_slice %arg7[%add3A_238, %dma_wait3A_299] : memref<131072x64xf32, #tpu.memory_space<hbm>> -> memref<128x64xf32, #tpu.memory_space<hbm>>
        %dma_wait3A_301 = arith.constant 0 : i32
        %dma_wait3A_302 = arith.constant 0 : i32
        %dma_wait3A_303 = arith.constant 0 : i32
        %dma_wait3A_304 = tpu.memref_slice %arg10[%rem3A_165, %dma_wait3A_301, %dma_wait3A_302, %dma_wait3A_303] : memref<2x4x128x64xf32, #tpu.memory_space<vmem>> -> memref<1x4x128x64xf32, #tpu.memory_space<vmem>>
        %dma_wait3A_305 = tpu.memref_squeeze %dma_wait3A_304 : memref<1x4x128x64xf32, #tpu.memory_space<vmem>> -> memref<4x128x64xf32, #tpu.memory_space<vmem>>
        %dma_wait3A_306 = arith.constant 0 : i32
        %dma_wait3A_307 = arith.constant 0 : i32
        %dma_wait3A_308 = tpu.memref_slice %dma_wait3A_305[%run_scoped3A_239, %dma_wait3A_306, %dma_wait3A_307] : memref<4x128x64xf32, #tpu.memory_space<vmem>> -> memref<1x128x64xf32, #tpu.memory_space<vmem>>
        %dma_wait3A_309 = tpu.memref_squeeze %dma_wait3A_308 : memref<1x128x64xf32, #tpu.memory_space<vmem>> -> memref<128x64xf32, #tpu.memory_space<vmem>>
        tpu.wait_dma2 semaphore(%run_scoped3A_265 : memref<!tpu.dma_semaphore, #tpu.memory_space<semaphore_mem>>) src(%dma_wait3A_309 : memref<128x64xf32, #tpu.memory_space<vmem>>) dst(%dma_wait3A_300 : memref<128x64xf32, #tpu.memory_space<hbm>>)
        tpu.yield
      }) : () -> ()
      %mul3A_240 = arith.constant 4 : i32
      %mul3A_241 = arith.muli %scan3A_163, %mul3A_240 : i32
      %add3A_242 = arith.constant 3 : i32
      %add3A_243 = arith.addi %mul3A_241, %add3A_242 : i32
      %dma_wait3A_244 = arith.constant 3 : i32
      %dma_wait3A_245 = arith.constant 0 : i32
      %dma_wait3A_246 = arith.constant 0 : i32
      %dma_wait3A_247 = arith.constant 0 : i32
      %dma_wait3A_248 = tpu.memref_slice %arg10[%rem3A_165, %dma_wait3A_245, %dma_wait3A_246, %dma_wait3A_247] : memref<2x4x128x64xf32, #tpu.memory_space<vmem>> -> memref<1x4x128x64xf32, #tpu.memory_space<vmem>>
      %dma_wait3A_249 = tpu.memref_squeeze %dma_wait3A_248 : memref<1x4x128x64xf32, #tpu.memory_space<vmem>> -> memref<4x128x64xf32, #tpu.memory_space<vmem>>
      %dma_wait3A_250 = arith.constant 0 : i32
      %dma_wait3A_251 = arith.constant 0 : i32
      %dma_wait3A_252 = tpu.memref_slice %dma_wait3A_249[%dma_wait3A_244, %dma_wait3A_250, %dma_wait3A_251] : memref<4x128x64xf32, #tpu.memory_space<vmem>> -> memref<1x128x64xf32, #tpu.memory_space<vmem>>
      %dma_wait3A_253 = tpu.memref_squeeze %dma_wait3A_252 : memref<1x128x64xf32, #tpu.memory_space<vmem>> -> memref<128x64xf32, #tpu.memory_space<vmem>>
      %dma_wait3A_254 = arith.constant 0 : i32
      %dma_wait3A_255 = tpu.memref_slice %arg9[%add3A_243, %dma_wait3A_254] : memref<32x128xi32, #tpu.memory_space<vmem>> -> memref<1x128xi32, #tpu.memory_space<vmem>>
      %dma_wait3A_256 = tpu.memref_squeeze %dma_wait3A_255 : memref<1x128xi32, #tpu.memory_space<vmem>> -> memref<128xi32, #tpu.memory_space<vmem>>
      %dma_wait3A_257 = arith.constant 0 : i32
      %dma_wait3A_258 = arith.constant 0 : i32
      %dma_wait3A_259 = tpu.memref_slice %arg3[%dma_wait3A_257, %dma_wait3A_258] : memref<2000x64xf32, #tpu.memory_space<hbm>> -> memref<2000x64xf32, #tpu.memory_space<hbm>>
      tpu.wait_indirect_dma semaphore(%arg11 : memref<!tpu.dma_semaphore, #tpu.memory_space<semaphore_mem>>) src(%dma_wait3A_259 : memref<2000x64xf32, #tpu.memory_space<hbm>>) dst(%dma_wait3A_253 : memref<128x64xf32, #tpu.memory_space<vmem>>)
      %mul3A_260 = arith.constant 128 : i32
      %mul3A_261 = arith.muli %add3A_243, %mul3A_260 : i32
      %add3A_262 = arith.addi %mul3A_2, %mul3A_261 : i32
      %run_scoped3A_263 = arith.constant 3 : i32
      "tpu.region"() ({
        %run_scoped3A_265 = tpu.sem_alloc : memref<!tpu.dma_semaphore, #tpu.memory_space<semaphore_mem>>
        %dma_start3A_266 = arith.constant 0 : i32
        %dma_start3A_267 = arith.constant 0 : i32
        %dma_start3A_268 = arith.constant 0 : i32
        %dma_start3A_269 = tpu.memref_slice %arg10[%rem3A_165, %dma_start3A_266, %dma_start3A_267, %dma_start3A_268] : memref<2x4x128x64xf32, #tpu.memory_space<vmem>> -> memref<1x4x128x64xf32, #tpu.memory_space<vmem>>
        %dma_start3A_270 = tpu.memref_squeeze %dma_start3A_269 : memref<1x4x128x64xf32, #tpu.memory_space<vmem>> -> memref<4x128x64xf32, #tpu.memory_space<vmem>>
        %dma_start3A_271 = arith.constant 0 : i32
        %dma_start3A_272 = arith.constant 0 : i32
        %dma_start3A_273 = tpu.memref_slice %dma_start3A_270[%run_scoped3A_263, %dma_start3A_271, %dma_start3A_272] : memref<4x128x64xf32, #tpu.memory_space<vmem>> -> memref<1x128x64xf32, #tpu.memory_space<vmem>>
        %dma_start3A_274 = tpu.memref_squeeze %dma_start3A_273 : memref<1x128x64xf32, #tpu.memory_space<vmem>> -> memref<128x64xf32, #tpu.memory_space<vmem>>
        %dma_start3A_275 = arith.constant 0 : i32
        %dma_start3A_276 = tpu.memref_slice %arg7[%add3A_262, %dma_start3A_275] : memref<131072x64xf32, #tpu.memory_space<hbm>> -> memref<128x64xf32, #tpu.memory_space<hbm>>
        %dma_start3A_277 = arith.constant 0 : i32
        %dma_start3A_278 = tpu.memref_slice %arg7[%add3A_262, %dma_start3A_277] : memref<131072x64xf32, #tpu.memory_space<hbm>> -> memref<128x64xf32, #tpu.memory_space<hbm>>
        %dma_start3A_279 = arith.constant 0 : i32
        %dma_start3A_280 = arith.constant 0 : i32
        %dma_start3A_281 = arith.constant 0 : i32
        %dma_start3A_282 = tpu.memref_slice %arg10[%rem3A_165, %dma_start3A_279, %dma_start3A_280, %dma_start3A_281] : memref<2x4x128x64xf32, #tpu.memory_space<vmem>> -> memref<1x4x128x64xf32, #tpu.memory_space<vmem>>
        %dma_start3A_283 = tpu.memref_squeeze %dma_start3A_282 : memref<1x4x128x64xf32, #tpu.memory_space<vmem>> -> memref<4x128x64xf32, #tpu.memory_space<vmem>>
        %dma_start3A_284 = arith.constant 0 : i32
        %dma_start3A_285 = arith.constant 0 : i32
        %dma_start3A_286 = tpu.memref_slice %dma_start3A_283[%run_scoped3A_263, %dma_start3A_284, %dma_start3A_285] : memref<4x128x64xf32, #tpu.memory_space<vmem>> -> memref<1x128x64xf32, #tpu.memory_space<vmem>>
        %dma_start3A_287 = tpu.memref_squeeze %dma_start3A_286 : memref<1x128x64xf32, #tpu.memory_space<vmem>> -> memref<128x64xf32, #tpu.memory_space<vmem>>
        tpu.enqueue_dma source(%dma_start3A_287 : memref<128x64xf32, #tpu.memory_space<vmem>>) target(%dma_start3A_278 : memref<128x64xf32, #tpu.memory_space<hbm>>) target_semaphore(%run_scoped3A_265 : memref<!tpu.dma_semaphore, #tpu.memory_space<semaphore_mem>>)
        %dma_wait3A_288 = arith.constant 0 : i32
        %dma_wait3A_289 = arith.constant 0 : i32
        %dma_wait3A_290 = arith.constant 0 : i32
        %dma_wait3A_291 = tpu.memref_slice %arg10[%rem3A_165, %dma_wait3A_288, %dma_wait3A_289, %dma_wait3A_290] : memref<2x4x128x64xf32, #tpu.memory_space<vmem>> -> memref<1x4x128x64xf32, #tpu.memory_space<vmem>>
        %dma_wait3A_292 = tpu.memref_squeeze %dma_wait3A_291 : memref<1x4x128x64xf32, #tpu.memory_space<vmem>> -> memref<4x128x64xf32, #tpu.memory_space<vmem>>
        %dma_wait3A_293 = arith.constant 0 : i32
        %dma_wait3A_294 = arith.constant 0 : i32
        %dma_wait3A_295 = tpu.memref_slice %dma_wait3A_292[%run_scoped3A_263, %dma_wait3A_293, %dma_wait3A_294] : memref<4x128x64xf32, #tpu.memory_space<vmem>> -> memref<1x128x64xf32, #tpu.memory_space<vmem>>
        %dma_wait3A_296 = tpu.memref_squeeze %dma_wait3A_295 : memref<1x128x64xf32, #tpu.memory_space<vmem>> -> memref<128x64xf32, #tpu.memory_space<vmem>>
        %dma_wait3A_297 = arith.constant 0 : i32
        %dma_wait3A_298 = tpu.memref_slice %arg7[%add3A_262, %dma_wait3A_297] : memref<131072x64xf32, #tpu.memory_space<hbm>> -> memref<128x64xf32, #tpu.memory_space<hbm>>
        %dma_wait3A_299 = arith.constant 0 : i32
        %dma_wait3A_300 = tpu.memref_slice %arg7[%add3A_262, %dma_wait3A_299] : memref<131072x64xf32, #tpu.memory_space<hbm>> -> memref<128x64xf32, #tpu.memory_space<hbm>>
        %dma_wait3A_301 = arith.constant 0 : i32
        %dma_wait3A_302 = arith.constant 0 : i32
        %dma_wait3A_303 = arith.constant 0 : i32
        %dma_wait3A_304 = tpu.memref_slice %arg10[%rem3A_165, %dma_wait3A_301, %dma_wait3A_302, %dma_wait3A_303] : memref<2x4x128x64xf32, #tpu.memory_space<vmem>> -> memref<1x4x128x64xf32, #tpu.memory_space<vmem>>
        %dma_wait3A_305 = tpu.memref_squeeze %dma_wait3A_304 : memref<1x4x128x64xf32, #tpu.memory_space<vmem>> -> memref<4x128x64xf32, #tpu.memory_space<vmem>>
        %dma_wait3A_306 = arith.constant 0 : i32
        %dma_wait3A_307 = arith.constant 0 : i32
        %dma_wait3A_308 = tpu.memref_slice %dma_wait3A_305[%run_scoped3A_263, %dma_wait3A_306, %dma_wait3A_307] : memref<4x128x64xf32, #tpu.memory_space<vmem>> -> memref<1x128x64xf32, #tpu.memory_space<vmem>>
        %dma_wait3A_309 = tpu.memref_squeeze %dma_wait3A_308 : memref<1x128x64xf32, #tpu.memory_space<vmem>> -> memref<128x64xf32, #tpu.memory_space<vmem>>
        tpu.wait_dma2 semaphore(%run_scoped3A_265 : memref<!tpu.dma_semaphore, #tpu.memory_space<semaphore_mem>>) src(%dma_wait3A_309 : memref<128x64xf32, #tpu.memory_space<vmem>>) dst(%dma_wait3A_300 : memref<128x64xf32, #tpu.memory_space<hbm>>)
        tpu.yield
      }) : () -> ()
      %scan3A_264 = arith.constant 0 : i32
      scf.yield %scan3A_264 : i32
    }
    %scan3A_162 = arith.constant 8 : i32
    return
  }
}

module attributes {stable_mosaic.version = 14 : i64} {
  func.func @_lstm_body(%arg0: i32, %arg1: memref<4096x128xf32, #tpu.memory_space<vmem>>, %arg2: memref<4096x128xf32, #tpu.memory_space<vmem>>, %arg3: memref<4096x128xf32, #tpu.memory_space<vmem>>, %arg4: memref<384x512xf32, #tpu.memory_space<vmem>>, %arg5: memref<1x512xf32, #tpu.memory_space<vmem>>, %arg6: memref<128x384xf32, #tpu.memory_space<vmem>>, %arg7: memref<128x128xf32, #tpu.memory_space<vmem>>, %arg8: memref<64x192xf32, #tpu.memory_space<vmem>>, %arg9: memref<16x64xf32, #tpu.memory_space<vmem>>) attributes {dimension_semantics = [#tpu.dimension_semantics<arbitrary>], iteration_bounds = array<i64: 8>, scalar_prefetch = 0 : i64, scratch_operands = 0 : i64, tpu.core_type = #tpu.core_type<tc>, window_params = [{transform_indices = @transform_0, window_bounds = array<i64: 4096, 128>}, {transform_indices = @transform_1, window_bounds = array<i64: 4096, 128>}, {transform_indices = @transform_2, window_bounds = array<i64: 4096, 128>}, {pipeline_mode = #tpu.pipeline_mode<synchronous>, transform_indices = @transform_3, window_bounds = array<i64: 384, 512>}, {pipeline_mode = #tpu.pipeline_mode<synchronous>, transform_indices = @transform_4, window_bounds = array<i64: 1, 512>}, {pipeline_mode = #tpu.pipeline_mode<synchronous>, transform_indices = @transform_5, window_bounds = array<i64: 128, 384>}, {pipeline_mode = #tpu.pipeline_mode<synchronous>, transform_indices = @transform_6, window_bounds = array<i64: 128, 128>}, {pipeline_mode = #tpu.pipeline_mode<synchronous>, transform_indices = @transform_7, window_bounds = array<i64: 64, 192>}, {transform_indices = @transform_8, window_bounds = array<i64: 16, 64>}]} {
    %get3A = arith.constant 0 : index
    %get3A_0 = arith.constant 0 : index
    %get3A_1 = vector.load %arg1[%get3A, %get3A_0] : memref<4096x128xf32, #tpu.memory_space<vmem>>, vector<4096x128xf32>
    %get3A_2 = arith.constant 0 : index
    %get3A_3 = arith.constant 0 : index
    %get3A_4 = vector.load %arg2[%get3A_2, %get3A_3] : memref<4096x128xf32, #tpu.memory_space<vmem>>, vector<4096x128xf32>
    %get3A_5 = arith.constant 0 : index
    %get3A_6 = arith.constant 0 : index
    %get3A_7 = vector.load %arg3[%get3A_5, %get3A_6] : memref<4096x128xf32, #tpu.memory_space<vmem>>, vector<4096x128xf32>
    %concatenate3A = tpu.concatenate %get3A_1, %get3A_4, %get3A_7 in 1 : vector<4096x128xf32>, vector<4096x128xf32>, vector<4096x128xf32> -> vector<4096x384xf32>
    %get3A_8 = arith.constant 0 : index
    %get3A_9 = arith.constant 0 : index
    %get3A_10 = vector.load %arg4[%get3A_8, %get3A_9] : memref<384x512xf32, #tpu.memory_space<vmem>>, vector<384x512xf32>
    %dot_general3A = arith.constant dense<0.000000e+00> : vector<4096x512xf32>
    %dot_general3A_11 = tpu.matmul %concatenate3A, %get3A_10, %dot_general3A {dimension_numbers = #tpu.dot_dimension_numbers<[1], [0], [0], [1], [0, 0, 1, 1], [], []>, transpose_lhs_hint = false} : vector<4096x384xf32>, vector<384x512xf32>, vector<4096x512xf32> -> vector<4096x512xf32>
    %get3A_12 = arith.constant 0 : index
    %get3A_13 = arith.constant 0 : index
    %get3A_14 = vector.load %arg5[%get3A_12, %get3A_13] : memref<1x512xf32, #tpu.memory_space<vmem>>, vector<1x512xf32>
    %add3A = vector.broadcast %get3A_14 : vector<1x512xf32> to vector<4096x512xf32>
    %add3A_15 = arith.addf %dot_general3A_11, %add3A : vector<4096x512xf32>
    %reshape3A = vector.shape_cast %add3A_15 : vector<4096x512xf32> to vector<16x256x512xf32>
    %get3A_16 = arith.constant 0 : index
    %get3A_17 = arith.constant 0 : index
    %get3A_18 = vector.load %arg6[%get3A_16, %get3A_17] : memref<128x384xf32, #tpu.memory_space<vmem>>, vector<128x384xf32>
    %get3A_19 = arith.constant 0 : index
    %get3A_20 = arith.constant 0 : index
    %get3A_21 = vector.load %arg7[%get3A_19, %get3A_20] : memref<128x128xf32, #tpu.memory_space<vmem>>, vector<128x128xf32>
    %get3A_22 = arith.constant 0 : index
    %get3A_23 = arith.constant 0 : index
    %get3A_24 = vector.load %arg8[%get3A_22, %get3A_23] : memref<64x192xf32, #tpu.memory_space<vmem>>, vector<64x192xf32>
    %slice3A = vector.extract_strided_slice %reshape3A {offsets = [0, 0, 0], sizes = [16, 128, 512], strides = [1, 1, 1]} : vector<16x256x512xf32> to vector<16x128x512xf32>
    %reshape3A_25 = vector.shape_cast %slice3A : vector<16x128x512xf32> to vector<2048x512xf32>
    %slice3A_26 = vector.extract_strided_slice %reshape3A_25 {offsets = [0, 0], sizes = [2048, 128], strides = [1, 1]} : vector<2048x512xf32> to vector<2048x128xf32>
    %logistic3A = arith.negf %slice3A_26 : vector<2048x128xf32>
    %logistic3A_27 = math.exp %logistic3A : vector<2048x128xf32>
    %logistic3A_28 = arith.constant 1.000000e+00 : f32
    %logistic3A_29 = vector.broadcast %logistic3A_28 : f32 to vector<2048x128xf32>
    %logistic3A_30 = arith.addf %logistic3A_29, %logistic3A_27 : vector<2048x128xf32>
    %logistic3A_31 = arith.divf %logistic3A_29, %logistic3A_30 : vector<2048x128xf32>
    %slice3A_32 = vector.extract_strided_slice %reshape3A_25 {offsets = [0, 128], sizes = [2048, 128], strides = [1, 1]} : vector<2048x512xf32> to vector<2048x128xf32>
    %logistic3A_33 = arith.negf %slice3A_32 : vector<2048x128xf32>
    %logistic3A_34 = math.exp %logistic3A_33 : vector<2048x128xf32>
    %logistic3A_35 = arith.constant 1.000000e+00 : f32
    %logistic3A_36 = vector.broadcast %logistic3A_35 : f32 to vector<2048x128xf32>
    %logistic3A_37 = arith.addf %logistic3A_36, %logistic3A_34 : vector<2048x128xf32>
    %logistic3A_38 = arith.divf %logistic3A_36, %logistic3A_37 : vector<2048x128xf32>
    %slice3A_39 = vector.extract_strided_slice %reshape3A_25 {offsets = [0, 256], sizes = [2048, 128], strides = [1, 1]} : vector<2048x512xf32> to vector<2048x128xf32>
    %tanh3A = math.tanh %slice3A_39 : vector<2048x128xf32>
    %mul3A = arith.mulf %logistic3A_31, %tanh3A : vector<2048x128xf32>
    %tanh3A_40 = math.tanh %mul3A : vector<2048x128xf32>
    %mul3A_41 = arith.mulf %logistic3A_38, %tanh3A_40 : vector<2048x128xf32>
    %slice3A_42 = vector.extract_strided_slice %reshape3A {offsets = [0, 128, 0], sizes = [16, 64, 512], strides = [1, 1, 1]} : vector<16x256x512xf32> to vector<16x64x512xf32>
    %reshape3A_43 = vector.shape_cast %slice3A_42 : vector<16x64x512xf32> to vector<1024x512xf32>
    %concatenate3A_44 = tpu.concatenate %mul3A_41, %mul3A in 1 : vector<2048x128xf32>, vector<2048x128xf32> -> vector<2048x256xf32>
    %reshape3A_45 = vector.shape_cast %concatenate3A_44 : vector<2048x256xf32> to vector<1024x2x256xf32>
    %slice3A_46 = vector.extract_strided_slice %reshape3A_45 {offsets = [0, 0, 0], sizes = [1024, 1, 256], strides = [1, 1, 1]} : vector<1024x2x256xf32> to vector<1024x1x256xf32>
    %squeeze3A = vector.shape_cast %slice3A_46 : vector<1024x1x256xf32> to vector<1024x256xf32>
    %slice3A_47 = vector.extract_strided_slice %reshape3A_45 {offsets = [0, 1, 0], sizes = [1024, 1, 256], strides = [1, 1, 1]} : vector<1024x2x256xf32> to vector<1024x1x256xf32>
    %squeeze3A_48 = vector.shape_cast %slice3A_47 : vector<1024x1x256xf32> to vector<1024x256xf32>
    %concatenate3A_49 = tpu.concatenate %squeeze3A, %squeeze3A_48 in 1 : vector<1024x256xf32>, vector<1024x256xf32> -> vector<1024x512xf32>
    %slice3A_50 = vector.extract_strided_slice %concatenate3A_49 {offsets = [0, 0], sizes = [1024, 128], strides = [1, 1]} : vector<1024x512xf32> to vector<1024x128xf32>
    %slice3A_51 = vector.extract_strided_slice %concatenate3A_49 {offsets = [0, 128], sizes = [1024, 128], strides = [1, 1]} : vector<1024x512xf32> to vector<1024x128xf32>
    %slice3A_52 = vector.extract_strided_slice %concatenate3A_49 {offsets = [0, 256], sizes = [1024, 128], strides = [1, 1]} : vector<1024x512xf32> to vector<1024x128xf32>
    %slice3A_53 = vector.extract_strided_slice %concatenate3A_49 {offsets = [0, 384], sizes = [1024, 128], strides = [1, 1]} : vector<1024x512xf32> to vector<1024x128xf32>
    %slice3A_54 = vector.extract_strided_slice %slice3A_50 {offsets = [0, 0], sizes = [1024, 64], strides = [1, 1]} : vector<1024x128xf32> to vector<1024x64xf32>
    %slice3A_55 = vector.extract_strided_slice %slice3A_50 {offsets = [0, 64], sizes = [1024, 64], strides = [1, 1]} : vector<1024x128xf32> to vector<1024x64xf32>
    %add3A_56 = arith.addf %slice3A_54, %slice3A_55 : vector<1024x64xf32>
    %slice3A_57 = vector.extract_strided_slice %slice3A_52 {offsets = [0, 0], sizes = [1024, 64], strides = [1, 1]} : vector<1024x128xf32> to vector<1024x64xf32>
    %slice3A_58 = vector.extract_strided_slice %slice3A_52 {offsets = [0, 64], sizes = [1024, 64], strides = [1, 1]} : vector<1024x128xf32> to vector<1024x64xf32>
    %add3A_59 = arith.addf %slice3A_57, %slice3A_58 : vector<1024x64xf32>
    %concatenate3A_60 = tpu.concatenate %add3A_56, %add3A_59 in 1 : vector<1024x64xf32>, vector<1024x64xf32> -> vector<1024x128xf32>
    %slice3A_61 = vector.extract_strided_slice %reshape3A_43 {offsets = [0, 0], sizes = [1024, 384], strides = [1, 1]} : vector<1024x512xf32> to vector<1024x384xf32>
    %dot_general3A_62 = arith.constant dense<0.000000e+00> : vector<1024x384xf32>
    %dot_general3A_63 = tpu.matmul %concatenate3A_60, %get3A_18, %dot_general3A_62 {dimension_numbers = #tpu.dot_dimension_numbers<[1], [0], [0], [1], [0, 0, 1, 1], [], []>, transpose_lhs_hint = false} : vector<1024x128xf32>, vector<128x384xf32>, vector<1024x384xf32> -> vector<1024x384xf32>
    %add3A_64 = arith.addf %slice3A_61, %dot_general3A_63 : vector<1024x384xf32>
    %slice3A_65 = vector.extract_strided_slice %add3A_64 {offsets = [0, 0], sizes = [1024, 128], strides = [1, 1]} : vector<1024x384xf32> to vector<1024x128xf32>
    %logistic3A_66 = arith.negf %slice3A_65 : vector<1024x128xf32>
    %logistic3A_67 = math.exp %logistic3A_66 : vector<1024x128xf32>
    %logistic3A_68 = arith.constant 1.000000e+00 : f32
    %logistic3A_69 = vector.broadcast %logistic3A_68 : f32 to vector<1024x128xf32>
    %logistic3A_70 = arith.addf %logistic3A_69, %logistic3A_67 : vector<1024x128xf32>
    %logistic3A_71 = arith.divf %logistic3A_69, %logistic3A_70 : vector<1024x128xf32>
    %slice3A_72 = vector.extract_strided_slice %add3A_64 {offsets = [0, 128], sizes = [1024, 128], strides = [1, 1]} : vector<1024x384xf32> to vector<1024x128xf32>
    %logistic3A_73 = arith.negf %slice3A_72 : vector<1024x128xf32>
    %logistic3A_74 = math.exp %logistic3A_73 : vector<1024x128xf32>
    %logistic3A_75 = arith.constant 1.000000e+00 : f32
    %logistic3A_76 = vector.broadcast %logistic3A_75 : f32 to vector<1024x128xf32>
    %logistic3A_77 = arith.addf %logistic3A_76, %logistic3A_74 : vector<1024x128xf32>
    %logistic3A_78 = arith.divf %logistic3A_76, %logistic3A_77 : vector<1024x128xf32>
    %slice3A_79 = vector.extract_strided_slice %add3A_64 {offsets = [0, 256], sizes = [1024, 128], strides = [1, 1]} : vector<1024x384xf32> to vector<1024x128xf32>
    %tanh3A_80 = math.tanh %slice3A_79 : vector<1024x128xf32>
    %slice3A_81 = vector.extract_strided_slice %reshape3A_43 {offsets = [0, 384], sizes = [1024, 64], strides = [1, 1]} : vector<1024x512xf32> to vector<1024x64xf32>
    %slice3A_82 = vector.extract_strided_slice %reshape3A_43 {offsets = [0, 448], sizes = [1024, 64], strides = [1, 1]} : vector<1024x512xf32> to vector<1024x64xf32>
    %dot_general3A_83 = arith.constant dense<0.000000e+00> : vector<1024x128xf32>
    %dot_general3A_84 = tpu.matmul %slice3A_50, %get3A_21, %dot_general3A_83 {dimension_numbers = #tpu.dot_dimension_numbers<[1], [0], [0], [1], [0, 0, 1, 1], [], []>, transpose_lhs_hint = false} : vector<1024x128xf32>, vector<128x128xf32>, vector<1024x128xf32> -> vector<1024x128xf32>
    %concatenate3A_85 = tpu.concatenate %slice3A_81, %slice3A_81 in 1 : vector<1024x64xf32>, vector<1024x64xf32> -> vector<1024x128xf32>
    %add3A_86 = arith.addf %dot_general3A_84, %concatenate3A_85 : vector<1024x128xf32>
    %logistic3A_87 = arith.negf %add3A_86 : vector<1024x128xf32>
    %logistic3A_88 = math.exp %logistic3A_87 : vector<1024x128xf32>
    %logistic3A_89 = arith.constant 1.000000e+00 : f32
    %logistic3A_90 = vector.broadcast %logistic3A_89 : f32 to vector<1024x128xf32>
    %logistic3A_91 = arith.addf %logistic3A_90, %logistic3A_88 : vector<1024x128xf32>
    %logistic3A_92 = arith.divf %logistic3A_90, %logistic3A_91 : vector<1024x128xf32>
    %dot_general3A_93 = arith.constant dense<0.000000e+00> : vector<1024x128xf32>
    %dot_general3A_94 = tpu.matmul %slice3A_52, %get3A_21, %dot_general3A_93 {dimension_numbers = #tpu.dot_dimension_numbers<[1], [0], [0], [1], [0, 0, 1, 1], [], []>, transpose_lhs_hint = false} : vector<1024x128xf32>, vector<128x128xf32>, vector<1024x128xf32> -> vector<1024x128xf32>
    %concatenate3A_95 = tpu.concatenate %slice3A_82, %slice3A_82 in 1 : vector<1024x64xf32>, vector<1024x64xf32> -> vector<1024x128xf32>
    %add3A_96 = arith.addf %dot_general3A_94, %concatenate3A_95 : vector<1024x128xf32>
    %logistic3A_97 = arith.negf %add3A_96 : vector<1024x128xf32>
    %logistic3A_98 = math.exp %logistic3A_97 : vector<1024x128xf32>
    %logistic3A_99 = arith.constant 1.000000e+00 : f32
    %logistic3A_100 = vector.broadcast %logistic3A_99 : f32 to vector<1024x128xf32>
    %logistic3A_101 = arith.addf %logistic3A_100, %logistic3A_98 : vector<1024x128xf32>
    %logistic3A_102 = arith.divf %logistic3A_100, %logistic3A_101 : vector<1024x128xf32>
    %mul3A_103 = arith.mulf %logistic3A_92, %slice3A_51 : vector<1024x128xf32>
    %mul3A_104 = arith.mulf %logistic3A_102, %slice3A_53 : vector<1024x128xf32>
    %slice3A_105 = vector.extract_strided_slice %mul3A_103 {offsets = [0, 0], sizes = [1024, 64], strides = [1, 1]} : vector<1024x128xf32> to vector<1024x64xf32>
    %slice3A_106 = vector.extract_strided_slice %mul3A_103 {offsets = [0, 64], sizes = [1024, 64], strides = [1, 1]} : vector<1024x128xf32> to vector<1024x64xf32>
    %add3A_107 = arith.addf %slice3A_105, %slice3A_106 : vector<1024x64xf32>
    %slice3A_108 = vector.extract_strided_slice %mul3A_104 {offsets = [0, 0], sizes = [1024, 64], strides = [1, 1]} : vector<1024x128xf32> to vector<1024x64xf32>
    %slice3A_109 = vector.extract_strided_slice %mul3A_104 {offsets = [0, 64], sizes = [1024, 64], strides = [1, 1]} : vector<1024x128xf32> to vector<1024x64xf32>
    %add3A_110 = arith.addf %slice3A_108, %slice3A_109 : vector<1024x64xf32>
    %concatenate3A_111 = tpu.concatenate %add3A_107, %add3A_110 in 1 : vector<1024x64xf32>, vector<1024x64xf32> -> vector<1024x128xf32>
    %mul3A_112 = arith.mulf %logistic3A_71, %tanh3A_80 : vector<1024x128xf32>
    %add3A_113 = arith.addf %mul3A_112, %concatenate3A_111 : vector<1024x128xf32>
    %tanh3A_114 = math.tanh %add3A_113 : vector<1024x128xf32>
    %mul3A_115 = arith.mulf %logistic3A_78, %tanh3A_114 : vector<1024x128xf32>
    %slice3A_116 = vector.extract_strided_slice %reshape3A {offsets = [0, 192, 0], sizes = [16, 32, 512], strides = [1, 1, 1]} : vector<16x256x512xf32> to vector<16x32x512xf32>
    %reshape3A_117 = vector.shape_cast %slice3A_116 : vector<16x32x512xf32> to vector<512x512xf32>
    %concatenate3A_118 = tpu.concatenate %mul3A_115, %add3A_113 in 1 : vector<1024x128xf32>, vector<1024x128xf32> -> vector<1024x256xf32>
    %reshape3A_119 = vector.shape_cast %concatenate3A_118 : vector<1024x256xf32> to vector<512x2x256xf32>
    %slice3A_120 = vector.extract_strided_slice %reshape3A_119 {offsets = [0, 0, 0], sizes = [512, 1, 256], strides = [1, 1, 1]} : vector<512x2x256xf32> to vector<512x1x256xf32>
    %squeeze3A_121 = vector.shape_cast %slice3A_120 : vector<512x1x256xf32> to vector<512x256xf32>
    %slice3A_122 = vector.extract_strided_slice %reshape3A_119 {offsets = [0, 1, 0], sizes = [512, 1, 256], strides = [1, 1, 1]} : vector<512x2x256xf32> to vector<512x1x256xf32>
    %squeeze3A_123 = vector.shape_cast %slice3A_122 : vector<512x1x256xf32> to vector<512x256xf32>
    %concatenate3A_124 = tpu.concatenate %squeeze3A_121, %squeeze3A_123 in 1 : vector<512x256xf32>, vector<512x256xf32> -> vector<512x512xf32>
    %slice3A_125 = vector.extract_strided_slice %concatenate3A_124 {offsets = [0, 0], sizes = [512, 128], strides = [1, 1]} : vector<512x512xf32> to vector<512x128xf32>
    %slice3A_126 = vector.extract_strided_slice %concatenate3A_124 {offsets = [0, 128], sizes = [512, 128], strides = [1, 1]} : vector<512x512xf32> to vector<512x128xf32>
    %slice3A_127 = vector.extract_strided_slice %concatenate3A_124 {offsets = [0, 256], sizes = [512, 128], strides = [1, 1]} : vector<512x512xf32> to vector<512x128xf32>
    %slice3A_128 = vector.extract_strided_slice %concatenate3A_124 {offsets = [0, 384], sizes = [512, 128], strides = [1, 1]} : vector<512x512xf32> to vector<512x128xf32>
    %slice3A_129 = vector.extract_strided_slice %slice3A_125 {offsets = [0, 0], sizes = [512, 64], strides = [1, 1]} : vector<512x128xf32> to vector<512x64xf32>
    %slice3A_130 = vector.extract_strided_slice %slice3A_125 {offsets = [0, 64], sizes = [512, 64], strides = [1, 1]} : vector<512x128xf32> to vector<512x64xf32>
    %add3A_131 = arith.addf %slice3A_129, %slice3A_130 : vector<512x64xf32>
    %slice3A_132 = vector.extract_strided_slice %slice3A_127 {offsets = [0, 0], sizes = [512, 64], strides = [1, 1]} : vector<512x128xf32> to vector<512x64xf32>
    %slice3A_133 = vector.extract_strided_slice %slice3A_127 {offsets = [0, 64], sizes = [512, 64], strides = [1, 1]} : vector<512x128xf32> to vector<512x64xf32>
    %add3A_134 = arith.addf %slice3A_132, %slice3A_133 : vector<512x64xf32>
    %concatenate3A_135 = tpu.concatenate %add3A_131, %add3A_134 in 1 : vector<512x64xf32>, vector<512x64xf32> -> vector<512x128xf32>
    %slice3A_136 = vector.extract_strided_slice %reshape3A_117 {offsets = [0, 0], sizes = [512, 384], strides = [1, 1]} : vector<512x512xf32> to vector<512x384xf32>
    %dot_general3A_137 = arith.constant dense<0.000000e+00> : vector<512x384xf32>
    %dot_general3A_138 = tpu.matmul %concatenate3A_135, %get3A_18, %dot_general3A_137 {dimension_numbers = #tpu.dot_dimension_numbers<[1], [0], [0], [1], [0, 0, 1, 1], [], []>, transpose_lhs_hint = false} : vector<512x128xf32>, vector<128x384xf32>, vector<512x384xf32> -> vector<512x384xf32>
    %add3A_139 = arith.addf %slice3A_136, %dot_general3A_138 : vector<512x384xf32>
    %slice3A_140 = vector.extract_strided_slice %add3A_139 {offsets = [0, 0], sizes = [512, 128], strides = [1, 1]} : vector<512x384xf32> to vector<512x128xf32>
    %logistic3A_141 = arith.negf %slice3A_140 : vector<512x128xf32>
    %logistic3A_142 = math.exp %logistic3A_141 : vector<512x128xf32>
    %logistic3A_143 = arith.constant 1.000000e+00 : f32
    %logistic3A_144 = vector.broadcast %logistic3A_143 : f32 to vector<512x128xf32>
    %logistic3A_145 = arith.addf %logistic3A_144, %logistic3A_142 : vector<512x128xf32>
    %logistic3A_146 = arith.divf %logistic3A_144, %logistic3A_145 : vector<512x128xf32>
    %slice3A_147 = vector.extract_strided_slice %add3A_139 {offsets = [0, 128], sizes = [512, 128], strides = [1, 1]} : vector<512x384xf32> to vector<512x128xf32>
    %logistic3A_148 = arith.negf %slice3A_147 : vector<512x128xf32>
    %logistic3A_149 = math.exp %logistic3A_148 : vector<512x128xf32>
    %logistic3A_150 = arith.constant 1.000000e+00 : f32
    %logistic3A_151 = vector.broadcast %logistic3A_150 : f32 to vector<512x128xf32>
    %logistic3A_152 = arith.addf %logistic3A_151, %logistic3A_149 : vector<512x128xf32>
    %logistic3A_153 = arith.divf %logistic3A_151, %logistic3A_152 : vector<512x128xf32>
    %slice3A_154 = vector.extract_strided_slice %add3A_139 {offsets = [0, 256], sizes = [512, 128], strides = [1, 1]} : vector<512x384xf32> to vector<512x128xf32>
    %tanh3A_155 = math.tanh %slice3A_154 : vector<512x128xf32>
    %slice3A_156 = vector.extract_strided_slice %reshape3A_117 {offsets = [0, 384], sizes = [512, 64], strides = [1, 1]} : vector<512x512xf32> to vector<512x64xf32>
    %slice3A_157 = vector.extract_strided_slice %reshape3A_117 {offsets = [0, 448], sizes = [512, 64], strides = [1, 1]} : vector<512x512xf32> to vector<512x64xf32>
    %dot_general3A_158 = arith.constant dense<0.000000e+00> : vector<512x128xf32>
    %dot_general3A_159 = tpu.matmul %slice3A_125, %get3A_21, %dot_general3A_158 {dimension_numbers = #tpu.dot_dimension_numbers<[1], [0], [0], [1], [0, 0, 1, 1], [], []>, transpose_lhs_hint = false} : vector<512x128xf32>, vector<128x128xf32>, vector<512x128xf32> -> vector<512x128xf32>
    %concatenate3A_160 = tpu.concatenate %slice3A_156, %slice3A_156 in 1 : vector<512x64xf32>, vector<512x64xf32> -> vector<512x128xf32>
    %add3A_161 = arith.addf %dot_general3A_159, %concatenate3A_160 : vector<512x128xf32>
    %logistic3A_162 = arith.negf %add3A_161 : vector<512x128xf32>
    %logistic3A_163 = math.exp %logistic3A_162 : vector<512x128xf32>
    %logistic3A_164 = arith.constant 1.000000e+00 : f32
    %logistic3A_165 = vector.broadcast %logistic3A_164 : f32 to vector<512x128xf32>
    %logistic3A_166 = arith.addf %logistic3A_165, %logistic3A_163 : vector<512x128xf32>
    %logistic3A_167 = arith.divf %logistic3A_165, %logistic3A_166 : vector<512x128xf32>
    %dot_general3A_168 = arith.constant dense<0.000000e+00> : vector<512x128xf32>
    %dot_general3A_169 = tpu.matmul %slice3A_127, %get3A_21, %dot_general3A_168 {dimension_numbers = #tpu.dot_dimension_numbers<[1], [0], [0], [1], [0, 0, 1, 1], [], []>, transpose_lhs_hint = false} : vector<512x128xf32>, vector<128x128xf32>, vector<512x128xf32> -> vector<512x128xf32>
    %concatenate3A_170 = tpu.concatenate %slice3A_157, %slice3A_157 in 1 : vector<512x64xf32>, vector<512x64xf32> -> vector<512x128xf32>
    %add3A_171 = arith.addf %dot_general3A_169, %concatenate3A_170 : vector<512x128xf32>
    %logistic3A_172 = arith.negf %add3A_171 : vector<512x128xf32>
    %logistic3A_173 = math.exp %logistic3A_172 : vector<512x128xf32>
    %logistic3A_174 = arith.constant 1.000000e+00 : f32
    %logistic3A_175 = vector.broadcast %logistic3A_174 : f32 to vector<512x128xf32>
    %logistic3A_176 = arith.addf %logistic3A_175, %logistic3A_173 : vector<512x128xf32>
    %logistic3A_177 = arith.divf %logistic3A_175, %logistic3A_176 : vector<512x128xf32>
    %mul3A_178 = arith.mulf %logistic3A_167, %slice3A_126 : vector<512x128xf32>
    %mul3A_179 = arith.mulf %logistic3A_177, %slice3A_128 : vector<512x128xf32>
    %slice3A_180 = vector.extract_strided_slice %mul3A_178 {offsets = [0, 0], sizes = [512, 64], strides = [1, 1]} : vector<512x128xf32> to vector<512x64xf32>
    %slice3A_181 = vector.extract_strided_slice %mul3A_178 {offsets = [0, 64], sizes = [512, 64], strides = [1, 1]} : vector<512x128xf32> to vector<512x64xf32>
    %add3A_182 = arith.addf %slice3A_180, %slice3A_181 : vector<512x64xf32>
    %slice3A_183 = vector.extract_strided_slice %mul3A_179 {offsets = [0, 0], sizes = [512, 64], strides = [1, 1]} : vector<512x128xf32> to vector<512x64xf32>
    %slice3A_184 = vector.extract_strided_slice %mul3A_179 {offsets = [0, 64], sizes = [512, 64], strides = [1, 1]} : vector<512x128xf32> to vector<512x64xf32>
    %add3A_185 = arith.addf %slice3A_183, %slice3A_184 : vector<512x64xf32>
    %concatenate3A_186 = tpu.concatenate %add3A_182, %add3A_185 in 1 : vector<512x64xf32>, vector<512x64xf32> -> vector<512x128xf32>
    %mul3A_187 = arith.mulf %logistic3A_146, %tanh3A_155 : vector<512x128xf32>
    %add3A_188 = arith.addf %mul3A_187, %concatenate3A_186 : vector<512x128xf32>
    %tanh3A_189 = math.tanh %add3A_188 : vector<512x128xf32>
    %mul3A_190 = arith.mulf %logistic3A_153, %tanh3A_189 : vector<512x128xf32>
    %slice3A_191 = vector.extract_strided_slice %reshape3A {offsets = [0, 224, 0], sizes = [16, 16, 512], strides = [1, 1, 1]} : vector<16x256x512xf32> to vector<16x16x512xf32>
    %reshape3A_192 = vector.shape_cast %slice3A_191 : vector<16x16x512xf32> to vector<256x512xf32>
    %concatenate3A_193 = tpu.concatenate %mul3A_190, %add3A_188 in 1 : vector<512x128xf32>, vector<512x128xf32> -> vector<512x256xf32>
    %reshape3A_194 = vector.shape_cast %concatenate3A_193 : vector<512x256xf32> to vector<256x2x256xf32>
    %slice3A_195 = vector.extract_strided_slice %reshape3A_194 {offsets = [0, 0, 0], sizes = [256, 1, 256], strides = [1, 1, 1]} : vector<256x2x256xf32> to vector<256x1x256xf32>
    %squeeze3A_196 = vector.shape_cast %slice3A_195 : vector<256x1x256xf32> to vector<256x256xf32>
    %slice3A_197 = vector.extract_strided_slice %reshape3A_194 {offsets = [0, 1, 0], sizes = [256, 1, 256], strides = [1, 1, 1]} : vector<256x2x256xf32> to vector<256x1x256xf32>
    %squeeze3A_198 = vector.shape_cast %slice3A_197 : vector<256x1x256xf32> to vector<256x256xf32>
    %concatenate3A_199 = tpu.concatenate %squeeze3A_196, %squeeze3A_198 in 1 : vector<256x256xf32>, vector<256x256xf32> -> vector<256x512xf32>
    %slice3A_200 = vector.extract_strided_slice %concatenate3A_199 {offsets = [0, 0], sizes = [256, 128], strides = [1, 1]} : vector<256x512xf32> to vector<256x128xf32>
    %slice3A_201 = vector.extract_strided_slice %concatenate3A_199 {offsets = [0, 128], sizes = [256, 128], strides = [1, 1]} : vector<256x512xf32> to vector<256x128xf32>
    %slice3A_202 = vector.extract_strided_slice %concatenate3A_199 {offsets = [0, 256], sizes = [256, 128], strides = [1, 1]} : vector<256x512xf32> to vector<256x128xf32>
    %slice3A_203 = vector.extract_strided_slice %concatenate3A_199 {offsets = [0, 384], sizes = [256, 128], strides = [1, 1]} : vector<256x512xf32> to vector<256x128xf32>
    %slice3A_204 = vector.extract_strided_slice %slice3A_200 {offsets = [0, 0], sizes = [256, 64], strides = [1, 1]} : vector<256x128xf32> to vector<256x64xf32>
    %slice3A_205 = vector.extract_strided_slice %slice3A_200 {offsets = [0, 64], sizes = [256, 64], strides = [1, 1]} : vector<256x128xf32> to vector<256x64xf32>
    %add3A_206 = arith.addf %slice3A_204, %slice3A_205 : vector<256x64xf32>
    %slice3A_207 = vector.extract_strided_slice %slice3A_202 {offsets = [0, 0], sizes = [256, 64], strides = [1, 1]} : vector<256x128xf32> to vector<256x64xf32>
    %slice3A_208 = vector.extract_strided_slice %slice3A_202 {offsets = [0, 64], sizes = [256, 64], strides = [1, 1]} : vector<256x128xf32> to vector<256x64xf32>
    %add3A_209 = arith.addf %slice3A_207, %slice3A_208 : vector<256x64xf32>
    %concatenate3A_210 = tpu.concatenate %add3A_206, %add3A_209 in 1 : vector<256x64xf32>, vector<256x64xf32> -> vector<256x128xf32>
    %slice3A_211 = vector.extract_strided_slice %reshape3A_192 {offsets = [0, 0], sizes = [256, 384], strides = [1, 1]} : vector<256x512xf32> to vector<256x384xf32>
    %dot_general3A_212 = arith.constant dense<0.000000e+00> : vector<256x384xf32>
    %dot_general3A_213 = tpu.matmul %concatenate3A_210, %get3A_18, %dot_general3A_212 {dimension_numbers = #tpu.dot_dimension_numbers<[1], [0], [0], [1], [0, 0, 1, 1], [], []>, transpose_lhs_hint = false} : vector<256x128xf32>, vector<128x384xf32>, vector<256x384xf32> -> vector<256x384xf32>
    %add3A_214 = arith.addf %slice3A_211, %dot_general3A_213 : vector<256x384xf32>
    %slice3A_215 = vector.extract_strided_slice %add3A_214 {offsets = [0, 0], sizes = [256, 128], strides = [1, 1]} : vector<256x384xf32> to vector<256x128xf32>
    %logistic3A_216 = arith.negf %slice3A_215 : vector<256x128xf32>
    %logistic3A_217 = math.exp %logistic3A_216 : vector<256x128xf32>
    %logistic3A_218 = arith.constant 1.000000e+00 : f32
    %logistic3A_219 = vector.broadcast %logistic3A_218 : f32 to vector<256x128xf32>
    %logistic3A_220 = arith.addf %logistic3A_219, %logistic3A_217 : vector<256x128xf32>
    %logistic3A_221 = arith.divf %logistic3A_219, %logistic3A_220 : vector<256x128xf32>
    %slice3A_222 = vector.extract_strided_slice %add3A_214 {offsets = [0, 128], sizes = [256, 128], strides = [1, 1]} : vector<256x384xf32> to vector<256x128xf32>
    %logistic3A_223 = arith.negf %slice3A_222 : vector<256x128xf32>
    %logistic3A_224 = math.exp %logistic3A_223 : vector<256x128xf32>
    %logistic3A_225 = arith.constant 1.000000e+00 : f32
    %logistic3A_226 = vector.broadcast %logistic3A_225 : f32 to vector<256x128xf32>
    %logistic3A_227 = arith.addf %logistic3A_226, %logistic3A_224 : vector<256x128xf32>
    %logistic3A_228 = arith.divf %logistic3A_226, %logistic3A_227 : vector<256x128xf32>
    %slice3A_229 = vector.extract_strided_slice %add3A_214 {offsets = [0, 256], sizes = [256, 128], strides = [1, 1]} : vector<256x384xf32> to vector<256x128xf32>
    %tanh3A_230 = math.tanh %slice3A_229 : vector<256x128xf32>
    %slice3A_231 = vector.extract_strided_slice %reshape3A_192 {offsets = [0, 384], sizes = [256, 64], strides = [1, 1]} : vector<256x512xf32> to vector<256x64xf32>
    %slice3A_232 = vector.extract_strided_slice %reshape3A_192 {offsets = [0, 448], sizes = [256, 64], strides = [1, 1]} : vector<256x512xf32> to vector<256x64xf32>
    %dot_general3A_233 = arith.constant dense<0.000000e+00> : vector<256x128xf32>
    %dot_general3A_234 = tpu.matmul %slice3A_200, %get3A_21, %dot_general3A_233 {dimension_numbers = #tpu.dot_dimension_numbers<[1], [0], [0], [1], [0, 0, 1, 1], [], []>, transpose_lhs_hint = false} : vector<256x128xf32>, vector<128x128xf32>, vector<256x128xf32> -> vector<256x128xf32>
    %concatenate3A_235 = tpu.concatenate %slice3A_231, %slice3A_231 in 1 : vector<256x64xf32>, vector<256x64xf32> -> vector<256x128xf32>
    %add3A_236 = arith.addf %dot_general3A_234, %concatenate3A_235 : vector<256x128xf32>
    %logistic3A_237 = arith.negf %add3A_236 : vector<256x128xf32>
    %logistic3A_238 = math.exp %logistic3A_237 : vector<256x128xf32>
    %logistic3A_239 = arith.constant 1.000000e+00 : f32
    %logistic3A_240 = vector.broadcast %logistic3A_239 : f32 to vector<256x128xf32>
    %logistic3A_241 = arith.addf %logistic3A_240, %logistic3A_238 : vector<256x128xf32>
    %logistic3A_242 = arith.divf %logistic3A_240, %logistic3A_241 : vector<256x128xf32>
    %dot_general3A_243 = arith.constant dense<0.000000e+00> : vector<256x128xf32>
    %dot_general3A_244 = tpu.matmul %slice3A_202, %get3A_21, %dot_general3A_243 {dimension_numbers = #tpu.dot_dimension_numbers<[1], [0], [0], [1], [0, 0, 1, 1], [], []>, transpose_lhs_hint = false} : vector<256x128xf32>, vector<128x128xf32>, vector<256x128xf32> -> vector<256x128xf32>
    %concatenate3A_245 = tpu.concatenate %slice3A_232, %slice3A_232 in 1 : vector<256x64xf32>, vector<256x64xf32> -> vector<256x128xf32>
    %add3A_246 = arith.addf %dot_general3A_244, %concatenate3A_245 : vector<256x128xf32>
    %logistic3A_247 = arith.negf %add3A_246 : vector<256x128xf32>
    %logistic3A_248 = math.exp %logistic3A_247 : vector<256x128xf32>
    %logistic3A_249 = arith.constant 1.000000e+00 : f32
    %logistic3A_250 = vector.broadcast %logistic3A_249 : f32 to vector<256x128xf32>
    %logistic3A_251 = arith.addf %logistic3A_250, %logistic3A_248 : vector<256x128xf32>
    %logistic3A_252 = arith.divf %logistic3A_250, %logistic3A_251 : vector<256x128xf32>
    %mul3A_253 = arith.mulf %logistic3A_242, %slice3A_201 : vector<256x128xf32>
    %mul3A_254 = arith.mulf %logistic3A_252, %slice3A_203 : vector<256x128xf32>
    %slice3A_255 = vector.extract_strided_slice %mul3A_253 {offsets = [0, 0], sizes = [256, 64], strides = [1, 1]} : vector<256x128xf32> to vector<256x64xf32>
    %slice3A_256 = vector.extract_strided_slice %mul3A_253 {offsets = [0, 64], sizes = [256, 64], strides = [1, 1]} : vector<256x128xf32> to vector<256x64xf32>
    %add3A_257 = arith.addf %slice3A_255, %slice3A_256 : vector<256x64xf32>
    %slice3A_258 = vector.extract_strided_slice %mul3A_254 {offsets = [0, 0], sizes = [256, 64], strides = [1, 1]} : vector<256x128xf32> to vector<256x64xf32>
    %slice3A_259 = vector.extract_strided_slice %mul3A_254 {offsets = [0, 64], sizes = [256, 64], strides = [1, 1]} : vector<256x128xf32> to vector<256x64xf32>
    %add3A_260 = arith.addf %slice3A_258, %slice3A_259 : vector<256x64xf32>
    %concatenate3A_261 = tpu.concatenate %add3A_257, %add3A_260 in 1 : vector<256x64xf32>, vector<256x64xf32> -> vector<256x128xf32>
    %mul3A_262 = arith.mulf %logistic3A_221, %tanh3A_230 : vector<256x128xf32>
    %add3A_263 = arith.addf %mul3A_262, %concatenate3A_261 : vector<256x128xf32>
    %tanh3A_264 = math.tanh %add3A_263 : vector<256x128xf32>
    %mul3A_265 = arith.mulf %logistic3A_228, %tanh3A_264 : vector<256x128xf32>
    %slice3A_266 = vector.extract_strided_slice %reshape3A {offsets = [0, 240, 0], sizes = [16, 8, 512], strides = [1, 1, 1]} : vector<16x256x512xf32> to vector<16x8x512xf32>
    %reshape3A_267 = vector.shape_cast %slice3A_266 : vector<16x8x512xf32> to vector<128x512xf32>
    %concatenate3A_268 = tpu.concatenate %mul3A_265, %add3A_263 in 1 : vector<256x128xf32>, vector<256x128xf32> -> vector<256x256xf32>
    %reshape3A_269 = vector.shape_cast %concatenate3A_268 : vector<256x256xf32> to vector<128x2x256xf32>
    %slice3A_270 = vector.extract_strided_slice %reshape3A_269 {offsets = [0, 0, 0], sizes = [128, 1, 256], strides = [1, 1, 1]} : vector<128x2x256xf32> to vector<128x1x256xf32>
    %squeeze3A_271 = vector.shape_cast %slice3A_270 : vector<128x1x256xf32> to vector<128x256xf32>
    %slice3A_272 = vector.extract_strided_slice %reshape3A_269 {offsets = [0, 1, 0], sizes = [128, 1, 256], strides = [1, 1, 1]} : vector<128x2x256xf32> to vector<128x1x256xf32>
    %squeeze3A_273 = vector.shape_cast %slice3A_272 : vector<128x1x256xf32> to vector<128x256xf32>
    %concatenate3A_274 = tpu.concatenate %squeeze3A_271, %squeeze3A_273 in 1 : vector<128x256xf32>, vector<128x256xf32> -> vector<128x512xf32>
    %slice3A_275 = vector.extract_strided_slice %concatenate3A_274 {offsets = [0, 0], sizes = [128, 128], strides = [1, 1]} : vector<128x512xf32> to vector<128x128xf32>
    %slice3A_276 = vector.extract_strided_slice %concatenate3A_274 {offsets = [0, 128], sizes = [128, 128], strides = [1, 1]} : vector<128x512xf32> to vector<128x128xf32>
    %slice3A_277 = vector.extract_strided_slice %concatenate3A_274 {offsets = [0, 256], sizes = [128, 128], strides = [1, 1]} : vector<128x512xf32> to vector<128x128xf32>
    %slice3A_278 = vector.extract_strided_slice %concatenate3A_274 {offsets = [0, 384], sizes = [128, 128], strides = [1, 1]} : vector<128x512xf32> to vector<128x128xf32>
    %slice3A_279 = vector.extract_strided_slice %slice3A_275 {offsets = [0, 0], sizes = [128, 64], strides = [1, 1]} : vector<128x128xf32> to vector<128x64xf32>
    %slice3A_280 = vector.extract_strided_slice %slice3A_275 {offsets = [0, 64], sizes = [128, 64], strides = [1, 1]} : vector<128x128xf32> to vector<128x64xf32>
    %add3A_281 = arith.addf %slice3A_279, %slice3A_280 : vector<128x64xf32>
    %slice3A_282 = vector.extract_strided_slice %slice3A_277 {offsets = [0, 0], sizes = [128, 64], strides = [1, 1]} : vector<128x128xf32> to vector<128x64xf32>
    %slice3A_283 = vector.extract_strided_slice %slice3A_277 {offsets = [0, 64], sizes = [128, 64], strides = [1, 1]} : vector<128x128xf32> to vector<128x64xf32>
    %add3A_284 = arith.addf %slice3A_282, %slice3A_283 : vector<128x64xf32>
    %concatenate3A_285 = tpu.concatenate %add3A_281, %add3A_284 in 1 : vector<128x64xf32>, vector<128x64xf32> -> vector<128x128xf32>
    %slice3A_286 = vector.extract_strided_slice %reshape3A_267 {offsets = [0, 0], sizes = [128, 384], strides = [1, 1]} : vector<128x512xf32> to vector<128x384xf32>
    %dot_general3A_287 = arith.constant dense<0.000000e+00> : vector<128x384xf32>
    %dot_general3A_288 = tpu.matmul %concatenate3A_285, %get3A_18, %dot_general3A_287 {dimension_numbers = #tpu.dot_dimension_numbers<[1], [0], [0], [1], [0, 0, 1, 1], [], []>, transpose_lhs_hint = false} : vector<128x128xf32>, vector<128x384xf32>, vector<128x384xf32> -> vector<128x384xf32>
    %add3A_289 = arith.addf %slice3A_286, %dot_general3A_288 : vector<128x384xf32>
    %slice3A_290 = vector.extract_strided_slice %add3A_289 {offsets = [0, 0], sizes = [128, 128], strides = [1, 1]} : vector<128x384xf32> to vector<128x128xf32>
    %logistic3A_291 = arith.negf %slice3A_290 : vector<128x128xf32>
    %logistic3A_292 = math.exp %logistic3A_291 : vector<128x128xf32>
    %logistic3A_293 = arith.constant 1.000000e+00 : f32
    %logistic3A_294 = vector.broadcast %logistic3A_293 : f32 to vector<128x128xf32>
    %logistic3A_295 = arith.addf %logistic3A_294, %logistic3A_292 : vector<128x128xf32>
    %logistic3A_296 = arith.divf %logistic3A_294, %logistic3A_295 : vector<128x128xf32>
    %slice3A_297 = vector.extract_strided_slice %add3A_289 {offsets = [0, 128], sizes = [128, 128], strides = [1, 1]} : vector<128x384xf32> to vector<128x128xf32>
    %logistic3A_298 = arith.negf %slice3A_297 : vector<128x128xf32>
    %logistic3A_299 = math.exp %logistic3A_298 : vector<128x128xf32>
    %logistic3A_300 = arith.constant 1.000000e+00 : f32
    %logistic3A_301 = vector.broadcast %logistic3A_300 : f32 to vector<128x128xf32>
    %logistic3A_302 = arith.addf %logistic3A_301, %logistic3A_299 : vector<128x128xf32>
    %logistic3A_303 = arith.divf %logistic3A_301, %logistic3A_302 : vector<128x128xf32>
    %slice3A_304 = vector.extract_strided_slice %add3A_289 {offsets = [0, 256], sizes = [128, 128], strides = [1, 1]} : vector<128x384xf32> to vector<128x128xf32>
    %tanh3A_305 = math.tanh %slice3A_304 : vector<128x128xf32>
    %slice3A_306 = vector.extract_strided_slice %reshape3A_267 {offsets = [0, 384], sizes = [128, 64], strides = [1, 1]} : vector<128x512xf32> to vector<128x64xf32>
    %slice3A_307 = vector.extract_strided_slice %reshape3A_267 {offsets = [0, 448], sizes = [128, 64], strides = [1, 1]} : vector<128x512xf32> to vector<128x64xf32>
    %dot_general3A_308 = arith.constant dense<0.000000e+00> : vector<128x128xf32>
    %dot_general3A_309 = tpu.matmul %slice3A_275, %get3A_21, %dot_general3A_308 {dimension_numbers = #tpu.dot_dimension_numbers<[1], [0], [0], [1], [0, 0, 1, 1], [], []>, transpose_lhs_hint = false} : vector<128x128xf32>, vector<128x128xf32>, vector<128x128xf32> -> vector<128x128xf32>
    %concatenate3A_310 = tpu.concatenate %slice3A_306, %slice3A_306 in 1 : vector<128x64xf32>, vector<128x64xf32> -> vector<128x128xf32>
    %add3A_311 = arith.addf %dot_general3A_309, %concatenate3A_310 : vector<128x128xf32>
    %logistic3A_312 = arith.negf %add3A_311 : vector<128x128xf32>
    %logistic3A_313 = math.exp %logistic3A_312 : vector<128x128xf32>
    %logistic3A_314 = arith.constant 1.000000e+00 : f32
    %logistic3A_315 = vector.broadcast %logistic3A_314 : f32 to vector<128x128xf32>
    %logistic3A_316 = arith.addf %logistic3A_315, %logistic3A_313 : vector<128x128xf32>
    %logistic3A_317 = arith.divf %logistic3A_315, %logistic3A_316 : vector<128x128xf32>
    %dot_general3A_318 = arith.constant dense<0.000000e+00> : vector<128x128xf32>
    %dot_general3A_319 = tpu.matmul %slice3A_277, %get3A_21, %dot_general3A_318 {dimension_numbers = #tpu.dot_dimension_numbers<[1], [0], [0], [1], [0, 0, 1, 1], [], []>, transpose_lhs_hint = false} : vector<128x128xf32>, vector<128x128xf32>, vector<128x128xf32> -> vector<128x128xf32>
    %concatenate3A_320 = tpu.concatenate %slice3A_307, %slice3A_307 in 1 : vector<128x64xf32>, vector<128x64xf32> -> vector<128x128xf32>
    %add3A_321 = arith.addf %dot_general3A_319, %concatenate3A_320 : vector<128x128xf32>
    %logistic3A_322 = arith.negf %add3A_321 : vector<128x128xf32>
    %logistic3A_323 = math.exp %logistic3A_322 : vector<128x128xf32>
    %logistic3A_324 = arith.constant 1.000000e+00 : f32
    %logistic3A_325 = vector.broadcast %logistic3A_324 : f32 to vector<128x128xf32>
    %logistic3A_326 = arith.addf %logistic3A_325, %logistic3A_323 : vector<128x128xf32>
    %logistic3A_327 = arith.divf %logistic3A_325, %logistic3A_326 : vector<128x128xf32>
    %mul3A_328 = arith.mulf %logistic3A_317, %slice3A_276 : vector<128x128xf32>
    %mul3A_329 = arith.mulf %logistic3A_327, %slice3A_278 : vector<128x128xf32>
    %slice3A_330 = vector.extract_strided_slice %mul3A_328 {offsets = [0, 0], sizes = [128, 64], strides = [1, 1]} : vector<128x128xf32> to vector<128x64xf32>
    %slice3A_331 = vector.extract_strided_slice %mul3A_328 {offsets = [0, 64], sizes = [128, 64], strides = [1, 1]} : vector<128x128xf32> to vector<128x64xf32>
    %add3A_332 = arith.addf %slice3A_330, %slice3A_331 : vector<128x64xf32>
    %slice3A_333 = vector.extract_strided_slice %mul3A_329 {offsets = [0, 0], sizes = [128, 64], strides = [1, 1]} : vector<128x128xf32> to vector<128x64xf32>
    %slice3A_334 = vector.extract_strided_slice %mul3A_329 {offsets = [0, 64], sizes = [128, 64], strides = [1, 1]} : vector<128x128xf32> to vector<128x64xf32>
    %add3A_335 = arith.addf %slice3A_333, %slice3A_334 : vector<128x64xf32>
    %concatenate3A_336 = tpu.concatenate %add3A_332, %add3A_335 in 1 : vector<128x64xf32>, vector<128x64xf32> -> vector<128x128xf32>
    %mul3A_337 = arith.mulf %logistic3A_296, %tanh3A_305 : vector<128x128xf32>
    %add3A_338 = arith.addf %mul3A_337, %concatenate3A_336 : vector<128x128xf32>
    %tanh3A_339 = math.tanh %add3A_338 : vector<128x128xf32>
    %mul3A_340 = arith.mulf %logistic3A_303, %tanh3A_339 : vector<128x128xf32>
    %slice3A_341 = vector.extract_strided_slice %reshape3A {offsets = [0, 248, 0], sizes = [16, 4, 512], strides = [1, 1, 1]} : vector<16x256x512xf32> to vector<16x4x512xf32>
    %reshape3A_342 = vector.shape_cast %slice3A_341 : vector<16x4x512xf32> to vector<64x512xf32>
    %concatenate3A_343 = tpu.concatenate %mul3A_340, %add3A_338 in 1 : vector<128x128xf32>, vector<128x128xf32> -> vector<128x256xf32>
    %reshape3A_344 = vector.shape_cast %concatenate3A_343 : vector<128x256xf32> to vector<64x2x256xf32>
    %slice3A_345 = vector.extract_strided_slice %reshape3A_344 {offsets = [0, 0, 0], sizes = [64, 1, 256], strides = [1, 1, 1]} : vector<64x2x256xf32> to vector<64x1x256xf32>
    %squeeze3A_346 = vector.shape_cast %slice3A_345 : vector<64x1x256xf32> to vector<64x256xf32>
    %slice3A_347 = vector.extract_strided_slice %reshape3A_344 {offsets = [0, 1, 0], sizes = [64, 1, 256], strides = [1, 1, 1]} : vector<64x2x256xf32> to vector<64x1x256xf32>
    %squeeze3A_348 = vector.shape_cast %slice3A_347 : vector<64x1x256xf32> to vector<64x256xf32>
    %concatenate3A_349 = tpu.concatenate %squeeze3A_346, %squeeze3A_348 in 1 : vector<64x256xf32>, vector<64x256xf32> -> vector<64x512xf32>
    %slice3A_350 = vector.extract_strided_slice %concatenate3A_349 {offsets = [0, 0], sizes = [64, 128], strides = [1, 1]} : vector<64x512xf32> to vector<64x128xf32>
    %slice3A_351 = vector.extract_strided_slice %concatenate3A_349 {offsets = [0, 128], sizes = [64, 128], strides = [1, 1]} : vector<64x512xf32> to vector<64x128xf32>
    %slice3A_352 = vector.extract_strided_slice %concatenate3A_349 {offsets = [0, 256], sizes = [64, 128], strides = [1, 1]} : vector<64x512xf32> to vector<64x128xf32>
    %slice3A_353 = vector.extract_strided_slice %concatenate3A_349 {offsets = [0, 384], sizes = [64, 128], strides = [1, 1]} : vector<64x512xf32> to vector<64x128xf32>
    %slice3A_354 = vector.extract_strided_slice %slice3A_350 {offsets = [0, 0], sizes = [64, 64], strides = [1, 1]} : vector<64x128xf32> to vector<64x64xf32>
    %slice3A_355 = vector.extract_strided_slice %slice3A_350 {offsets = [0, 64], sizes = [64, 64], strides = [1, 1]} : vector<64x128xf32> to vector<64x64xf32>
    %add3A_356 = arith.addf %slice3A_354, %slice3A_355 : vector<64x64xf32>
    %slice3A_357 = vector.extract_strided_slice %slice3A_352 {offsets = [0, 0], sizes = [64, 64], strides = [1, 1]} : vector<64x128xf32> to vector<64x64xf32>
    %slice3A_358 = vector.extract_strided_slice %slice3A_352 {offsets = [0, 64], sizes = [64, 64], strides = [1, 1]} : vector<64x128xf32> to vector<64x64xf32>
    %add3A_359 = arith.addf %slice3A_357, %slice3A_358 : vector<64x64xf32>
    %concatenate3A_360 = tpu.concatenate %add3A_356, %add3A_359 in 1 : vector<64x64xf32>, vector<64x64xf32> -> vector<64x128xf32>
    %slice3A_361 = vector.extract_strided_slice %reshape3A_342 {offsets = [0, 0], sizes = [64, 384], strides = [1, 1]} : vector<64x512xf32> to vector<64x384xf32>
    %dot_general3A_362 = arith.constant dense<0.000000e+00> : vector<64x384xf32>
    %dot_general3A_363 = tpu.matmul %concatenate3A_360, %get3A_18, %dot_general3A_362 {dimension_numbers = #tpu.dot_dimension_numbers<[1], [0], [0], [1], [0, 0, 1, 1], [], []>, transpose_lhs_hint = false} : vector<64x128xf32>, vector<128x384xf32>, vector<64x384xf32> -> vector<64x384xf32>
    %add3A_364 = arith.addf %slice3A_361, %dot_general3A_363 : vector<64x384xf32>
    %slice3A_365 = vector.extract_strided_slice %add3A_364 {offsets = [0, 0], sizes = [64, 128], strides = [1, 1]} : vector<64x384xf32> to vector<64x128xf32>
    %logistic3A_366 = arith.negf %slice3A_365 : vector<64x128xf32>
    %logistic3A_367 = math.exp %logistic3A_366 : vector<64x128xf32>
    %logistic3A_368 = arith.constant 1.000000e+00 : f32
    %logistic3A_369 = vector.broadcast %logistic3A_368 : f32 to vector<64x128xf32>
    %logistic3A_370 = arith.addf %logistic3A_369, %logistic3A_367 : vector<64x128xf32>
    %logistic3A_371 = arith.divf %logistic3A_369, %logistic3A_370 : vector<64x128xf32>
    %slice3A_372 = vector.extract_strided_slice %add3A_364 {offsets = [0, 128], sizes = [64, 128], strides = [1, 1]} : vector<64x384xf32> to vector<64x128xf32>
    %logistic3A_373 = arith.negf %slice3A_372 : vector<64x128xf32>
    %logistic3A_374 = math.exp %logistic3A_373 : vector<64x128xf32>
    %logistic3A_375 = arith.constant 1.000000e+00 : f32
    %logistic3A_376 = vector.broadcast %logistic3A_375 : f32 to vector<64x128xf32>
    %logistic3A_377 = arith.addf %logistic3A_376, %logistic3A_374 : vector<64x128xf32>
    %logistic3A_378 = arith.divf %logistic3A_376, %logistic3A_377 : vector<64x128xf32>
    %slice3A_379 = vector.extract_strided_slice %add3A_364 {offsets = [0, 256], sizes = [64, 128], strides = [1, 1]} : vector<64x384xf32> to vector<64x128xf32>
    %tanh3A_380 = math.tanh %slice3A_379 : vector<64x128xf32>
    %slice3A_381 = vector.extract_strided_slice %reshape3A_342 {offsets = [0, 384], sizes = [64, 64], strides = [1, 1]} : vector<64x512xf32> to vector<64x64xf32>
    %slice3A_382 = vector.extract_strided_slice %reshape3A_342 {offsets = [0, 448], sizes = [64, 64], strides = [1, 1]} : vector<64x512xf32> to vector<64x64xf32>
    %dot_general3A_383 = arith.constant dense<0.000000e+00> : vector<64x128xf32>
    %dot_general3A_384 = tpu.matmul %slice3A_350, %get3A_21, %dot_general3A_383 {dimension_numbers = #tpu.dot_dimension_numbers<[1], [0], [0], [1], [0, 0, 1, 1], [], []>, transpose_lhs_hint = false} : vector<64x128xf32>, vector<128x128xf32>, vector<64x128xf32> -> vector<64x128xf32>
    %concatenate3A_385 = tpu.concatenate %slice3A_381, %slice3A_381 in 1 : vector<64x64xf32>, vector<64x64xf32> -> vector<64x128xf32>
    %add3A_386 = arith.addf %dot_general3A_384, %concatenate3A_385 : vector<64x128xf32>
    %logistic3A_387 = arith.negf %add3A_386 : vector<64x128xf32>
    %logistic3A_388 = math.exp %logistic3A_387 : vector<64x128xf32>
    %logistic3A_389 = arith.constant 1.000000e+00 : f32
    %logistic3A_390 = vector.broadcast %logistic3A_389 : f32 to vector<64x128xf32>
    %logistic3A_391 = arith.addf %logistic3A_390, %logistic3A_388 : vector<64x128xf32>
    %logistic3A_392 = arith.divf %logistic3A_390, %logistic3A_391 : vector<64x128xf32>
    %dot_general3A_393 = arith.constant dense<0.000000e+00> : vector<64x128xf32>
    %dot_general3A_394 = tpu.matmul %slice3A_352, %get3A_21, %dot_general3A_393 {dimension_numbers = #tpu.dot_dimension_numbers<[1], [0], [0], [1], [0, 0, 1, 1], [], []>, transpose_lhs_hint = false} : vector<64x128xf32>, vector<128x128xf32>, vector<64x128xf32> -> vector<64x128xf32>
    %concatenate3A_395 = tpu.concatenate %slice3A_382, %slice3A_382 in 1 : vector<64x64xf32>, vector<64x64xf32> -> vector<64x128xf32>
    %add3A_396 = arith.addf %dot_general3A_394, %concatenate3A_395 : vector<64x128xf32>
    %logistic3A_397 = arith.negf %add3A_396 : vector<64x128xf32>
    %logistic3A_398 = math.exp %logistic3A_397 : vector<64x128xf32>
    %logistic3A_399 = arith.constant 1.000000e+00 : f32
    %logistic3A_400 = vector.broadcast %logistic3A_399 : f32 to vector<64x128xf32>
    %logistic3A_401 = arith.addf %logistic3A_400, %logistic3A_398 : vector<64x128xf32>
    %logistic3A_402 = arith.divf %logistic3A_400, %logistic3A_401 : vector<64x128xf32>
    %mul3A_403 = arith.mulf %logistic3A_392, %slice3A_351 : vector<64x128xf32>
    %mul3A_404 = arith.mulf %logistic3A_402, %slice3A_353 : vector<64x128xf32>
    %slice3A_405 = vector.extract_strided_slice %mul3A_403 {offsets = [0, 0], sizes = [64, 64], strides = [1, 1]} : vector<64x128xf32> to vector<64x64xf32>
    %slice3A_406 = vector.extract_strided_slice %mul3A_403 {offsets = [0, 64], sizes = [64, 64], strides = [1, 1]} : vector<64x128xf32> to vector<64x64xf32>
    %add3A_407 = arith.addf %slice3A_405, %slice3A_406 : vector<64x64xf32>
    %slice3A_408 = vector.extract_strided_slice %mul3A_404 {offsets = [0, 0], sizes = [64, 64], strides = [1, 1]} : vector<64x128xf32> to vector<64x64xf32>
    %slice3A_409 = vector.extract_strided_slice %mul3A_404 {offsets = [0, 64], sizes = [64, 64], strides = [1, 1]} : vector<64x128xf32> to vector<64x64xf32>
    %add3A_410 = arith.addf %slice3A_408, %slice3A_409 : vector<64x64xf32>
    %concatenate3A_411 = tpu.concatenate %add3A_407, %add3A_410 in 1 : vector<64x64xf32>, vector<64x64xf32> -> vector<64x128xf32>
    %mul3A_412 = arith.mulf %logistic3A_371, %tanh3A_380 : vector<64x128xf32>
    %add3A_413 = arith.addf %mul3A_412, %concatenate3A_411 : vector<64x128xf32>
    %tanh3A_414 = math.tanh %add3A_413 : vector<64x128xf32>
    %mul3A_415 = arith.mulf %logistic3A_378, %tanh3A_414 : vector<64x128xf32>
    %slice3A_416 = vector.extract_strided_slice %reshape3A {offsets = [0, 252, 0], sizes = [16, 2, 512], strides = [1, 1, 1]} : vector<16x256x512xf32> to vector<16x2x512xf32>
    %reshape3A_417 = vector.shape_cast %slice3A_416 : vector<16x2x512xf32> to vector<32x512xf32>
    %concatenate3A_418 = tpu.concatenate %mul3A_415, %add3A_413 in 1 : vector<64x128xf32>, vector<64x128xf32> -> vector<64x256xf32>
    %reshape3A_419 = vector.shape_cast %concatenate3A_418 : vector<64x256xf32> to vector<32x2x256xf32>
    %slice3A_420 = vector.extract_strided_slice %reshape3A_419 {offsets = [0, 0, 0], sizes = [32, 1, 256], strides = [1, 1, 1]} : vector<32x2x256xf32> to vector<32x1x256xf32>
    %squeeze3A_421 = vector.shape_cast %slice3A_420 : vector<32x1x256xf32> to vector<32x256xf32>
    %slice3A_422 = vector.extract_strided_slice %reshape3A_419 {offsets = [0, 1, 0], sizes = [32, 1, 256], strides = [1, 1, 1]} : vector<32x2x256xf32> to vector<32x1x256xf32>
    %squeeze3A_423 = vector.shape_cast %slice3A_422 : vector<32x1x256xf32> to vector<32x256xf32>
    %concatenate3A_424 = tpu.concatenate %squeeze3A_421, %squeeze3A_423 in 1 : vector<32x256xf32>, vector<32x256xf32> -> vector<32x512xf32>
    %slice3A_425 = vector.extract_strided_slice %concatenate3A_424 {offsets = [0, 0], sizes = [32, 128], strides = [1, 1]} : vector<32x512xf32> to vector<32x128xf32>
    %slice3A_426 = vector.extract_strided_slice %concatenate3A_424 {offsets = [0, 128], sizes = [32, 128], strides = [1, 1]} : vector<32x512xf32> to vector<32x128xf32>
    %slice3A_427 = vector.extract_strided_slice %concatenate3A_424 {offsets = [0, 256], sizes = [32, 128], strides = [1, 1]} : vector<32x512xf32> to vector<32x128xf32>
    %slice3A_428 = vector.extract_strided_slice %concatenate3A_424 {offsets = [0, 384], sizes = [32, 128], strides = [1, 1]} : vector<32x512xf32> to vector<32x128xf32>
    %slice3A_429 = vector.extract_strided_slice %slice3A_425 {offsets = [0, 0], sizes = [32, 64], strides = [1, 1]} : vector<32x128xf32> to vector<32x64xf32>
    %slice3A_430 = vector.extract_strided_slice %slice3A_425 {offsets = [0, 64], sizes = [32, 64], strides = [1, 1]} : vector<32x128xf32> to vector<32x64xf32>
    %add3A_431 = arith.addf %slice3A_429, %slice3A_430 : vector<32x64xf32>
    %slice3A_432 = vector.extract_strided_slice %slice3A_427 {offsets = [0, 0], sizes = [32, 64], strides = [1, 1]} : vector<32x128xf32> to vector<32x64xf32>
    %slice3A_433 = vector.extract_strided_slice %slice3A_427 {offsets = [0, 64], sizes = [32, 64], strides = [1, 1]} : vector<32x128xf32> to vector<32x64xf32>
    %add3A_434 = arith.addf %slice3A_432, %slice3A_433 : vector<32x64xf32>
    %concatenate3A_435 = tpu.concatenate %add3A_431, %add3A_434 in 1 : vector<32x64xf32>, vector<32x64xf32> -> vector<32x128xf32>
    %slice3A_436 = vector.extract_strided_slice %reshape3A_417 {offsets = [0, 0], sizes = [32, 384], strides = [1, 1]} : vector<32x512xf32> to vector<32x384xf32>
    %dot_general3A_437 = arith.constant dense<0.000000e+00> : vector<32x384xf32>
    %dot_general3A_438 = tpu.matmul %concatenate3A_435, %get3A_18, %dot_general3A_437 {dimension_numbers = #tpu.dot_dimension_numbers<[1], [0], [0], [1], [0, 0, 1, 1], [], []>, transpose_lhs_hint = false} : vector<32x128xf32>, vector<128x384xf32>, vector<32x384xf32> -> vector<32x384xf32>
    %add3A_439 = arith.addf %slice3A_436, %dot_general3A_438 : vector<32x384xf32>
    %slice3A_440 = vector.extract_strided_slice %add3A_439 {offsets = [0, 0], sizes = [32, 128], strides = [1, 1]} : vector<32x384xf32> to vector<32x128xf32>
    %logistic3A_441 = arith.negf %slice3A_440 : vector<32x128xf32>
    %logistic3A_442 = math.exp %logistic3A_441 : vector<32x128xf32>
    %logistic3A_443 = arith.constant 1.000000e+00 : f32
    %logistic3A_444 = vector.broadcast %logistic3A_443 : f32 to vector<32x128xf32>
    %logistic3A_445 = arith.addf %logistic3A_444, %logistic3A_442 : vector<32x128xf32>
    %logistic3A_446 = arith.divf %logistic3A_444, %logistic3A_445 : vector<32x128xf32>
    %slice3A_447 = vector.extract_strided_slice %add3A_439 {offsets = [0, 128], sizes = [32, 128], strides = [1, 1]} : vector<32x384xf32> to vector<32x128xf32>
    %logistic3A_448 = arith.negf %slice3A_447 : vector<32x128xf32>
    %logistic3A_449 = math.exp %logistic3A_448 : vector<32x128xf32>
    %logistic3A_450 = arith.constant 1.000000e+00 : f32
    %logistic3A_451 = vector.broadcast %logistic3A_450 : f32 to vector<32x128xf32>
    %logistic3A_452 = arith.addf %logistic3A_451, %logistic3A_449 : vector<32x128xf32>
    %logistic3A_453 = arith.divf %logistic3A_451, %logistic3A_452 : vector<32x128xf32>
    %slice3A_454 = vector.extract_strided_slice %add3A_439 {offsets = [0, 256], sizes = [32, 128], strides = [1, 1]} : vector<32x384xf32> to vector<32x128xf32>
    %tanh3A_455 = math.tanh %slice3A_454 : vector<32x128xf32>
    %slice3A_456 = vector.extract_strided_slice %reshape3A_417 {offsets = [0, 384], sizes = [32, 64], strides = [1, 1]} : vector<32x512xf32> to vector<32x64xf32>
    %slice3A_457 = vector.extract_strided_slice %reshape3A_417 {offsets = [0, 448], sizes = [32, 64], strides = [1, 1]} : vector<32x512xf32> to vector<32x64xf32>
    %dot_general3A_458 = arith.constant dense<0.000000e+00> : vector<32x128xf32>
    %dot_general3A_459 = tpu.matmul %slice3A_425, %get3A_21, %dot_general3A_458 {dimension_numbers = #tpu.dot_dimension_numbers<[1], [0], [0], [1], [0, 0, 1, 1], [], []>, transpose_lhs_hint = false} : vector<32x128xf32>, vector<128x128xf32>, vector<32x128xf32> -> vector<32x128xf32>
    %concatenate3A_460 = tpu.concatenate %slice3A_456, %slice3A_456 in 1 : vector<32x64xf32>, vector<32x64xf32> -> vector<32x128xf32>
    %add3A_461 = arith.addf %dot_general3A_459, %concatenate3A_460 : vector<32x128xf32>
    %logistic3A_462 = arith.negf %add3A_461 : vector<32x128xf32>
    %logistic3A_463 = math.exp %logistic3A_462 : vector<32x128xf32>
    %logistic3A_464 = arith.constant 1.000000e+00 : f32
    %logistic3A_465 = vector.broadcast %logistic3A_464 : f32 to vector<32x128xf32>
    %logistic3A_466 = arith.addf %logistic3A_465, %logistic3A_463 : vector<32x128xf32>
    %logistic3A_467 = arith.divf %logistic3A_465, %logistic3A_466 : vector<32x128xf32>
    %dot_general3A_468 = arith.constant dense<0.000000e+00> : vector<32x128xf32>
    %dot_general3A_469 = tpu.matmul %slice3A_427, %get3A_21, %dot_general3A_468 {dimension_numbers = #tpu.dot_dimension_numbers<[1], [0], [0], [1], [0, 0, 1, 1], [], []>, transpose_lhs_hint = false} : vector<32x128xf32>, vector<128x128xf32>, vector<32x128xf32> -> vector<32x128xf32>
    %concatenate3A_470 = tpu.concatenate %slice3A_457, %slice3A_457 in 1 : vector<32x64xf32>, vector<32x64xf32> -> vector<32x128xf32>
    %add3A_471 = arith.addf %dot_general3A_469, %concatenate3A_470 : vector<32x128xf32>
    %logistic3A_472 = arith.negf %add3A_471 : vector<32x128xf32>
    %logistic3A_473 = math.exp %logistic3A_472 : vector<32x128xf32>
    %logistic3A_474 = arith.constant 1.000000e+00 : f32
    %logistic3A_475 = vector.broadcast %logistic3A_474 : f32 to vector<32x128xf32>
    %logistic3A_476 = arith.addf %logistic3A_475, %logistic3A_473 : vector<32x128xf32>
    %logistic3A_477 = arith.divf %logistic3A_475, %logistic3A_476 : vector<32x128xf32>
    %mul3A_478 = arith.mulf %logistic3A_467, %slice3A_426 : vector<32x128xf32>
    %mul3A_479 = arith.mulf %logistic3A_477, %slice3A_428 : vector<32x128xf32>
    %slice3A_480 = vector.extract_strided_slice %mul3A_478 {offsets = [0, 0], sizes = [32, 64], strides = [1, 1]} : vector<32x128xf32> to vector<32x64xf32>
    %slice3A_481 = vector.extract_strided_slice %mul3A_478 {offsets = [0, 64], sizes = [32, 64], strides = [1, 1]} : vector<32x128xf32> to vector<32x64xf32>
    %add3A_482 = arith.addf %slice3A_480, %slice3A_481 : vector<32x64xf32>
    %slice3A_483 = vector.extract_strided_slice %mul3A_479 {offsets = [0, 0], sizes = [32, 64], strides = [1, 1]} : vector<32x128xf32> to vector<32x64xf32>
    %slice3A_484 = vector.extract_strided_slice %mul3A_479 {offsets = [0, 64], sizes = [32, 64], strides = [1, 1]} : vector<32x128xf32> to vector<32x64xf32>
    %add3A_485 = arith.addf %slice3A_483, %slice3A_484 : vector<32x64xf32>
    %concatenate3A_486 = tpu.concatenate %add3A_482, %add3A_485 in 1 : vector<32x64xf32>, vector<32x64xf32> -> vector<32x128xf32>
    %mul3A_487 = arith.mulf %logistic3A_446, %tanh3A_455 : vector<32x128xf32>
    %add3A_488 = arith.addf %mul3A_487, %concatenate3A_486 : vector<32x128xf32>
    %tanh3A_489 = math.tanh %add3A_488 : vector<32x128xf32>
    %mul3A_490 = arith.mulf %logistic3A_453, %tanh3A_489 : vector<32x128xf32>
    %slice3A_491 = vector.extract_strided_slice %reshape3A {offsets = [0, 254, 0], sizes = [16, 1, 512], strides = [1, 1, 1]} : vector<16x256x512xf32> to vector<16x1x512xf32>
    %reshape3A_492 = vector.shape_cast %slice3A_491 : vector<16x1x512xf32> to vector<16x512xf32>
    %concatenate3A_493 = tpu.concatenate %mul3A_490, %add3A_488 in 1 : vector<32x128xf32>, vector<32x128xf32> -> vector<32x256xf32>
    %reshape3A_494 = vector.shape_cast %concatenate3A_493 : vector<32x256xf32> to vector<16x2x256xf32>
    %slice3A_495 = vector.extract_strided_slice %reshape3A_494 {offsets = [0, 0, 0], sizes = [16, 1, 256], strides = [1, 1, 1]} : vector<16x2x256xf32> to vector<16x1x256xf32>
    %squeeze3A_496 = vector.shape_cast %slice3A_495 : vector<16x1x256xf32> to vector<16x256xf32>
    %slice3A_497 = vector.extract_strided_slice %reshape3A_494 {offsets = [0, 1, 0], sizes = [16, 1, 256], strides = [1, 1, 1]} : vector<16x2x256xf32> to vector<16x1x256xf32>
    %squeeze3A_498 = vector.shape_cast %slice3A_497 : vector<16x1x256xf32> to vector<16x256xf32>
    %concatenate3A_499 = tpu.concatenate %squeeze3A_496, %squeeze3A_498 in 1 : vector<16x256xf32>, vector<16x256xf32> -> vector<16x512xf32>
    %slice3A_500 = vector.extract_strided_slice %concatenate3A_499 {offsets = [0, 0], sizes = [16, 128], strides = [1, 1]} : vector<16x512xf32> to vector<16x128xf32>
    %slice3A_501 = vector.extract_strided_slice %concatenate3A_499 {offsets = [0, 128], sizes = [16, 128], strides = [1, 1]} : vector<16x512xf32> to vector<16x128xf32>
    %slice3A_502 = vector.extract_strided_slice %concatenate3A_499 {offsets = [0, 256], sizes = [16, 128], strides = [1, 1]} : vector<16x512xf32> to vector<16x128xf32>
    %slice3A_503 = vector.extract_strided_slice %concatenate3A_499 {offsets = [0, 384], sizes = [16, 128], strides = [1, 1]} : vector<16x512xf32> to vector<16x128xf32>
    %slice3A_504 = vector.extract_strided_slice %slice3A_500 {offsets = [0, 0], sizes = [16, 64], strides = [1, 1]} : vector<16x128xf32> to vector<16x64xf32>
    %slice3A_505 = vector.extract_strided_slice %slice3A_500 {offsets = [0, 64], sizes = [16, 64], strides = [1, 1]} : vector<16x128xf32> to vector<16x64xf32>
    %add3A_506 = arith.addf %slice3A_504, %slice3A_505 : vector<16x64xf32>
    %slice3A_507 = vector.extract_strided_slice %slice3A_502 {offsets = [0, 0], sizes = [16, 64], strides = [1, 1]} : vector<16x128xf32> to vector<16x64xf32>
    %slice3A_508 = vector.extract_strided_slice %slice3A_502 {offsets = [0, 64], sizes = [16, 64], strides = [1, 1]} : vector<16x128xf32> to vector<16x64xf32>
    %add3A_509 = arith.addf %slice3A_507, %slice3A_508 : vector<16x64xf32>
    %concatenate3A_510 = tpu.concatenate %add3A_506, %add3A_509 in 1 : vector<16x64xf32>, vector<16x64xf32> -> vector<16x128xf32>
    %slice3A_511 = vector.extract_strided_slice %reshape3A_492 {offsets = [0, 0], sizes = [16, 384], strides = [1, 1]} : vector<16x512xf32> to vector<16x384xf32>
    %dot_general3A_512 = arith.constant dense<0.000000e+00> : vector<16x384xf32>
    %dot_general3A_513 = tpu.matmul %concatenate3A_510, %get3A_18, %dot_general3A_512 {dimension_numbers = #tpu.dot_dimension_numbers<[1], [0], [0], [1], [0, 0, 1, 1], [], []>, transpose_lhs_hint = false} : vector<16x128xf32>, vector<128x384xf32>, vector<16x384xf32> -> vector<16x384xf32>
    %add3A_514 = arith.addf %slice3A_511, %dot_general3A_513 : vector<16x384xf32>
    %slice3A_515 = vector.extract_strided_slice %add3A_514 {offsets = [0, 0], sizes = [16, 128], strides = [1, 1]} : vector<16x384xf32> to vector<16x128xf32>
    %logistic3A_516 = arith.negf %slice3A_515 : vector<16x128xf32>
    %logistic3A_517 = math.exp %logistic3A_516 : vector<16x128xf32>
    %logistic3A_518 = arith.constant 1.000000e+00 : f32
    %logistic3A_519 = vector.broadcast %logistic3A_518 : f32 to vector<16x128xf32>
    %logistic3A_520 = arith.addf %logistic3A_519, %logistic3A_517 : vector<16x128xf32>
    %logistic3A_521 = arith.divf %logistic3A_519, %logistic3A_520 : vector<16x128xf32>
    %slice3A_522 = vector.extract_strided_slice %add3A_514 {offsets = [0, 128], sizes = [16, 128], strides = [1, 1]} : vector<16x384xf32> to vector<16x128xf32>
    %logistic3A_523 = arith.negf %slice3A_522 : vector<16x128xf32>
    %logistic3A_524 = math.exp %logistic3A_523 : vector<16x128xf32>
    %logistic3A_525 = arith.constant 1.000000e+00 : f32
    %logistic3A_526 = vector.broadcast %logistic3A_525 : f32 to vector<16x128xf32>
    %logistic3A_527 = arith.addf %logistic3A_526, %logistic3A_524 : vector<16x128xf32>
    %logistic3A_528 = arith.divf %logistic3A_526, %logistic3A_527 : vector<16x128xf32>
    %slice3A_529 = vector.extract_strided_slice %add3A_514 {offsets = [0, 256], sizes = [16, 128], strides = [1, 1]} : vector<16x384xf32> to vector<16x128xf32>
    %tanh3A_530 = math.tanh %slice3A_529 : vector<16x128xf32>
    %slice3A_531 = vector.extract_strided_slice %reshape3A_492 {offsets = [0, 384], sizes = [16, 64], strides = [1, 1]} : vector<16x512xf32> to vector<16x64xf32>
    %slice3A_532 = vector.extract_strided_slice %reshape3A_492 {offsets = [0, 448], sizes = [16, 64], strides = [1, 1]} : vector<16x512xf32> to vector<16x64xf32>
    %dot_general3A_533 = arith.constant dense<0.000000e+00> : vector<16x128xf32>
    %dot_general3A_534 = tpu.matmul %slice3A_500, %get3A_21, %dot_general3A_533 {dimension_numbers = #tpu.dot_dimension_numbers<[1], [0], [0], [1], [0, 0, 1, 1], [], []>, transpose_lhs_hint = false} : vector<16x128xf32>, vector<128x128xf32>, vector<16x128xf32> -> vector<16x128xf32>
    %concatenate3A_535 = tpu.concatenate %slice3A_531, %slice3A_531 in 1 : vector<16x64xf32>, vector<16x64xf32> -> vector<16x128xf32>
    %add3A_536 = arith.addf %dot_general3A_534, %concatenate3A_535 : vector<16x128xf32>
    %logistic3A_537 = arith.negf %add3A_536 : vector<16x128xf32>
    %logistic3A_538 = math.exp %logistic3A_537 : vector<16x128xf32>
    %logistic3A_539 = arith.constant 1.000000e+00 : f32
    %logistic3A_540 = vector.broadcast %logistic3A_539 : f32 to vector<16x128xf32>
    %logistic3A_541 = arith.addf %logistic3A_540, %logistic3A_538 : vector<16x128xf32>
    %logistic3A_542 = arith.divf %logistic3A_540, %logistic3A_541 : vector<16x128xf32>
    %dot_general3A_543 = arith.constant dense<0.000000e+00> : vector<16x128xf32>
    %dot_general3A_544 = tpu.matmul %slice3A_502, %get3A_21, %dot_general3A_543 {dimension_numbers = #tpu.dot_dimension_numbers<[1], [0], [0], [1], [0, 0, 1, 1], [], []>, transpose_lhs_hint = false} : vector<16x128xf32>, vector<128x128xf32>, vector<16x128xf32> -> vector<16x128xf32>
    %concatenate3A_545 = tpu.concatenate %slice3A_532, %slice3A_532 in 1 : vector<16x64xf32>, vector<16x64xf32> -> vector<16x128xf32>
    %add3A_546 = arith.addf %dot_general3A_544, %concatenate3A_545 : vector<16x128xf32>
    %logistic3A_547 = arith.negf %add3A_546 : vector<16x128xf32>
    %logistic3A_548 = math.exp %logistic3A_547 : vector<16x128xf32>
    %logistic3A_549 = arith.constant 1.000000e+00 : f32
    %logistic3A_550 = vector.broadcast %logistic3A_549 : f32 to vector<16x128xf32>
    %logistic3A_551 = arith.addf %logistic3A_550, %logistic3A_548 : vector<16x128xf32>
    %logistic3A_552 = arith.divf %logistic3A_550, %logistic3A_551 : vector<16x128xf32>
    %mul3A_553 = arith.mulf %logistic3A_542, %slice3A_501 : vector<16x128xf32>
    %mul3A_554 = arith.mulf %logistic3A_552, %slice3A_503 : vector<16x128xf32>
    %slice3A_555 = vector.extract_strided_slice %mul3A_553 {offsets = [0, 0], sizes = [16, 64], strides = [1, 1]} : vector<16x128xf32> to vector<16x64xf32>
    %slice3A_556 = vector.extract_strided_slice %mul3A_553 {offsets = [0, 64], sizes = [16, 64], strides = [1, 1]} : vector<16x128xf32> to vector<16x64xf32>
    %add3A_557 = arith.addf %slice3A_555, %slice3A_556 : vector<16x64xf32>
    %slice3A_558 = vector.extract_strided_slice %mul3A_554 {offsets = [0, 0], sizes = [16, 64], strides = [1, 1]} : vector<16x128xf32> to vector<16x64xf32>
    %slice3A_559 = vector.extract_strided_slice %mul3A_554 {offsets = [0, 64], sizes = [16, 64], strides = [1, 1]} : vector<16x128xf32> to vector<16x64xf32>
    %add3A_560 = arith.addf %slice3A_558, %slice3A_559 : vector<16x64xf32>
    %concatenate3A_561 = tpu.concatenate %add3A_557, %add3A_560 in 1 : vector<16x64xf32>, vector<16x64xf32> -> vector<16x128xf32>
    %mul3A_562 = arith.mulf %logistic3A_521, %tanh3A_530 : vector<16x128xf32>
    %add3A_563 = arith.addf %mul3A_562, %concatenate3A_561 : vector<16x128xf32>
    %tanh3A_564 = math.tanh %add3A_563 : vector<16x128xf32>
    %mul3A_565 = arith.mulf %logistic3A_528, %tanh3A_564 : vector<16x128xf32>
    %slice3A_566 = vector.extract_strided_slice %reshape3A {offsets = [0, 255, 0], sizes = [16, 1, 512], strides = [1, 1, 1]} : vector<16x256x512xf32> to vector<16x1x512xf32>
    %squeeze3A_567 = vector.shape_cast %slice3A_566 : vector<16x1x512xf32> to vector<16x512xf32>
    %slice3A_568 = vector.extract_strided_slice %mul3A_565 {offsets = [0, 0], sizes = [16, 64], strides = [1, 1]} : vector<16x128xf32> to vector<16x64xf32>
    %slice3A_569 = vector.extract_strided_slice %mul3A_565 {offsets = [0, 64], sizes = [16, 64], strides = [1, 1]} : vector<16x128xf32> to vector<16x64xf32>
    %add3A_570 = arith.addf %slice3A_568, %slice3A_569 : vector<16x64xf32>
    %dot_general3A_571 = arith.constant dense<0.000000e+00> : vector<16x192xf32>
    %dot_general3A_572 = tpu.matmul %add3A_570, %get3A_24, %dot_general3A_571 {dimension_numbers = #tpu.dot_dimension_numbers<[1], [0], [0], [1], [0, 0, 1, 1], [], []>, transpose_lhs_hint = false} : vector<16x64xf32>, vector<64x192xf32>, vector<16x192xf32> -> vector<16x192xf32>
    %slice3A_573 = vector.extract_strided_slice %squeeze3A_567 {offsets = [0, 0], sizes = [16, 64], strides = [1, 1]} : vector<16x512xf32> to vector<16x64xf32>
    %slice3A_574 = vector.extract_strided_slice %dot_general3A_572 {offsets = [0, 0], sizes = [16, 64], strides = [1, 1]} : vector<16x192xf32> to vector<16x64xf32>
    %add3A_575 = arith.addf %slice3A_573, %slice3A_574 : vector<16x64xf32>
    %logistic3A_576 = arith.negf %add3A_575 : vector<16x64xf32>
    %logistic3A_577 = math.exp %logistic3A_576 : vector<16x64xf32>
    %logistic3A_578 = arith.constant 1.000000e+00 : f32
    %logistic3A_579 = vector.broadcast %logistic3A_578 : f32 to vector<16x64xf32>
    %logistic3A_580 = arith.addf %logistic3A_579, %logistic3A_577 : vector<16x64xf32>
    %logistic3A_581 = arith.divf %logistic3A_579, %logistic3A_580 : vector<16x64xf32>
    %slice3A_582 = vector.extract_strided_slice %squeeze3A_567 {offsets = [0, 128], sizes = [16, 64], strides = [1, 1]} : vector<16x512xf32> to vector<16x64xf32>
    %slice3A_583 = vector.extract_strided_slice %dot_general3A_572 {offsets = [0, 64], sizes = [16, 64], strides = [1, 1]} : vector<16x192xf32> to vector<16x64xf32>
    %add3A_584 = arith.addf %slice3A_582, %slice3A_583 : vector<16x64xf32>
    %logistic3A_585 = arith.negf %add3A_584 : vector<16x64xf32>
    %logistic3A_586 = math.exp %logistic3A_585 : vector<16x64xf32>
    %logistic3A_587 = arith.constant 1.000000e+00 : f32
    %logistic3A_588 = vector.broadcast %logistic3A_587 : f32 to vector<16x64xf32>
    %logistic3A_589 = arith.addf %logistic3A_588, %logistic3A_586 : vector<16x64xf32>
    %logistic3A_590 = arith.divf %logistic3A_588, %logistic3A_589 : vector<16x64xf32>
    %slice3A_591 = vector.extract_strided_slice %squeeze3A_567 {offsets = [0, 256], sizes = [16, 64], strides = [1, 1]} : vector<16x512xf32> to vector<16x64xf32>
    %slice3A_592 = vector.extract_strided_slice %dot_general3A_572 {offsets = [0, 128], sizes = [16, 64], strides = [1, 1]} : vector<16x192xf32> to vector<16x64xf32>
    %add3A_593 = arith.addf %slice3A_591, %slice3A_592 : vector<16x64xf32>
    %tanh3A_594 = math.tanh %add3A_593 : vector<16x64xf32>
    %dot_general3A_595 = arith.constant dense<0.000000e+00> : vector<16x128xf32>
    %dot_general3A_596 = tpu.matmul %mul3A_565, %get3A_21, %dot_general3A_595 {dimension_numbers = #tpu.dot_dimension_numbers<[1], [0], [0], [1], [0, 0, 1, 1], [], []>, transpose_lhs_hint = false} : vector<16x128xf32>, vector<128x128xf32>, vector<16x128xf32> -> vector<16x128xf32>
    %slice3A_597 = vector.extract_strided_slice %squeeze3A_567 {offsets = [0, 384], sizes = [16, 64], strides = [1, 1]} : vector<16x512xf32> to vector<16x64xf32>
    %concatenate3A_598 = tpu.concatenate %slice3A_597, %slice3A_597 in 1 : vector<16x64xf32>, vector<16x64xf32> -> vector<16x128xf32>
    %add3A_599 = arith.addf %dot_general3A_596, %concatenate3A_598 : vector<16x128xf32>
    %logistic3A_600 = arith.negf %add3A_599 : vector<16x128xf32>
    %logistic3A_601 = math.exp %logistic3A_600 : vector<16x128xf32>
    %logistic3A_602 = arith.constant 1.000000e+00 : f32
    %logistic3A_603 = vector.broadcast %logistic3A_602 : f32 to vector<16x128xf32>
    %logistic3A_604 = arith.addf %logistic3A_603, %logistic3A_601 : vector<16x128xf32>
    %logistic3A_605 = arith.divf %logistic3A_603, %logistic3A_604 : vector<16x128xf32>
    %mul3A_606 = arith.mulf %logistic3A_605, %add3A_563 : vector<16x128xf32>
    %mul3A_607 = arith.mulf %logistic3A_581, %tanh3A_594 : vector<16x64xf32>
    %slice3A_608 = vector.extract_strided_slice %mul3A_606 {offsets = [0, 0], sizes = [16, 64], strides = [1, 1]} : vector<16x128xf32> to vector<16x64xf32>
    %add3A_609 = arith.addf %mul3A_607, %slice3A_608 : vector<16x64xf32>
    %slice3A_610 = vector.extract_strided_slice %mul3A_606 {offsets = [0, 64], sizes = [16, 64], strides = [1, 1]} : vector<16x128xf32> to vector<16x64xf32>
    %add3A_611 = arith.addf %add3A_609, %slice3A_610 : vector<16x64xf32>
    %tanh3A_612 = math.tanh %add3A_611 : vector<16x64xf32>
    %mul3A_613 = arith.mulf %logistic3A_590, %tanh3A_612 : vector<16x64xf32>
    %swap3A = arith.constant 0 : index
    %swap3A_614 = arith.constant 0 : index
    %swap3A_615 = vector.load %arg9[%swap3A, %swap3A_614] : memref<16x64xf32, #tpu.memory_space<vmem>>, vector<16x64xf32>
    tpu.vector_store %arg9[%swap3A, %swap3A_614], %mul3A_613 {strides = array<i32>} : memref<16x64xf32, #tpu.memory_space<vmem>>, vector<16x64xf32>,
    return
  }
  func.func @transform_0(%arg0: i32) -> (i32, i32) {
    %add3A = arith.constant 0 : i32
    %add3A_0 = arith.addi %arg0, %add3A : i32
    %c0_i32 = arith.constant 0 : i32
    %c0_i32_1 = arith.constant 0 : i32
    return %add3A_0, %c0_i32 : i32, i32
  }
  func.func @transform_1(%arg0: i32) -> (i32, i32) {
    %add3A = arith.constant 0 : i32
    %add3A_0 = arith.addi %arg0, %add3A : i32
    %c0_i32 = arith.constant 0 : i32
    %c0_i32_1 = arith.constant 0 : i32
    return %add3A_0, %c0_i32 : i32, i32
  }
  func.func @transform_2(%arg0: i32) -> (i32, i32) {
    %c0_i32 = arith.constant 0 : i32
    %c0_i32_0 = arith.constant 0 : i32
    return %arg0, %c0_i32 : i32, i32
  }
  func.func @transform_3(%arg0: i32) -> (i32, i32) {
    %c0_i32 = arith.constant 0 : i32
    %c0_i32_0 = arith.constant 0 : i32
    %c0_i32_1 = arith.constant 0 : i32
    return %c0_i32, %c0_i32_0 : i32, i32
  }
  func.func @transform_4(%arg0: i32) -> (i32, i32) {
    %c0_i32 = arith.constant 0 : i32
    %c0_i32_0 = arith.constant 0 : i32
    %c0_i32_1 = arith.constant 0 : i32
    return %c0_i32, %c0_i32_0 : i32, i32
  }
  func.func @transform_5(%arg0: i32) -> (i32, i32) {
    %c0_i32 = arith.constant 0 : i32
    %c0_i32_0 = arith.constant 0 : i32
    %c0_i32_1 = arith.constant 0 : i32
    return %c0_i32, %c0_i32_0 : i32, i32
  }
  func.func @transform_6(%arg0: i32) -> (i32, i32) {
    %c0_i32 = arith.constant 0 : i32
    %c0_i32_0 = arith.constant 0 : i32
    %c0_i32_1 = arith.constant 0 : i32
    return %c0_i32, %c0_i32_0 : i32, i32
  }
  func.func @transform_7(%arg0: i32) -> (i32, i32) {
    %c0_i32 = arith.constant 0 : i32
    %c0_i32_0 = arith.constant 0 : i32
    %c0_i32_1 = arith.constant 0 : i32
    return %c0_i32, %c0_i32_0 : i32, i32
  }
  func.func @transform_8(%arg0: i32) -> (i32, i32) {
    %c0_i32 = arith.constant 0 : i32
    %c0_i32_0 = arith.constant 0 : i32
    return %arg0, %c0_i32 : i32, i32
  }
}

module attributes {stable_mosaic.version = 14 : i64} {
  func.func @_lstm_body(%arg0: i32, %arg1: memref<4096x128xf32, #tpu.memory_space<vmem>>, %arg2: memref<4096x128xf32, #tpu.memory_space<vmem>>, %arg3: memref<4096x128xf32, #tpu.memory_space<vmem>>, %arg4: memref<384x512xf32, #tpu.memory_space<vmem>>, %arg5: memref<1x512xf32, #tpu.memory_space<vmem>>, %arg6: memref<128x384xf32, #tpu.memory_space<vmem>>, %arg7: memref<128x128xf32, #tpu.memory_space<vmem>>, %arg8: memref<64x192xf32, #tpu.memory_space<vmem>>, %arg9: memref<16x64xf32, #tpu.memory_space<vmem>>) attributes {dimension_semantics = [#tpu.dimension_semantics<arbitrary>], iteration_bounds = array<i64: 8>, scalar_prefetch = 0 : i64, scratch_operands = 0 : i64, tpu.core_type = #tpu.core_type<tc>, window_params = [{transform_indices = @transform_0, window_bounds = array<i64: 4096, 128>}, {transform_indices = @transform_1, window_bounds = array<i64: 4096, 128>}, {transform_indices = @transform_2, window_bounds = array<i64: 4096, 128>}, {pipeline_mode = #tpu.pipeline_mode<synchronous>, transform_indices = @transform_3, window_bounds = array<i64: 384, 512>}, {pipeline_mode = #tpu.pipeline_mode<synchronous>, transform_indices = @transform_4, window_bounds = array<i64: 1, 512>}, {pipeline_mode = #tpu.pipeline_mode<synchronous>, transform_indices = @transform_5, window_bounds = array<i64: 128, 384>}, {pipeline_mode = #tpu.pipeline_mode<synchronous>, transform_indices = @transform_6, window_bounds = array<i64: 128, 128>}, {pipeline_mode = #tpu.pipeline_mode<synchronous>, transform_indices = @transform_7, window_bounds = array<i64: 64, 192>}, {transform_indices = @transform_8, window_bounds = array<i64: 16, 64>}]} {
    %get3A = arith.constant 0 : index
    %get3A_0 = arith.constant 0 : index
    %get3A_1 = vector.load %arg1[%get3A, %get3A_0] : memref<4096x128xf32, #tpu.memory_space<vmem>>, vector<4096x128xf32>
    %get3A_2 = arith.constant 0 : index
    %get3A_3 = arith.constant 0 : index
    %get3A_4 = vector.load %arg2[%get3A_2, %get3A_3] : memref<4096x128xf32, #tpu.memory_space<vmem>>, vector<4096x128xf32>
    %get3A_5 = arith.constant 0 : index
    %get3A_6 = arith.constant 0 : index
    %get3A_7 = vector.load %arg3[%get3A_5, %get3A_6] : memref<4096x128xf32, #tpu.memory_space<vmem>>, vector<4096x128xf32>
    %concatenate3A = tpu.concatenate %get3A_1, %get3A_4, %get3A_7 in 1 : vector<4096x128xf32>, vector<4096x128xf32>, vector<4096x128xf32> -> vector<4096x384xf32>
    %get3A_8 = arith.constant 0 : index
    %get3A_9 = arith.constant 0 : index
    %get3A_10 = vector.load %arg4[%get3A_8, %get3A_9] : memref<384x512xf32, #tpu.memory_space<vmem>>, vector<384x512xf32>
    %dot_general3A = arith.constant dense<0.000000e+00> : vector<4096x512xf32>
    %dot_general3A_11 = tpu.matmul %concatenate3A, %get3A_10, %dot_general3A {dimension_numbers = #tpu.dot_dimension_numbers<[1], [0], [0], [1], [0, 0, 1, 1], [], []>, transpose_lhs_hint = false} : vector<4096x384xf32>, vector<384x512xf32>, vector<4096x512xf32> -> vector<4096x512xf32>
    %get3A_12 = arith.constant 0 : index
    %get3A_13 = arith.constant 0 : index
    %get3A_14 = vector.load %arg5[%get3A_12, %get3A_13] : memref<1x512xf32, #tpu.memory_space<vmem>>, vector<1x512xf32>
    %add3A = vector.broadcast %get3A_14 : vector<1x512xf32> to vector<4096x512xf32>
    %add3A_15 = arith.addf %dot_general3A_11, %add3A : vector<4096x512xf32>
    %reshape3A = vector.shape_cast %add3A_15 : vector<4096x512xf32> to vector<16x256x512xf32>
    %get3A_16 = arith.constant 0 : index
    %get3A_17 = arith.constant 0 : index
    %get3A_18 = vector.load %arg6[%get3A_16, %get3A_17] : memref<128x384xf32, #tpu.memory_space<vmem>>, vector<128x384xf32>
    %get3A_19 = arith.constant 0 : index
    %get3A_20 = arith.constant 0 : index
    %get3A_21 = vector.load %arg7[%get3A_19, %get3A_20] : memref<128x128xf32, #tpu.memory_space<vmem>>, vector<128x128xf32>
    %get3A_22 = arith.constant 0 : index
    %get3A_23 = arith.constant 0 : index
    %get3A_24 = vector.load %arg8[%get3A_22, %get3A_23] : memref<64x192xf32, #tpu.memory_space<vmem>>, vector<64x192xf32>
    %slice3A = vector.extract_strided_slice %reshape3A {offsets = [0, 0, 0], sizes = [16, 128, 512], strides = [1, 1, 1]} : vector<16x256x512xf32> to vector<16x128x512xf32>
    %reshape3A_25 = vector.shape_cast %slice3A : vector<16x128x512xf32> to vector<2048x512xf32>
    %slice3A_26 = vector.extract_strided_slice %reshape3A_25 {offsets = [0, 0], sizes = [2048, 128], strides = [1, 1]} : vector<2048x512xf32> to vector<2048x128xf32>
    %logistic3A = arith.negf %slice3A_26 : vector<2048x128xf32>
    %logistic3A_27 = math.exp %logistic3A : vector<2048x128xf32>
    %logistic3A_28 = arith.constant 1.000000e+00 : f32
    %logistic3A_29 = vector.broadcast %logistic3A_28 : f32 to vector<2048x128xf32>
    %logistic3A_30 = arith.addf %logistic3A_29, %logistic3A_27 : vector<2048x128xf32>
    %logistic3A_31 = arith.divf %logistic3A_29, %logistic3A_30 : vector<2048x128xf32>
    %slice3A_32 = vector.extract_strided_slice %reshape3A_25 {offsets = [0, 128], sizes = [2048, 128], strides = [1, 1]} : vector<2048x512xf32> to vector<2048x128xf32>
    %logistic3A_33 = arith.negf %slice3A_32 : vector<2048x128xf32>
    %logistic3A_34 = math.exp %logistic3A_33 : vector<2048x128xf32>
    %logistic3A_35 = arith.constant 1.000000e+00 : f32
    %logistic3A_36 = vector.broadcast %logistic3A_35 : f32 to vector<2048x128xf32>
    %logistic3A_37 = arith.addf %logistic3A_36, %logistic3A_34 : vector<2048x128xf32>
    %logistic3A_38 = arith.divf %logistic3A_36, %logistic3A_37 : vector<2048x128xf32>
    %slice3A_39 = vector.extract_strided_slice %reshape3A_25 {offsets = [0, 256], sizes = [2048, 128], strides = [1, 1]} : vector<2048x512xf32> to vector<2048x128xf32>
    %tanh3A = math.tanh %slice3A_39 : vector<2048x128xf32>
    %mul3A = arith.mulf %logistic3A_31, %tanh3A : vector<2048x128xf32>
    %tanh3A_40 = math.tanh %mul3A : vector<2048x128xf32>
    %mul3A_41 = arith.mulf %logistic3A_38, %tanh3A_40 : vector<2048x128xf32>
    %slice3A_42 = vector.extract_strided_slice %reshape3A {offsets = [0, 128, 0], sizes = [16, 64, 512], strides = [1, 1, 1]} : vector<16x256x512xf32> to vector<16x64x512xf32>
    %reshape3A_43 = vector.shape_cast %slice3A_42 : vector<16x64x512xf32> to vector<1024x512xf32>
    %concatenate3A_44 = tpu.concatenate %mul3A_41, %mul3A in 1 : vector<2048x128xf32>, vector<2048x128xf32> -> vector<2048x256xf32>
    %reshape3A_45 = vector.shape_cast %concatenate3A_44 : vector<2048x256xf32> to vector<1024x2x256xf32>
    %slice3A_46 = vector.extract_strided_slice %reshape3A_45 {offsets = [0, 0, 0], sizes = [1024, 1, 256], strides = [1, 1, 1]} : vector<1024x2x256xf32> to vector<1024x1x256xf32>
    %squeeze3A = vector.shape_cast %slice3A_46 : vector<1024x1x256xf32> to vector<1024x256xf32>
    %slice3A_47 = vector.extract_strided_slice %reshape3A_45 {offsets = [0, 1, 0], sizes = [1024, 1, 256], strides = [1, 1, 1]} : vector<1024x2x256xf32> to vector<1024x1x256xf32>
    %squeeze3A_48 = vector.shape_cast %slice3A_47 : vector<1024x1x256xf32> to vector<1024x256xf32>
    %concatenate3A_49 = tpu.concatenate %squeeze3A, %squeeze3A_48 in 1 : vector<1024x256xf32>, vector<1024x256xf32> -> vector<1024x512xf32>
    %slice3A_50 = vector.extract_strided_slice %concatenate3A_49 {offsets = [0, 0], sizes = [1024, 128], strides = [1, 1]} : vector<1024x512xf32> to vector<1024x128xf32>
    %slice3A_51 = vector.extract_strided_slice %concatenate3A_49 {offsets = [0, 128], sizes = [1024, 128], strides = [1, 1]} : vector<1024x512xf32> to vector<1024x128xf32>
    %slice3A_52 = vector.extract_strided_slice %concatenate3A_49 {offsets = [0, 256], sizes = [1024, 128], strides = [1, 1]} : vector<1024x512xf32> to vector<1024x128xf32>
    %slice3A_53 = vector.extract_strided_slice %concatenate3A_49 {offsets = [0, 384], sizes = [1024, 128], strides = [1, 1]} : vector<1024x512xf32> to vector<1024x128xf32>
    %slice3A_54 = vector.extract_strided_slice %slice3A_50 {offsets = [0, 0], sizes = [1024, 64], strides = [1, 1]} : vector<1024x128xf32> to vector<1024x64xf32>
    %slice3A_55 = vector.extract_strided_slice %slice3A_50 {offsets = [0, 64], sizes = [1024, 64], strides = [1, 1]} : vector<1024x128xf32> to vector<1024x64xf32>
    %add3A_56 = arith.addf %slice3A_54, %slice3A_55 : vector<1024x64xf32>
    %slice3A_57 = vector.extract_strided_slice %slice3A_52 {offsets = [0, 0], sizes = [1024, 64], strides = [1, 1]} : vector<1024x128xf32> to vector<1024x64xf32>
    %slice3A_58 = vector.extract_strided_slice %slice3A_52 {offsets = [0, 64], sizes = [1024, 64], strides = [1, 1]} : vector<1024x128xf32> to vector<1024x64xf32>
    %add3A_59 = arith.addf %slice3A_57, %slice3A_58 : vector<1024x64xf32>
    %concatenate3A_60 = tpu.concatenate %add3A_56, %add3A_59 in 1 : vector<1024x64xf32>, vector<1024x64xf32> -> vector<1024x128xf32>
    %slice3A_61 = vector.extract_strided_slice %reshape3A_43 {offsets = [0, 0], sizes = [1024, 384], strides = [1, 1]} : vector<1024x512xf32> to vector<1024x384xf32>
    %dot_general3A_62 = arith.constant dense<0.000000e+00> : vector<1024x384xf32>
    %dot_general3A_63 = tpu.matmul %concatenate3A_60, %get3A_18, %dot_general3A_62 {dimension_numbers = #tpu.dot_dimension_numbers<[1], [0], [0], [1], [0, 0, 1, 1], [], []>, transpose_lhs_hint = false} : vector<1024x128xf32>, vector<128x384xf32>, vector<1024x384xf32> -> vector<1024x384xf32>
    %add3A_64 = arith.addf %slice3A_61, %dot_general3A_63 : vector<1024x384xf32>
    %slice3A_65 = vector.extract_strided_slice %add3A_64 {offsets = [0, 0], sizes = [1024, 128], strides = [1, 1]} : vector<1024x384xf32> to vector<1024x128xf32>
    %logistic3A_66 = arith.negf %slice3A_65 : vector<1024x128xf32>
    %logistic3A_67 = math.exp %logistic3A_66 : vector<1024x128xf32>
    %logistic3A_68 = arith.constant 1.000000e+00 : f32
    %logistic3A_69 = vector.broadcast %logistic3A_68 : f32 to vector<1024x128xf32>
    %logistic3A_70 = arith.addf %logistic3A_69, %logistic3A_67 : vector<1024x128xf32>
    %logistic3A_71 = arith.divf %logistic3A_69, %logistic3A_70 : vector<1024x128xf32>
    %slice3A_72 = vector.extract_strided_slice %add3A_64 {offsets = [0, 128], sizes = [1024, 128], strides = [1, 1]} : vector<1024x384xf32> to vector<1024x128xf32>
    %logistic3A_73 = arith.negf %slice3A_72 : vector<1024x128xf32>
    %logistic3A_74 = math.exp %logistic3A_73 : vector<1024x128xf32>
    %logistic3A_75 = arith.constant 1.000000e+00 : f32
    %logistic3A_76 = vector.broadcast %logistic3A_75 : f32 to vector<1024x128xf32>
    %logistic3A_77 = arith.addf %logistic3A_76, %logistic3A_74 : vector<1024x128xf32>
    %logistic3A_78 = arith.divf %logistic3A_76, %logistic3A_77 : vector<1024x128xf32>
    %slice3A_79 = vector.extract_strided_slice %add3A_64 {offsets = [0, 256], sizes = [1024, 128], strides = [1, 1]} : vector<1024x384xf32> to vector<1024x128xf32>
    %tanh3A_80 = math.tanh %slice3A_79 : vector<1024x128xf32>
    %slice3A_81 = vector.extract_strided_slice %reshape3A_43 {offsets = [0, 384], sizes = [1024, 64], strides = [1, 1]} : vector<1024x512xf32> to vector<1024x64xf32>
    %slice3A_82 = vector.extract_strided_slice %reshape3A_43 {offsets = [0, 448], sizes = [1024, 64], strides = [1, 1]} : vector<1024x512xf32> to vector<1024x64xf32>
    %dot_general3A_83 = arith.constant dense<0.000000e+00> : vector<1024x128xf32>
    %dot_general3A_84 = tpu.matmul %slice3A_50, %get3A_21, %dot_general3A_83 {dimension_numbers = #tpu.dot_dimension_numbers<[1], [0], [0], [1], [0, 0, 1, 1], [], []>, transpose_lhs_hint = false} : vector<1024x128xf32>, vector<128x128xf32>, vector<1024x128xf32> -> vector<1024x128xf32>
    %concatenate3A_85 = tpu.concatenate %slice3A_81, %slice3A_81 in 1 : vector<1024x64xf32>, vector<1024x64xf32> -> vector<1024x128xf32>
    %add3A_86 = arith.addf %dot_general3A_84, %concatenate3A_85 : vector<1024x128xf32>
    %logistic3A_87 = arith.negf %add3A_86 : vector<1024x128xf32>
    %logistic3A_88 = math.exp %logistic3A_87 : vector<1024x128xf32>
    %logistic3A_89 = arith.constant 1.000000e+00 : f32
    %logistic3A_90 = vector.broadcast %logistic3A_89 : f32 to vector<1024x128xf32>
    %logistic3A_91 = arith.addf %logistic3A_90, %logistic3A_88 : vector<1024x128xf32>
    %logistic3A_92 = arith.divf %logistic3A_90, %logistic3A_91 : vector<1024x128xf32>
    %dot_general3A_93 = arith.constant dense<0.000000e+00> : vector<1024x128xf32>
    %dot_general3A_94 = tpu.matmul %slice3A_52, %get3A_21, %dot_general3A_93 {dimension_numbers = #tpu.dot_dimension_numbers<[1], [0], [0], [1], [0, 0, 1, 1], [], []>, transpose_lhs_hint = false} : vector<1024x128xf32>, vector<128x128xf32>, vector<1024x128xf32> -> vector<1024x128xf32>
    %concatenate3A_95 = tpu.concatenate %slice3A_82, %slice3A_82 in 1 : vector<1024x64xf32>, vector<1024x64xf32> -> vector<1024x128xf32>
    %add3A_96 = arith.addf %dot_general3A_94, %concatenate3A_95 : vector<1024x128xf32>
    %logistic3A_97 = arith.negf %add3A_96 : vector<1024x128xf32>
    %logistic3A_98 = math.exp %logistic3A_97 : vector<1024x128xf32>
    %logistic3A_99 = arith.constant 1.000000e+00 : f32
    %logistic3A_100 = vector.broadcast %logistic3A_99 : f32 to vector<1024x128xf32>
    %logistic3A_101 = arith.addf %logistic3A_100, %logistic3A_98 : vector<1024x128xf32>
    %logistic3A_102 = arith.divf %logistic3A_100, %logistic3A_101 : vector<1024x128xf32>
    %mul3A_103 = arith.mulf %logistic3A_92, %slice3A_51 : vector<1024x128xf32>
    %mul3A_104 = arith.mulf %logistic3A_102, %slice3A_53 : vector<1024x128xf32>
    %slice3A_105 = vector.extract_strided_slice %mul3A_103 {offsets = [0, 0], sizes = [1024, 64], strides = [1, 1]} : vector<1024x128xf32> to vector<1024x64xf32>
    %slice3A_106 = vector.extract_strided_slice %mul3A_103 {offsets = [0, 64], sizes = [1024, 64], strides = [1, 1]} : vector<1024x128xf32> to vector<1024x64xf32>
    %add3A_107 = arith.addf %slice3A_105, %slice3A_106 : vector<1024x64xf32>
    %slice3A_108 = vector.extract_strided_slice %mul3A_104 {offsets = [0, 0], sizes = [1024, 64], strides = [1, 1]} : vector<1024x128xf32> to vector<1024x64xf32>
    %slice3A_109 = vector.extract_strided_slice %mul3A_104 {offsets = [0, 64], sizes = [1024, 64], strides = [1, 1]} : vector<1024x128xf32> to vector<1024x64xf32>
    %add3A_110 = arith.addf %slice3A_108, %slice3A_109 : vector<1024x64xf32>
    %concatenate3A_111 = tpu.concatenate %add3A_107, %add3A_110 in 1 : vector<1024x64xf32>, vector<1024x64xf32> -> vector<1024x128xf32>
    %mul3A_112 = arith.mulf %logistic3A_71, %tanh3A_80 : vector<1024x128xf32>
    %add3A_113 = arith.addf %mul3A_112, %concatenate3A_111 : vector<1024x128xf32>
    %tanh3A_114 = math.tanh %add3A_113 : vector<1024x128xf32>
    %mul3A_115 = arith.mulf %logistic3A_78, %tanh3A_114 : vector<1024x128xf32>
    %slice3A_116 = vector.extract_strided_slice %reshape3A {offsets = [0, 192, 0], sizes = [16, 32, 512], strides = [1, 1, 1]} : vector<16x256x512xf32> to vector<16x32x512xf32>
    %reshape3A_117 = vector.shape_cast %slice3A_116 : vector<16x32x512xf32> to vector<512x512xf32>
    %concatenate3A_118 = tpu.concatenate %mul3A_115, %add3A_113 in 1 : vector<1024x128xf32>, vector<1024x128xf32> -> vector<1024x256xf32>
    %reshape3A_119 = vector.shape_cast %concatenate3A_118 : vector<1024x256xf32> to vector<512x2x256xf32>
    %slice3A_120 = vector.extract_strided_slice %reshape3A_119 {offsets = [0, 0, 0], sizes = [512, 1, 256], strides = [1, 1, 1]} : vector<512x2x256xf32> to vector<512x1x256xf32>
    %squeeze3A_121 = vector.shape_cast %slice3A_120 : vector<512x1x256xf32> to vector<512x256xf32>
    %slice3A_122 = vector.extract_strided_slice %reshape3A_119 {offsets = [0, 1, 0], sizes = [512, 1, 256], strides = [1, 1, 1]} : vector<512x2x256xf32> to vector<512x1x256xf32>
    %squeeze3A_123 = vector.shape_cast %slice3A_122 : vector<512x1x256xf32> to vector<512x256xf32>
    %concatenate3A_124 = tpu.concatenate %squeeze3A_121, %squeeze3A_123 in 1 : vector<512x256xf32>, vector<512x256xf32> -> vector<512x512xf32>
    %slice3A_125 = vector.extract_strided_slice %concatenate3A_124 {offsets = [0, 0], sizes = [512, 128], strides = [1, 1]} : vector<512x512xf32> to vector<512x128xf32>
    %slice3A_126 = vector.extract_strided_slice %concatenate3A_124 {offsets = [0, 128], sizes = [512, 128], strides = [1, 1]} : vector<512x512xf32> to vector<512x128xf32>
    %slice3A_127 = vector.extract_strided_slice %concatenate3A_124 {offsets = [0, 256], sizes = [512, 128], strides = [1, 1]} : vector<512x512xf32> to vector<512x128xf32>
    %slice3A_128 = vector.extract_strided_slice %concatenate3A_124 {offsets = [0, 384], sizes = [512, 128], strides = [1, 1]} : vector<512x512xf32> to vector<512x128xf32>
    %slice3A_129 = vector.extract_strided_slice %slice3A_125 {offsets = [0, 0], sizes = [512, 64], strides = [1, 1]} : vector<512x128xf32> to vector<512x64xf32>
    %slice3A_130 = vector.extract_strided_slice %slice3A_125 {offsets = [0, 64], sizes = [512, 64], strides = [1, 1]} : vector<512x128xf32> to vector<512x64xf32>
    %add3A_131 = arith.addf %slice3A_129, %slice3A_130 : vector<512x64xf32>
    %slice3A_132 = vector.extract_strided_slice %slice3A_127 {offsets = [0, 0], sizes = [512, 64], strides = [1, 1]} : vector<512x128xf32> to vector<512x64xf32>
    %slice3A_133 = vector.extract_strided_slice %slice3A_127 {offsets = [0, 64], sizes = [512, 64], strides = [1, 1]} : vector<512x128xf32> to vector<512x64xf32>
    %add3A_134 = arith.addf %slice3A_132, %slice3A_133 : vector<512x64xf32>
    %concatenate3A_135 = tpu.concatenate %add3A_131, %add3A_134 in 1 : vector<512x64xf32>, vector<512x64xf32> -> vector<512x128xf32>
    %slice3A_136 = vector.extract_strided_slice %reshape3A_117 {offsets = [0, 0], sizes = [512, 384], strides = [1, 1]} : vector<512x512xf32> to vector<512x384xf32>
    %dot_general3A_137 = arith.constant dense<0.000000e+00> : vector<512x384xf32>
    %dot_general3A_138 = tpu.matmul %concatenate3A_135, %get3A_18, %dot_general3A_137 {dimension_numbers = #tpu.dot_dimension_numbers<[1], [0], [0], [1], [0, 0, 1, 1], [], []>, transpose_lhs_hint = false} : vector<512x128xf32>, vector<128x384xf32>, vector<512x384xf32> -> vector<512x384xf32>
    %add3A_139 = arith.addf %slice3A_136, %dot_general3A_138 : vector<512x384xf32>
    %slice3A_140 = vector.extract_strided_slice %add3A_139 {offsets = [0, 0], sizes = [512, 128], strides = [1, 1]} : vector<512x384xf32> to vector<512x128xf32>
    %logistic3A_141 = arith.negf %slice3A_140 : vector<512x128xf32>
    %logistic3A_142 = math.exp %logistic3A_141 : vector<512x128xf32>
    %logistic3A_143 = arith.constant 1.000000e+00 : f32
    %logistic3A_144 = vector.broadcast %logistic3A_143 : f32 to vector<512x128xf32>
    %logistic3A_145 = arith.addf %logistic3A_144, %logistic3A_142 : vector<512x128xf32>
    %logistic3A_146 = arith.divf %logistic3A_144, %logistic3A_145 : vector<512x128xf32>
    %slice3A_147 = vector.extract_strided_slice %add3A_139 {offsets = [0, 128], sizes = [512, 128], strides = [1, 1]} : vector<512x384xf32> to vector<512x128xf32>
    %logistic3A_148 = arith.negf %slice3A_147 : vector<512x128xf32>
    %logistic3A_149 = math.exp %logistic3A_148 : vector<512x128xf32>
    %logistic3A_150 = arith.constant 1.000000e+00 : f32
    %logistic3A_151 = vector.broadcast %logistic3A_150 : f32 to vector<512x128xf32>
    %logistic3A_152 = arith.addf %logistic3A_151, %logistic3A_149 : vector<512x128xf32>
    %logistic3A_153 = arith.divf %logistic3A_151, %logistic3A_152 : vector<512x128xf32>
    %slice3A_154 = vector.extract_strided_slice %add3A_139 {offsets = [0, 256], sizes = [512, 128], strides = [1, 1]} : vector<512x384xf32> to vector<512x128xf32>
    %tanh3A_155 = math.tanh %slice3A_154 : vector<512x128xf32>
    %slice3A_156 = vector.extract_strided_slice %reshape3A_117 {offsets = [0, 384], sizes = [512, 64], strides = [1, 1]} : vector<512x512xf32> to vector<512x64xf32>
    %slice3A_157 = vector.extract_strided_slice %reshape3A_117 {offsets = [0, 448], sizes = [512, 64], strides = [1, 1]} : vector<512x512xf32> to vector<512x64xf32>
    %dot_general3A_158 = arith.constant dense<0.000000e+00> : vector<512x128xf32>
    %dot_general3A_159 = tpu.matmul %slice3A_125, %get3A_21, %dot_general3A_158 {dimension_numbers = #tpu.dot_dimension_numbers<[1], [0], [0], [1], [0, 0, 1, 1], [], []>, transpose_lhs_hint = false} : vector<512x128xf32>, vector<128x128xf32>, vector<512x128xf32> -> vector<512x128xf32>
    %concatenate3A_160 = tpu.concatenate %slice3A_156, %slice3A_156 in 1 : vector<512x64xf32>, vector<512x64xf32> -> vector<512x128xf32>
    %add3A_161 = arith.addf %dot_general3A_159, %concatenate3A_160 : vector<512x128xf32>
    %logistic3A_162 = arith.negf %add3A_161 : vector<512x128xf32>
    %logistic3A_163 = math.exp %logistic3A_162 : vector<512x128xf32>
    %logistic3A_164 = arith.constant 1.000000e+00 : f32
    %logistic3A_165 = vector.broadcast %logistic3A_164 : f32 to vector<512x128xf32>
    %logistic3A_166 = arith.addf %logistic3A_165, %logistic3A_163 : vector<512x128xf32>
    %logistic3A_167 = arith.divf %logistic3A_165, %logistic3A_166 : vector<512x128xf32>
    %dot_general3A_168 = arith.constant dense<0.000000e+00> : vector<512x128xf32>
    %dot_general3A_169 = tpu.matmul %slice3A_127, %get3A_21, %dot_general3A_168 {dimension_numbers = #tpu.dot_dimension_numbers<[1], [0], [0], [1], [0, 0, 1, 1], [], []>, transpose_lhs_hint = false} : vector<512x128xf32>, vector<128x128xf32>, vector<512x128xf32> -> vector<512x128xf32>
    %concatenate3A_170 = tpu.concatenate %slice3A_157, %slice3A_157 in 1 : vector<512x64xf32>, vector<512x64xf32> -> vector<512x128xf32>
    %add3A_171 = arith.addf %dot_general3A_169, %concatenate3A_170 : vector<512x128xf32>
    %logistic3A_172 = arith.negf %add3A_171 : vector<512x128xf32>
    %logistic3A_173 = math.exp %logistic3A_172 : vector<512x128xf32>
    %logistic3A_174 = arith.constant 1.000000e+00 : f32
    %logistic3A_175 = vector.broadcast %logistic3A_174 : f32 to vector<512x128xf32>
    %logistic3A_176 = arith.addf %logistic3A_175, %logistic3A_173 : vector<512x128xf32>
    %logistic3A_177 = arith.divf %logistic3A_175, %logistic3A_176 : vector<512x128xf32>
    %mul3A_178 = arith.mulf %logistic3A_167, %slice3A_126 : vector<512x128xf32>
    %mul3A_179 = arith.mulf %logistic3A_177, %slice3A_128 : vector<512x128xf32>
    %slice3A_180 = vector.extract_strided_slice %mul3A_178 {offsets = [0, 0], sizes = [512, 64], strides = [1, 1]} : vector<512x128xf32> to vector<512x64xf32>
    %slice3A_181 = vector.extract_strided_slice %mul3A_178 {offsets = [0, 64], sizes = [512, 64], strides = [1, 1]} : vector<512x128xf32> to vector<512x64xf32>
    %add3A_182 = arith.addf %slice3A_180, %slice3A_181 : vector<512x64xf32>
    %slice3A_183 = vector.extract_strided_slice %mul3A_179 {offsets = [0, 0], sizes = [512, 64], strides = [1, 1]} : vector<512x128xf32> to vector<512x64xf32>
    %slice3A_184 = vector.extract_strided_slice %mul3A_179 {offsets = [0, 64], sizes = [512, 64], strides = [1, 1]} : vector<512x128xf32> to vector<512x64xf32>
    %add3A_185 = arith.addf %slice3A_183, %slice3A_184 : vector<512x64xf32>
    %concatenate3A_186 = tpu.concatenate %add3A_182, %add3A_185 in 1 : vector<512x64xf32>, vector<512x64xf32> -> vector<512x128xf32>
    %mul3A_187 = arith.mulf %logistic3A_146, %tanh3A_155 : vector<512x128xf32>
    %add3A_188 = arith.addf %mul3A_187, %concatenate3A_186 : vector<512x128xf32>
    %tanh3A_189 = math.tanh %add3A_188 : vector<512x128xf32>
    %mul3A_190 = arith.mulf %logistic3A_153, %tanh3A_189 : vector<512x128xf32>
    %slice3A_191 = vector.extract_strided_slice %reshape3A {offsets = [0, 224, 0], sizes = [16, 16, 512], strides = [1, 1, 1]} : vector<16x256x512xf32> to vector<16x16x512xf32>
    %reshape3A_192 = vector.shape_cast %slice3A_191 : vector<16x16x512xf32> to vector<256x512xf32>
    %concatenate3A_193 = tpu.concatenate %mul3A_190, %add3A_188 in 1 : vector<512x128xf32>, vector<512x128xf32> -> vector<512x256xf32>
    %reshape3A_194 = vector.shape_cast %concatenate3A_193 : vector<512x256xf32> to vector<256x2x256xf32>
    %slice3A_195 = vector.extract_strided_slice %reshape3A_194 {offsets = [0, 0, 0], sizes = [256, 1, 256], strides = [1, 1, 1]} : vector<256x2x256xf32> to vector<256x1x256xf32>
    %squeeze3A_196 = vector.shape_cast %slice3A_195 : vector<256x1x256xf32> to vector<256x256xf32>
    %slice3A_197 = vector.extract_strided_slice %reshape3A_194 {offsets = [0, 1, 0], sizes = [256, 1, 256], strides = [1, 1, 1]} : vector<256x2x256xf32> to vector<256x1x256xf32>
    %squeeze3A_198 = vector.shape_cast %slice3A_197 : vector<256x1x256xf32> to vector<256x256xf32>
    %concatenate3A_199 = tpu.concatenate %squeeze3A_196, %squeeze3A_198 in 1 : vector<256x256xf32>, vector<256x256xf32> -> vector<256x512xf32>
    %slice3A_200 = vector.extract_strided_slice %concatenate3A_199 {offsets = [0, 0], sizes = [256, 128], strides = [1, 1]} : vector<256x512xf32> to vector<256x128xf32>
    %slice3A_201 = vector.extract_strided_slice %concatenate3A_199 {offsets = [0, 128], sizes = [256, 128], strides = [1, 1]} : vector<256x512xf32> to vector<256x128xf32>
    %slice3A_202 = vector.extract_strided_slice %concatenate3A_199 {offsets = [0, 256], sizes = [256, 128], strides = [1, 1]} : vector<256x512xf32> to vector<256x128xf32>
    %slice3A_203 = vector.extract_strided_slice %concatenate3A_199 {offsets = [0, 384], sizes = [256, 128], strides = [1, 1]} : vector<256x512xf32> to vector<256x128xf32>
    %slice3A_204 = vector.extract_strided_slice %slice3A_200 {offsets = [0, 0], sizes = [256, 64], strides = [1, 1]} : vector<256x128xf32> to vector<256x64xf32>
    %slice3A_205 = vector.extract_strided_slice %slice3A_200 {offsets = [0, 64], sizes = [256, 64], strides = [1, 1]} : vector<256x128xf32> to vector<256x64xf32>
    %add3A_206 = arith.addf %slice3A_204, %slice3A_205 : vector<256x64xf32>
    %slice3A_207 = vector.extract_strided_slice %slice3A_202 {offsets = [0, 0], sizes = [256, 64], strides = [1, 1]} : vector<256x128xf32> to vector<256x64xf32>
    %slice3A_208 = vector.extract_strided_slice %slice3A_202 {offsets = [0, 64], sizes = [256, 64], strides = [1, 1]} : vector<256x128xf32> to vector<256x64xf32>
    %add3A_209 = arith.addf %slice3A_207, %slice3A_208 : vector<256x64xf32>
    %concatenate3A_210 = tpu.concatenate %add3A_206, %add3A_209 in 1 : vector<256x64xf32>, vector<256x64xf32> -> vector<256x128xf32>
    %slice3A_211 = vector.extract_strided_slice %reshape3A_192 {offsets = [0, 0], sizes = [256, 384], strides = [1, 1]} : vector<256x512xf32> to vector<256x384xf32>
    %dot_general3A_212 = arith.constant dense<0.000000e+00> : vector<256x384xf32>
    %dot_general3A_213 = tpu.matmul %concatenate3A_210, %get3A_18, %dot_general3A_212 {dimension_numbers = #tpu.dot_dimension_numbers<[1], [0], [0], [1], [0, 0, 1, 1], [], []>, transpose_lhs_hint = false} : vector<256x128xf32>, vector<128x384xf32>, vector<256x384xf32> -> vector<256x384xf32>
    %add3A_214 = arith.addf %slice3A_211, %dot_general3A_213 : vector<256x384xf32>
    %slice3A_215 = vector.extract_strided_slice %add3A_214 {offsets = [0, 0], sizes = [256, 128], strides = [1, 1]} : vector<256x384xf32> to vector<256x128xf32>
    %logistic3A_216 = arith.negf %slice3A_215 : vector<256x128xf32>
    %logistic3A_217 = math.exp %logistic3A_216 : vector<256x128xf32>
    %logistic3A_218 = arith.constant 1.000000e+00 : f32
    %logistic3A_219 = vector.broadcast %logistic3A_218 : f32 to vector<256x128xf32>
    %logistic3A_220 = arith.addf %logistic3A_219, %logistic3A_217 : vector<256x128xf32>
    %logistic3A_221 = arith.divf %logistic3A_219, %logistic3A_220 : vector<256x128xf32>
    %slice3A_222 = vector.extract_strided_slice %add3A_214 {offsets = [0, 128], sizes = [256, 128], strides = [1, 1]} : vector<256x384xf32> to vector<256x128xf32>
    %logistic3A_223 = arith.negf %slice3A_222 : vector<256x128xf32>
    %logistic3A_224 = math.exp %logistic3A_223 : vector<256x128xf32>
    %logistic3A_225 = arith.constant 1.000000e+00 : f32
    %logistic3A_226 = vector.broadcast %logistic3A_225 : f32 to vector<256x128xf32>
    %logistic3A_227 = arith.addf %logistic3A_226, %logistic3A_224 : vector<256x128xf32>
    %logistic3A_228 = arith.divf %logistic3A_226, %logistic3A_227 : vector<256x128xf32>
    %slice3A_229 = vector.extract_strided_slice %add3A_214 {offsets = [0, 256], sizes = [256, 128], strides = [1, 1]} : vector<256x384xf32> to vector<256x128xf32>
    %tanh3A_230 = math.tanh %slice3A_229 : vector<256x128xf32>
    %slice3A_231 = vector.extract_strided_slice %reshape3A_192 {offsets = [0, 384], sizes = [256, 64], strides = [1, 1]} : vector<256x512xf32> to vector<256x64xf32>
    %slice3A_232 = vector.extract_strided_slice %reshape3A_192 {offsets = [0, 448], sizes = [256, 64], strides = [1, 1]} : vector<256x512xf32> to vector<256x64xf32>
    %dot_general3A_233 = arith.constant dense<0.000000e+00> : vector<256x128xf32>
    %dot_general3A_234 = tpu.matmul %slice3A_200, %get3A_21, %dot_general3A_233 {dimension_numbers = #tpu.dot_dimension_numbers<[1], [0], [0], [1], [0, 0, 1, 1], [], []>, transpose_lhs_hint = false} : vector<256x128xf32>, vector<128x128xf32>, vector<256x128xf32> -> vector<256x128xf32>
    %concatenate3A_235 = tpu.concatenate %slice3A_231, %slice3A_231 in 1 : vector<256x64xf32>, vector<256x64xf32> -> vector<256x128xf32>
    %add3A_236 = arith.addf %dot_general3A_234, %concatenate3A_235 : vector<256x128xf32>
    %logistic3A_237 = arith.negf %add3A_236 : vector<256x128xf32>
    %logistic3A_238 = math.exp %logistic3A_237 : vector<256x128xf32>
    %logistic3A_239 = arith.constant 1.000000e+00 : f32
    %logistic3A_240 = vector.broadcast %logistic3A_239 : f32 to vector<256x128xf32>
    %logistic3A_241 = arith.addf %logistic3A_240, %logistic3A_238 : vector<256x128xf32>
    %logistic3A_242 = arith.divf %logistic3A_240, %logistic3A_241 : vector<256x128xf32>
    %dot_general3A_243 = arith.constant dense<0.000000e+00> : vector<256x128xf32>
    %dot_general3A_244 = tpu.matmul %slice3A_202, %get3A_21, %dot_general3A_243 {dimension_numbers = #tpu.dot_dimension_numbers<[1], [0], [0], [1], [0, 0, 1, 1], [], []>, transpose_lhs_hint = false} : vector<256x128xf32>, vector<128x128xf32>, vector<256x128xf32> -> vector<256x128xf32>
    %concatenate3A_245 = tpu.concatenate %slice3A_232, %slice3A_232 in 1 : vector<256x64xf32>, vector<256x64xf32> -> vector<256x128xf32>
    %add3A_246 = arith.addf %dot_general3A_244, %concatenate3A_245 : vector<256x128xf32>
    %logistic3A_247 = arith.negf %add3A_246 : vector<256x128xf32>
    %logistic3A_248 = math.exp %logistic3A_247 : vector<256x128xf32>
    %logistic3A_249 = arith.constant 1.000000e+00 : f32
    %logistic3A_250 = vector.broadcast %logistic3A_249 : f32 to vector<256x128xf32>
    %logistic3A_251 = arith.addf %logistic3A_250, %logistic3A_248 : vector<256x128xf32>
    %logistic3A_252 = arith.divf %logistic3A_250, %logistic3A_251 : vector<256x128xf32>
    %mul3A_253 = arith.mulf %logistic3A_242, %slice3A_201 : vector<256x128xf32>
    %mul3A_254 = arith.mulf %logistic3A_252, %slice3A_203 : vector<256x128xf32>
    %slice3A_255 = vector.extract_strided_slice %mul3A_253 {offsets = [0, 0], sizes = [256, 64], strides = [1, 1]} : vector<256x128xf32> to vector<256x64xf32>
    %slice3A_256 = vector.extract_strided_slice %mul3A_253 {offsets = [0, 64], sizes = [256, 64], strides = [1, 1]} : vector<256x128xf32> to vector<256x64xf32>
    %add3A_257 = arith.addf %slice3A_255, %slice3A_256 : vector<256x64xf32>
    %slice3A_258 = vector.extract_strided_slice %mul3A_254 {offsets = [0, 0], sizes = [256, 64], strides = [1, 1]} : vector<256x128xf32> to vector<256x64xf32>
    %slice3A_259 = vector.extract_strided_slice %mul3A_254 {offsets = [0, 64], sizes = [256, 64], strides = [1, 1]} : vector<256x128xf32> to vector<256x64xf32>
    %add3A_260 = arith.addf %slice3A_258, %slice3A_259 : vector<256x64xf32>
    %concatenate3A_261 = tpu.concatenate %add3A_257, %add3A_260 in 1 : vector<256x64xf32>, vector<256x64xf32> -> vector<256x128xf32>
    %mul3A_262 = arith.mulf %logistic3A_221, %tanh3A_230 : vector<256x128xf32>
    %add3A_263 = arith.addf %mul3A_262, %concatenate3A_261 : vector<256x128xf32>
    %tanh3A_264 = math.tanh %add3A_263 : vector<256x128xf32>
    %mul3A_265 = arith.mulf %logistic3A_228, %tanh3A_264 : vector<256x128xf32>
    %slice3A_266 = vector.extract_strided_slice %reshape3A {offsets = [0, 240, 0], sizes = [16, 8, 512], strides = [1, 1, 1]} : vector<16x256x512xf32> to vector<16x8x512xf32>
    %reshape3A_267 = vector.shape_cast %slice3A_266 : vector<16x8x512xf32> to vector<128x512xf32>
    %concatenate3A_268 = tpu.concatenate %mul3A_265, %add3A_263 in 1 : vector<256x128xf32>, vector<256x128xf32> -> vector<256x256xf32>
    %reshape3A_269 = vector.shape_cast %concatenate3A_268 : vector<256x256xf32> to vector<128x2x256xf32>
    %slice3A_270 = vector.extract_strided_slice %reshape3A_269 {offsets = [0, 0, 0], sizes = [128, 1, 256], strides = [1, 1, 1]} : vector<128x2x256xf32> to vector<128x1x256xf32>
    %squeeze3A_271 = vector.shape_cast %slice3A_270 : vector<128x1x256xf32> to vector<128x256xf32>
    %slice3A_272 = vector.extract_strided_slice %reshape3A_269 {offsets = [0, 1, 0], sizes = [128, 1, 256], strides = [1, 1, 1]} : vector<128x2x256xf32> to vector<128x1x256xf32>
    %squeeze3A_273 = vector.shape_cast %slice3A_272 : vector<128x1x256xf32> to vector<128x256xf32>
    %concatenate3A_274 = tpu.concatenate %squeeze3A_271, %squeeze3A_273 in 1 : vector<128x256xf32>, vector<128x256xf32> -> vector<128x512xf32>
    %slice3A_275 = vector.extract_strided_slice %concatenate3A_274 {offsets = [0, 0], sizes = [128, 128], strides = [1, 1]} : vector<128x512xf32> to vector<128x128xf32>
    %slice3A_276 = vector.extract_strided_slice %concatenate3A_274 {offsets = [0, 128], sizes = [128, 128], strides = [1, 1]} : vector<128x512xf32> to vector<128x128xf32>
    %slice3A_277 = vector.extract_strided_slice %concatenate3A_274 {offsets = [0, 256], sizes = [128, 128], strides = [1, 1]} : vector<128x512xf32> to vector<128x128xf32>
    %slice3A_278 = vector.extract_strided_slice %concatenate3A_274 {offsets = [0, 384], sizes = [128, 128], strides = [1, 1]} : vector<128x512xf32> to vector<128x128xf32>
    %slice3A_279 = vector.extract_strided_slice %slice3A_275 {offsets = [0, 0], sizes = [128, 64], strides = [1, 1]} : vector<128x128xf32> to vector<128x64xf32>
    %slice3A_280 = vector.extract_strided_slice %slice3A_275 {offsets = [0, 64], sizes = [128, 64], strides = [1, 1]} : vector<128x128xf32> to vector<128x64xf32>
    %add3A_281 = arith.addf %slice3A_279, %slice3A_280 : vector<128x64xf32>
    %slice3A_282 = vector.extract_strided_slice %slice3A_277 {offsets = [0, 0], sizes = [128, 64], strides = [1, 1]} : vector<128x128xf32> to vector<128x64xf32>
    %slice3A_283 = vector.extract_strided_slice %slice3A_277 {offsets = [0, 64], sizes = [128, 64], strides = [1, 1]} : vector<128x128xf32> to vector<128x64xf32>
    %add3A_284 = arith.addf %slice3A_282, %slice3A_283 : vector<128x64xf32>
    %concatenate3A_285 = tpu.concatenate %add3A_281, %add3A_284 in 1 : vector<128x64xf32>, vector<128x64xf32> -> vector<128x128xf32>
    %slice3A_286 = vector.extract_strided_slice %reshape3A_267 {offsets = [0, 0], sizes = [128, 384], strides = [1, 1]} : vector<128x512xf32> to vector<128x384xf32>
    %dot_general3A_287 = arith.constant dense<0.000000e+00> : vector<128x384xf32>
    %dot_general3A_288 = tpu.matmul %concatenate3A_285, %get3A_18, %dot_general3A_287 {dimension_numbers = #tpu.dot_dimension_numbers<[1], [0], [0], [1], [0, 0, 1, 1], [], []>, transpose_lhs_hint = false} : vector<128x128xf32>, vector<128x384xf32>, vector<128x384xf32> -> vector<128x384xf32>
    %add3A_289 = arith.addf %slice3A_286, %dot_general3A_288 : vector<128x384xf32>
    %slice3A_290 = vector.extract_strided_slice %add3A_289 {offsets = [0, 0], sizes = [128, 128], strides = [1, 1]} : vector<128x384xf32> to vector<128x128xf32>
    %logistic3A_291 = arith.negf %slice3A_290 : vector<128x128xf32>
    %logistic3A_292 = math.exp %logistic3A_291 : vector<128x128xf32>
    %logistic3A_293 = arith.constant 1.000000e+00 : f32
    %logistic3A_294 = vector.broadcast %logistic3A_293 : f32 to vector<128x128xf32>
    %logistic3A_295 = arith.addf %logistic3A_294, %logistic3A_292 : vector<128x128xf32>
    %logistic3A_296 = arith.divf %logistic3A_294, %logistic3A_295 : vector<128x128xf32>
    %slice3A_297 = vector.extract_strided_slice %add3A_289 {offsets = [0, 128], sizes = [128, 128], strides = [1, 1]} : vector<128x384xf32> to vector<128x128xf32>
    %logistic3A_298 = arith.negf %slice3A_297 : vector<128x128xf32>
    %logistic3A_299 = math.exp %logistic3A_298 : vector<128x128xf32>
    %logistic3A_300 = arith.constant 1.000000e+00 : f32
    %logistic3A_301 = vector.broadcast %logistic3A_300 : f32 to vector<128x128xf32>
    %logistic3A_302 = arith.addf %logistic3A_301, %logistic3A_299 : vector<128x128xf32>
    %logistic3A_303 = arith.divf %logistic3A_301, %logistic3A_302 : vector<128x128xf32>
    %slice3A_304 = vector.extract_strided_slice %add3A_289 {offsets = [0, 256], sizes = [128, 128], strides = [1, 1]} : vector<128x384xf32> to vector<128x128xf32>
    %tanh3A_305 = math.tanh %slice3A_304 : vector<128x128xf32>
    %slice3A_306 = vector.extract_strided_slice %reshape3A_267 {offsets = [0, 384], sizes = [128, 64], strides = [1, 1]} : vector<128x512xf32> to vector<128x64xf32>
    %slice3A_307 = vector.extract_strided_slice %reshape3A_267 {offsets = [0, 448], sizes = [128, 64], strides = [1, 1]} : vector<128x512xf32> to vector<128x64xf32>
    %dot_general3A_308 = arith.constant dense<0.000000e+00> : vector<128x128xf32>
    %dot_general3A_309 = tpu.matmul %slice3A_275, %get3A_21, %dot_general3A_308 {dimension_numbers = #tpu.dot_dimension_numbers<[1], [0], [0], [1], [0, 0, 1, 1], [], []>, transpose_lhs_hint = false} : vector<128x128xf32>, vector<128x128xf32>, vector<128x128xf32> -> vector<128x128xf32>
    %concatenate3A_310 = tpu.concatenate %slice3A_306, %slice3A_306 in 1 : vector<128x64xf32>, vector<128x64xf32> -> vector<128x128xf32>
    %add3A_311 = arith.addf %dot_general3A_309, %concatenate3A_310 : vector<128x128xf32>
    %logistic3A_312 = arith.negf %add3A_311 : vector<128x128xf32>
    %logistic3A_313 = math.exp %logistic3A_312 : vector<128x128xf32>
    %logistic3A_314 = arith.constant 1.000000e+00 : f32
    %logistic3A_315 = vector.broadcast %logistic3A_314 : f32 to vector<128x128xf32>
    %logistic3A_316 = arith.addf %logistic3A_315, %logistic3A_313 : vector<128x128xf32>
    %logistic3A_317 = arith.divf %logistic3A_315, %logistic3A_316 : vector<128x128xf32>
    %dot_general3A_318 = arith.constant dense<0.000000e+00> : vector<128x128xf32>
    %dot_general3A_319 = tpu.matmul %slice3A_277, %get3A_21, %dot_general3A_318 {dimension_numbers = #tpu.dot_dimension_numbers<[1], [0], [0], [1], [0, 0, 1, 1], [], []>, transpose_lhs_hint = false} : vector<128x128xf32>, vector<128x128xf32>, vector<128x128xf32> -> vector<128x128xf32>
    %concatenate3A_320 = tpu.concatenate %slice3A_307, %slice3A_307 in 1 : vector<128x64xf32>, vector<128x64xf32> -> vector<128x128xf32>
    %add3A_321 = arith.addf %dot_general3A_319, %concatenate3A_320 : vector<128x128xf32>
    %logistic3A_322 = arith.negf %add3A_321 : vector<128x128xf32>
    %logistic3A_323 = math.exp %logistic3A_322 : vector<128x128xf32>
    %logistic3A_324 = arith.constant 1.000000e+00 : f32
    %logistic3A_325 = vector.broadcast %logistic3A_324 : f32 to vector<128x128xf32>
    %logistic3A_326 = arith.addf %logistic3A_325, %logistic3A_323 : vector<128x128xf32>
    %logistic3A_327 = arith.divf %logistic3A_325, %logistic3A_326 : vector<128x128xf32>
    %mul3A_328 = arith.mulf %logistic3A_317, %slice3A_276 : vector<128x128xf32>
    %mul3A_329 = arith.mulf %logistic3A_327, %slice3A_278 : vector<128x128xf32>
    %slice3A_330 = vector.extract_strided_slice %mul3A_328 {offsets = [0, 0], sizes = [128, 64], strides = [1, 1]} : vector<128x128xf32> to vector<128x64xf32>
    %slice3A_331 = vector.extract_strided_slice %mul3A_328 {offsets = [0, 64], sizes = [128, 64], strides = [1, 1]} : vector<128x128xf32> to vector<128x64xf32>
    %add3A_332 = arith.addf %slice3A_330, %slice3A_331 : vector<128x64xf32>
    %slice3A_333 = vector.extract_strided_slice %mul3A_329 {offsets = [0, 0], sizes = [128, 64], strides = [1, 1]} : vector<128x128xf32> to vector<128x64xf32>
    %slice3A_334 = vector.extract_strided_slice %mul3A_329 {offsets = [0, 64], sizes = [128, 64], strides = [1, 1]} : vector<128x128xf32> to vector<128x64xf32>
    %add3A_335 = arith.addf %slice3A_333, %slice3A_334 : vector<128x64xf32>
    %concatenate3A_336 = tpu.concatenate %add3A_332, %add3A_335 in 1 : vector<128x64xf32>, vector<128x64xf32> -> vector<128x128xf32>
    %mul3A_337 = arith.mulf %logistic3A_296, %tanh3A_305 : vector<128x128xf32>
    %add3A_338 = arith.addf %mul3A_337, %concatenate3A_336 : vector<128x128xf32>
    %tanh3A_339 = math.tanh %add3A_338 : vector<128x128xf32>
    %mul3A_340 = arith.mulf %logistic3A_303, %tanh3A_339 : vector<128x128xf32>
    %slice3A_341 = vector.extract_strided_slice %reshape3A {offsets = [0, 248, 0], sizes = [16, 4, 512], strides = [1, 1, 1]} : vector<16x256x512xf32> to vector<16x4x512xf32>
    %reshape3A_342 = vector.shape_cast %slice3A_341 : vector<16x4x512xf32> to vector<64x512xf32>
    %concatenate3A_343 = tpu.concatenate %mul3A_340, %add3A_338 in 1 : vector<128x128xf32>, vector<128x128xf32> -> vector<128x256xf32>
    %reshape3A_344 = vector.shape_cast %concatenate3A_343 : vector<128x256xf32> to vector<64x2x256xf32>
    %slice3A_345 = vector.extract_strided_slice %reshape3A_344 {offsets = [0, 0, 0], sizes = [64, 1, 256], strides = [1, 1, 1]} : vector<64x2x256xf32> to vector<64x1x256xf32>
    %squeeze3A_346 = vector.shape_cast %slice3A_345 : vector<64x1x256xf32> to vector<64x256xf32>
    %slice3A_347 = vector.extract_strided_slice %reshape3A_344 {offsets = [0, 1, 0], sizes = [64, 1, 256], strides = [1, 1, 1]} : vector<64x2x256xf32> to vector<64x1x256xf32>
    %squeeze3A_348 = vector.shape_cast %slice3A_347 : vector<64x1x256xf32> to vector<64x256xf32>
    %concatenate3A_349 = tpu.concatenate %squeeze3A_346, %squeeze3A_348 in 1 : vector<64x256xf32>, vector<64x256xf32> -> vector<64x512xf32>
    %slice3A_350 = vector.extract_strided_slice %concatenate3A_349 {offsets = [0, 0], sizes = [64, 128], strides = [1, 1]} : vector<64x512xf32> to vector<64x128xf32>
    %slice3A_351 = vector.extract_strided_slice %concatenate3A_349 {offsets = [0, 128], sizes = [64, 128], strides = [1, 1]} : vector<64x512xf32> to vector<64x128xf32>
    %slice3A_352 = vector.extract_strided_slice %concatenate3A_349 {offsets = [0, 256], sizes = [64, 128], strides = [1, 1]} : vector<64x512xf32> to vector<64x128xf32>
    %slice3A_353 = vector.extract_strided_slice %concatenate3A_349 {offsets = [0, 384], sizes = [64, 128], strides = [1, 1]} : vector<64x512xf32> to vector<64x128xf32>
    %slice3A_354 = vector.extract_strided_slice %slice3A_350 {offsets = [0, 0], sizes = [64, 64], strides = [1, 1]} : vector<64x128xf32> to vector<64x64xf32>
    %slice3A_355 = vector.extract_strided_slice %slice3A_350 {offsets = [0, 64], sizes = [64, 64], strides = [1, 1]} : vector<64x128xf32> to vector<64x64xf32>
    %add3A_356 = arith.addf %slice3A_354, %slice3A_355 : vector<64x64xf32>
    %slice3A_357 = vector.extract_strided_slice %slice3A_352 {offsets = [0, 0], sizes = [64, 64], strides = [1, 1]} : vector<64x128xf32> to vector<64x64xf32>
    %slice3A_358 = vector.extract_strided_slice %slice3A_352 {offsets = [0, 64], sizes = [64, 64], strides = [1, 1]} : vector<64x128xf32> to vector<64x64xf32>
    %add3A_359 = arith.addf %slice3A_357, %slice3A_358 : vector<64x64xf32>
    %concatenate3A_360 = tpu.concatenate %add3A_356, %add3A_359 in 1 : vector<64x64xf32>, vector<64x64xf32> -> vector<64x128xf32>
    %slice3A_361 = vector.extract_strided_slice %reshape3A_342 {offsets = [0, 0], sizes = [64, 384], strides = [1, 1]} : vector<64x512xf32> to vector<64x384xf32>
    %dot_general3A_362 = arith.constant dense<0.000000e+00> : vector<64x384xf32>
    %dot_general3A_363 = tpu.matmul %concatenate3A_360, %get3A_18, %dot_general3A_362 {dimension_numbers = #tpu.dot_dimension_numbers<[1], [0], [0], [1], [0, 0, 1, 1], [], []>, transpose_lhs_hint = false} : vector<64x128xf32>, vector<128x384xf32>, vector<64x384xf32> -> vector<64x384xf32>
    %add3A_364 = arith.addf %slice3A_361, %dot_general3A_363 : vector<64x384xf32>
    %slice3A_365 = vector.extract_strided_slice %add3A_364 {offsets = [0, 0], sizes = [64, 128], strides = [1, 1]} : vector<64x384xf32> to vector<64x128xf32>
    %logistic3A_366 = arith.negf %slice3A_365 : vector<64x128xf32>
    %logistic3A_367 = math.exp %logistic3A_366 : vector<64x128xf32>
    %logistic3A_368 = arith.constant 1.000000e+00 : f32
    %logistic3A_369 = vector.broadcast %logistic3A_368 : f32 to vector<64x128xf32>
    %logistic3A_370 = arith.addf %logistic3A_369, %logistic3A_367 : vector<64x128xf32>
    %logistic3A_371 = arith.divf %logistic3A_369, %logistic3A_370 : vector<64x128xf32>
    %slice3A_372 = vector.extract_strided_slice %add3A_364 {offsets = [0, 128], sizes = [64, 128], strides = [1, 1]} : vector<64x384xf32> to vector<64x128xf32>
    %logistic3A_373 = arith.negf %slice3A_372 : vector<64x128xf32>
    %logistic3A_374 = math.exp %logistic3A_373 : vector<64x128xf32>
    %logistic3A_375 = arith.constant 1.000000e+00 : f32
    %logistic3A_376 = vector.broadcast %logistic3A_375 : f32 to vector<64x128xf32>
    %logistic3A_377 = arith.addf %logistic3A_376, %logistic3A_374 : vector<64x128xf32>
    %logistic3A_378 = arith.divf %logistic3A_376, %logistic3A_377 : vector<64x128xf32>
    %slice3A_379 = vector.extract_strided_slice %add3A_364 {offsets = [0, 256], sizes = [64, 128], strides = [1, 1]} : vector<64x384xf32> to vector<64x128xf32>
    %tanh3A_380 = math.tanh %slice3A_379 : vector<64x128xf32>
    %slice3A_381 = vector.extract_strided_slice %reshape3A_342 {offsets = [0, 384], sizes = [64, 64], strides = [1, 1]} : vector<64x512xf32> to vector<64x64xf32>
    %slice3A_382 = vector.extract_strided_slice %reshape3A_342 {offsets = [0, 448], sizes = [64, 64], strides = [1, 1]} : vector<64x512xf32> to vector<64x64xf32>
    %dot_general3A_383 = arith.constant dense<0.000000e+00> : vector<64x128xf32>
    %dot_general3A_384 = tpu.matmul %slice3A_350, %get3A_21, %dot_general3A_383 {dimension_numbers = #tpu.dot_dimension_numbers<[1], [0], [0], [1], [0, 0, 1, 1], [], []>, transpose_lhs_hint = false} : vector<64x128xf32>, vector<128x128xf32>, vector<64x128xf32> -> vector<64x128xf32>
    %concatenate3A_385 = tpu.concatenate %slice3A_381, %slice3A_381 in 1 : vector<64x64xf32>, vector<64x64xf32> -> vector<64x128xf32>
    %add3A_386 = arith.addf %dot_general3A_384, %concatenate3A_385 : vector<64x128xf32>
    %logistic3A_387 = arith.negf %add3A_386 : vector<64x128xf32>
    %logistic3A_388 = math.exp %logistic3A_387 : vector<64x128xf32>
    %logistic3A_389 = arith.constant 1.000000e+00 : f32
    %logistic3A_390 = vector.broadcast %logistic3A_389 : f32 to vector<64x128xf32>
    %logistic3A_391 = arith.addf %logistic3A_390, %logistic3A_388 : vector<64x128xf32>
    %logistic3A_392 = arith.divf %logistic3A_390, %logistic3A_391 : vector<64x128xf32>
    %dot_general3A_393 = arith.constant dense<0.000000e+00> : vector<64x128xf32>
    %dot_general3A_394 = tpu.matmul %slice3A_352, %get3A_21, %dot_general3A_393 {dimension_numbers = #tpu.dot_dimension_numbers<[1], [0], [0], [1], [0, 0, 1, 1], [], []>, transpose_lhs_hint = false} : vector<64x128xf32>, vector<128x128xf32>, vector<64x128xf32> -> vector<64x128xf32>
    %concatenate3A_395 = tpu.concatenate %slice3A_382, %slice3A_382 in 1 : vector<64x64xf32>, vector<64x64xf32> -> vector<64x128xf32>
    %add3A_396 = arith.addf %dot_general3A_394, %concatenate3A_395 : vector<64x128xf32>
    %logistic3A_397 = arith.negf %add3A_396 : vector<64x128xf32>
    %logistic3A_398 = math.exp %logistic3A_397 : vector<64x128xf32>
    %logistic3A_399 = arith.constant 1.000000e+00 : f32
    %logistic3A_400 = vector.broadcast %logistic3A_399 : f32 to vector<64x128xf32>
    %logistic3A_401 = arith.addf %logistic3A_400, %logistic3A_398 : vector<64x128xf32>
    %logistic3A_402 = arith.divf %logistic3A_400, %logistic3A_401 : vector<64x128xf32>
    %mul3A_403 = arith.mulf %logistic3A_392, %slice3A_351 : vector<64x128xf32>
    %mul3A_404 = arith.mulf %logistic3A_402, %slice3A_353 : vector<64x128xf32>
    %slice3A_405 = vector.extract_strided_slice %mul3A_403 {offsets = [0, 0], sizes = [64, 64], strides = [1, 1]} : vector<64x128xf32> to vector<64x64xf32>
    %slice3A_406 = vector.extract_strided_slice %mul3A_403 {offsets = [0, 64], sizes = [64, 64], strides = [1, 1]} : vector<64x128xf32> to vector<64x64xf32>
    %add3A_407 = arith.addf %slice3A_405, %slice3A_406 : vector<64x64xf32>
    %slice3A_408 = vector.extract_strided_slice %mul3A_404 {offsets = [0, 0], sizes = [64, 64], strides = [1, 1]} : vector<64x128xf32> to vector<64x64xf32>
    %slice3A_409 = vector.extract_strided_slice %mul3A_404 {offsets = [0, 64], sizes = [64, 64], strides = [1, 1]} : vector<64x128xf32> to vector<64x64xf32>
    %add3A_410 = arith.addf %slice3A_408, %slice3A_409 : vector<64x64xf32>
    %concatenate3A_411 = tpu.concatenate %add3A_407, %add3A_410 in 1 : vector<64x64xf32>, vector<64x64xf32> -> vector<64x128xf32>
    %mul3A_412 = arith.mulf %logistic3A_371, %tanh3A_380 : vector<64x128xf32>
    %add3A_413 = arith.addf %mul3A_412, %concatenate3A_411 : vector<64x128xf32>
    %tanh3A_414 = math.tanh %add3A_413 : vector<64x128xf32>
    %mul3A_415 = arith.mulf %logistic3A_378, %tanh3A_414 : vector<64x128xf32>
    %slice3A_416 = vector.extract_strided_slice %reshape3A {offsets = [0, 252, 0], sizes = [16, 2, 512], strides = [1, 1, 1]} : vector<16x256x512xf32> to vector<16x2x512xf32>
    %reshape3A_417 = vector.shape_cast %slice3A_416 : vector<16x2x512xf32> to vector<32x512xf32>
    %concatenate3A_418 = tpu.concatenate %mul3A_415, %add3A_413 in 1 : vector<64x128xf32>, vector<64x128xf32> -> vector<64x256xf32>
    %reshape3A_419 = vector.shape_cast %concatenate3A_418 : vector<64x256xf32> to vector<32x2x256xf32>
    %slice3A_420 = vector.extract_strided_slice %reshape3A_419 {offsets = [0, 0, 0], sizes = [32, 1, 256], strides = [1, 1, 1]} : vector<32x2x256xf32> to vector<32x1x256xf32>
    %squeeze3A_421 = vector.shape_cast %slice3A_420 : vector<32x1x256xf32> to vector<32x256xf32>
    %slice3A_422 = vector.extract_strided_slice %reshape3A_419 {offsets = [0, 1, 0], sizes = [32, 1, 256], strides = [1, 1, 1]} : vector<32x2x256xf32> to vector<32x1x256xf32>
    %squeeze3A_423 = vector.shape_cast %slice3A_422 : vector<32x1x256xf32> to vector<32x256xf32>
    %concatenate3A_424 = tpu.concatenate %squeeze3A_421, %squeeze3A_423 in 1 : vector<32x256xf32>, vector<32x256xf32> -> vector<32x512xf32>
    %slice3A_425 = vector.extract_strided_slice %concatenate3A_424 {offsets = [0, 0], sizes = [32, 128], strides = [1, 1]} : vector<32x512xf32> to vector<32x128xf32>
    %slice3A_426 = vector.extract_strided_slice %concatenate3A_424 {offsets = [0, 128], sizes = [32, 128], strides = [1, 1]} : vector<32x512xf32> to vector<32x128xf32>
    %slice3A_427 = vector.extract_strided_slice %concatenate3A_424 {offsets = [0, 256], sizes = [32, 128], strides = [1, 1]} : vector<32x512xf32> to vector<32x128xf32>
    %slice3A_428 = vector.extract_strided_slice %concatenate3A_424 {offsets = [0, 384], sizes = [32, 128], strides = [1, 1]} : vector<32x512xf32> to vector<32x128xf32>
    %slice3A_429 = vector.extract_strided_slice %slice3A_425 {offsets = [0, 0], sizes = [32, 64], strides = [1, 1]} : vector<32x128xf32> to vector<32x64xf32>
    %slice3A_430 = vector.extract_strided_slice %slice3A_425 {offsets = [0, 64], sizes = [32, 64], strides = [1, 1]} : vector<32x128xf32> to vector<32x64xf32>
    %add3A_431 = arith.addf %slice3A_429, %slice3A_430 : vector<32x64xf32>
    %slice3A_432 = vector.extract_strided_slice %slice3A_427 {offsets = [0, 0], sizes = [32, 64], strides = [1, 1]} : vector<32x128xf32> to vector<32x64xf32>
    %slice3A_433 = vector.extract_strided_slice %slice3A_427 {offsets = [0, 64], sizes = [32, 64], strides = [1, 1]} : vector<32x128xf32> to vector<32x64xf32>
    %add3A_434 = arith.addf %slice3A_432, %slice3A_433 : vector<32x64xf32>
    %concatenate3A_435 = tpu.concatenate %add3A_431, %add3A_434 in 1 : vector<32x64xf32>, vector<32x64xf32> -> vector<32x128xf32>
    %slice3A_436 = vector.extract_strided_slice %reshape3A_417 {offsets = [0, 0], sizes = [32, 384], strides = [1, 1]} : vector<32x512xf32> to vector<32x384xf32>
    %dot_general3A_437 = arith.constant dense<0.000000e+00> : vector<32x384xf32>
    %dot_general3A_438 = tpu.matmul %concatenate3A_435, %get3A_18, %dot_general3A_437 {dimension_numbers = #tpu.dot_dimension_numbers<[1], [0], [0], [1], [0, 0, 1, 1], [], []>, transpose_lhs_hint = false} : vector<32x128xf32>, vector<128x384xf32>, vector<32x384xf32> -> vector<32x384xf32>
    %add3A_439 = arith.addf %slice3A_436, %dot_general3A_438 : vector<32x384xf32>
    %slice3A_440 = vector.extract_strided_slice %add3A_439 {offsets = [0, 0], sizes = [32, 128], strides = [1, 1]} : vector<32x384xf32> to vector<32x128xf32>
    %logistic3A_441 = arith.negf %slice3A_440 : vector<32x128xf32>
    %logistic3A_442 = math.exp %logistic3A_441 : vector<32x128xf32>
    %logistic3A_443 = arith.constant 1.000000e+00 : f32
    %logistic3A_444 = vector.broadcast %logistic3A_443 : f32 to vector<32x128xf32>
    %logistic3A_445 = arith.addf %logistic3A_444, %logistic3A_442 : vector<32x128xf32>
    %logistic3A_446 = arith.divf %logistic3A_444, %logistic3A_445 : vector<32x128xf32>
    %slice3A_447 = vector.extract_strided_slice %add3A_439 {offsets = [0, 128], sizes = [32, 128], strides = [1, 1]} : vector<32x384xf32> to vector<32x128xf32>
    %logistic3A_448 = arith.negf %slice3A_447 : vector<32x128xf32>
    %logistic3A_449 = math.exp %logistic3A_448 : vector<32x128xf32>
    %logistic3A_450 = arith.constant 1.000000e+00 : f32
    %logistic3A_451 = vector.broadcast %logistic3A_450 : f32 to vector<32x128xf32>
    %logistic3A_452 = arith.addf %logistic3A_451, %logistic3A_449 : vector<32x128xf32>
    %logistic3A_453 = arith.divf %logistic3A_451, %logistic3A_452 : vector<32x128xf32>
    %slice3A_454 = vector.extract_strided_slice %add3A_439 {offsets = [0, 256], sizes = [32, 128], strides = [1, 1]} : vector<32x384xf32> to vector<32x128xf32>
    %tanh3A_455 = math.tanh %slice3A_454 : vector<32x128xf32>
    %slice3A_456 = vector.extract_strided_slice %reshape3A_417 {offsets = [0, 384], sizes = [32, 64], strides = [1, 1]} : vector<32x512xf32> to vector<32x64xf32>
    %slice3A_457 = vector.extract_strided_slice %reshape3A_417 {offsets = [0, 448], sizes = [32, 64], strides = [1, 1]} : vector<32x512xf32> to vector<32x64xf32>
    %dot_general3A_458 = arith.constant dense<0.000000e+00> : vector<32x128xf32>
    %dot_general3A_459 = tpu.matmul %slice3A_425, %get3A_21, %dot_general3A_458 {dimension_numbers = #tpu.dot_dimension_numbers<[1], [0], [0], [1], [0, 0, 1, 1], [], []>, transpose_lhs_hint = false} : vector<32x128xf32>, vector<128x128xf32>, vector<32x128xf32> -> vector<32x128xf32>
    %concatenate3A_460 = tpu.concatenate %slice3A_456, %slice3A_456 in 1 : vector<32x64xf32>, vector<32x64xf32> -> vector<32x128xf32>
    %add3A_461 = arith.addf %dot_general3A_459, %concatenate3A_460 : vector<32x128xf32>
    %logistic3A_462 = arith.negf %add3A_461 : vector<32x128xf32>
    %logistic3A_463 = math.exp %logistic3A_462 : vector<32x128xf32>
    %logistic3A_464 = arith.constant 1.000000e+00 : f32
    %logistic3A_465 = vector.broadcast %logistic3A_464 : f32 to vector<32x128xf32>
    %logistic3A_466 = arith.addf %logistic3A_465, %logistic3A_463 : vector<32x128xf32>
    %logistic3A_467 = arith.divf %logistic3A_465, %logistic3A_466 : vector<32x128xf32>
    %dot_general3A_468 = arith.constant dense<0.000000e+00> : vector<32x128xf32>
    %dot_general3A_469 = tpu.matmul %slice3A_427, %get3A_21, %dot_general3A_468 {dimension_numbers = #tpu.dot_dimension_numbers<[1], [0], [0], [1], [0, 0, 1, 1], [], []>, transpose_lhs_hint = false} : vector<32x128xf32>, vector<128x128xf32>, vector<32x128xf32> -> vector<32x128xf32>
    %concatenate3A_470 = tpu.concatenate %slice3A_457, %slice3A_457 in 1 : vector<32x64xf32>, vector<32x64xf32> -> vector<32x128xf32>
    %add3A_471 = arith.addf %dot_general3A_469, %concatenate3A_470 : vector<32x128xf32>
    %logistic3A_472 = arith.negf %add3A_471 : vector<32x128xf32>
    %logistic3A_473 = math.exp %logistic3A_472 : vector<32x128xf32>
    %logistic3A_474 = arith.constant 1.000000e+00 : f32
    %logistic3A_475 = vector.broadcast %logistic3A_474 : f32 to vector<32x128xf32>
    %logistic3A_476 = arith.addf %logistic3A_475, %logistic3A_473 : vector<32x128xf32>
    %logistic3A_477 = arith.divf %logistic3A_475, %logistic3A_476 : vector<32x128xf32>
    %mul3A_478 = arith.mulf %logistic3A_467, %slice3A_426 : vector<32x128xf32>
    %mul3A_479 = arith.mulf %logistic3A_477, %slice3A_428 : vector<32x128xf32>
    %slice3A_480 = vector.extract_strided_slice %mul3A_478 {offsets = [0, 0], sizes = [32, 64], strides = [1, 1]} : vector<32x128xf32> to vector<32x64xf32>
    %slice3A_481 = vector.extract_strided_slice %mul3A_478 {offsets = [0, 64], sizes = [32, 64], strides = [1, 1]} : vector<32x128xf32> to vector<32x64xf32>
    %add3A_482 = arith.addf %slice3A_480, %slice3A_481 : vector<32x64xf32>
    %slice3A_483 = vector.extract_strided_slice %mul3A_479 {offsets = [0, 0], sizes = [32, 64], strides = [1, 1]} : vector<32x128xf32> to vector<32x64xf32>
    %slice3A_484 = vector.extract_strided_slice %mul3A_479 {offsets = [0, 64], sizes = [32, 64], strides = [1, 1]} : vector<32x128xf32> to vector<32x64xf32>
    %add3A_485 = arith.addf %slice3A_483, %slice3A_484 : vector<32x64xf32>
    %concatenate3A_486 = tpu.concatenate %add3A_482, %add3A_485 in 1 : vector<32x64xf32>, vector<32x64xf32> -> vector<32x128xf32>
    %mul3A_487 = arith.mulf %logistic3A_446, %tanh3A_455 : vector<32x128xf32>
    %add3A_488 = arith.addf %mul3A_487, %concatenate3A_486 : vector<32x128xf32>
    %tanh3A_489 = math.tanh %add3A_488 : vector<32x128xf32>
    %mul3A_490 = arith.mulf %logistic3A_453, %tanh3A_489 : vector<32x128xf32>
    %slice3A_491 = vector.extract_strided_slice %reshape3A {offsets = [0, 254, 0], sizes = [16, 1, 512], strides = [1, 1, 1]} : vector<16x256x512xf32> to vector<16x1x512xf32>
    %reshape3A_492 = vector.shape_cast %slice3A_491 : vector<16x1x512xf32> to vector<16x512xf32>
    %concatenate3A_493 = tpu.concatenate %mul3A_490, %add3A_488 in 1 : vector<32x128xf32>, vector<32x128xf32> -> vector<32x256xf32>
    %reshape3A_494 = vector.shape_cast %concatenate3A_493 : vector<32x256xf32> to vector<16x2x256xf32>
    %slice3A_495 = vector.extract_strided_slice %reshape3A_494 {offsets = [0, 0, 0], sizes = [16, 1, 256], strides = [1, 1, 1]} : vector<16x2x256xf32> to vector<16x1x256xf32>
    %squeeze3A_496 = vector.shape_cast %slice3A_495 : vector<16x1x256xf32> to vector<16x256xf32>
    %slice3A_497 = vector.extract_strided_slice %reshape3A_494 {offsets = [0, 1, 0], sizes = [16, 1, 256], strides = [1, 1, 1]} : vector<16x2x256xf32> to vector<16x1x256xf32>
    %squeeze3A_498 = vector.shape_cast %slice3A_497 : vector<16x1x256xf32> to vector<16x256xf32>
    %concatenate3A_499 = tpu.concatenate %squeeze3A_496, %squeeze3A_498 in 1 : vector<16x256xf32>, vector<16x256xf32> -> vector<16x512xf32>
    %slice3A_500 = vector.extract_strided_slice %concatenate3A_499 {offsets = [0, 0], sizes = [16, 128], strides = [1, 1]} : vector<16x512xf32> to vector<16x128xf32>
    %slice3A_501 = vector.extract_strided_slice %concatenate3A_499 {offsets = [0, 128], sizes = [16, 128], strides = [1, 1]} : vector<16x512xf32> to vector<16x128xf32>
    %slice3A_502 = vector.extract_strided_slice %concatenate3A_499 {offsets = [0, 256], sizes = [16, 128], strides = [1, 1]} : vector<16x512xf32> to vector<16x128xf32>
    %slice3A_503 = vector.extract_strided_slice %concatenate3A_499 {offsets = [0, 384], sizes = [16, 128], strides = [1, 1]} : vector<16x512xf32> to vector<16x128xf32>
    %slice3A_504 = vector.extract_strided_slice %slice3A_500 {offsets = [0, 0], sizes = [16, 64], strides = [1, 1]} : vector<16x128xf32> to vector<16x64xf32>
    %slice3A_505 = vector.extract_strided_slice %slice3A_500 {offsets = [0, 64], sizes = [16, 64], strides = [1, 1]} : vector<16x128xf32> to vector<16x64xf32>
    %add3A_506 = arith.addf %slice3A_504, %slice3A_505 : vector<16x64xf32>
    %slice3A_507 = vector.extract_strided_slice %slice3A_502 {offsets = [0, 0], sizes = [16, 64], strides = [1, 1]} : vector<16x128xf32> to vector<16x64xf32>
    %slice3A_508 = vector.extract_strided_slice %slice3A_502 {offsets = [0, 64], sizes = [16, 64], strides = [1, 1]} : vector<16x128xf32> to vector<16x64xf32>
    %add3A_509 = arith.addf %slice3A_507, %slice3A_508 : vector<16x64xf32>
    %concatenate3A_510 = tpu.concatenate %add3A_506, %add3A_509 in 1 : vector<16x64xf32>, vector<16x64xf32> -> vector<16x128xf32>
    %slice3A_511 = vector.extract_strided_slice %reshape3A_492 {offsets = [0, 0], sizes = [16, 384], strides = [1, 1]} : vector<16x512xf32> to vector<16x384xf32>
    %dot_general3A_512 = arith.constant dense<0.000000e+00> : vector<16x384xf32>
    %dot_general3A_513 = tpu.matmul %concatenate3A_510, %get3A_18, %dot_general3A_512 {dimension_numbers = #tpu.dot_dimension_numbers<[1], [0], [0], [1], [0, 0, 1, 1], [], []>, transpose_lhs_hint = false} : vector<16x128xf32>, vector<128x384xf32>, vector<16x384xf32> -> vector<16x384xf32>
    %add3A_514 = arith.addf %slice3A_511, %dot_general3A_513 : vector<16x384xf32>
    %slice3A_515 = vector.extract_strided_slice %add3A_514 {offsets = [0, 0], sizes = [16, 128], strides = [1, 1]} : vector<16x384xf32> to vector<16x128xf32>
    %logistic3A_516 = arith.negf %slice3A_515 : vector<16x128xf32>
    %logistic3A_517 = math.exp %logistic3A_516 : vector<16x128xf32>
    %logistic3A_518 = arith.constant 1.000000e+00 : f32
    %logistic3A_519 = vector.broadcast %logistic3A_518 : f32 to vector<16x128xf32>
    %logistic3A_520 = arith.addf %logistic3A_519, %logistic3A_517 : vector<16x128xf32>
    %logistic3A_521 = arith.divf %logistic3A_519, %logistic3A_520 : vector<16x128xf32>
    %slice3A_522 = vector.extract_strided_slice %add3A_514 {offsets = [0, 128], sizes = [16, 128], strides = [1, 1]} : vector<16x384xf32> to vector<16x128xf32>
    %logistic3A_523 = arith.negf %slice3A_522 : vector<16x128xf32>
    %logistic3A_524 = math.exp %logistic3A_523 : vector<16x128xf32>
    %logistic3A_525 = arith.constant 1.000000e+00 : f32
    %logistic3A_526 = vector.broadcast %logistic3A_525 : f32 to vector<16x128xf32>
    %logistic3A_527 = arith.addf %logistic3A_526, %logistic3A_524 : vector<16x128xf32>
    %logistic3A_528 = arith.divf %logistic3A_526, %logistic3A_527 : vector<16x128xf32>
    %slice3A_529 = vector.extract_strided_slice %add3A_514 {offsets = [0, 256], sizes = [16, 128], strides = [1, 1]} : vector<16x384xf32> to vector<16x128xf32>
    %tanh3A_530 = math.tanh %slice3A_529 : vector<16x128xf32>
    %slice3A_531 = vector.extract_strided_slice %reshape3A_492 {offsets = [0, 384], sizes = [16, 64], strides = [1, 1]} : vector<16x512xf32> to vector<16x64xf32>
    %slice3A_532 = vector.extract_strided_slice %reshape3A_492 {offsets = [0, 448], sizes = [16, 64], strides = [1, 1]} : vector<16x512xf32> to vector<16x64xf32>
    %dot_general3A_533 = arith.constant dense<0.000000e+00> : vector<16x128xf32>
    %dot_general3A_534 = tpu.matmul %slice3A_500, %get3A_21, %dot_general3A_533 {dimension_numbers = #tpu.dot_dimension_numbers<[1], [0], [0], [1], [0, 0, 1, 1], [], []>, transpose_lhs_hint = false} : vector<16x128xf32>, vector<128x128xf32>, vector<16x128xf32> -> vector<16x128xf32>
    %concatenate3A_535 = tpu.concatenate %slice3A_531, %slice3A_531 in 1 : vector<16x64xf32>, vector<16x64xf32> -> vector<16x128xf32>
    %add3A_536 = arith.addf %dot_general3A_534, %concatenate3A_535 : vector<16x128xf32>
    %logistic3A_537 = arith.negf %add3A_536 : vector<16x128xf32>
    %logistic3A_538 = math.exp %logistic3A_537 : vector<16x128xf32>
    %logistic3A_539 = arith.constant 1.000000e+00 : f32
    %logistic3A_540 = vector.broadcast %logistic3A_539 : f32 to vector<16x128xf32>
    %logistic3A_541 = arith.addf %logistic3A_540, %logistic3A_538 : vector<16x128xf32>
    %logistic3A_542 = arith.divf %logistic3A_540, %logistic3A_541 : vector<16x128xf32>
    %dot_general3A_543 = arith.constant dense<0.000000e+00> : vector<16x128xf32>
    %dot_general3A_544 = tpu.matmul %slice3A_502, %get3A_21, %dot_general3A_543 {dimension_numbers = #tpu.dot_dimension_numbers<[1], [0], [0], [1], [0, 0, 1, 1], [], []>, transpose_lhs_hint = false} : vector<16x128xf32>, vector<128x128xf32>, vector<16x128xf32> -> vector<16x128xf32>
    %concatenate3A_545 = tpu.concatenate %slice3A_532, %slice3A_532 in 1 : vector<16x64xf32>, vector<16x64xf32> -> vector<16x128xf32>
    %add3A_546 = arith.addf %dot_general3A_544, %concatenate3A_545 : vector<16x128xf32>
    %logistic3A_547 = arith.negf %add3A_546 : vector<16x128xf32>
    %logistic3A_548 = math.exp %logistic3A_547 : vector<16x128xf32>
    %logistic3A_549 = arith.constant 1.000000e+00 : f32
    %logistic3A_550 = vector.broadcast %logistic3A_549 : f32 to vector<16x128xf32>
    %logistic3A_551 = arith.addf %logistic3A_550, %logistic3A_548 : vector<16x128xf32>
    %logistic3A_552 = arith.divf %logistic3A_550, %logistic3A_551 : vector<16x128xf32>
    %mul3A_553 = arith.mulf %logistic3A_542, %slice3A_501 : vector<16x128xf32>
    %mul3A_554 = arith.mulf %logistic3A_552, %slice3A_503 : vector<16x128xf32>
    %slice3A_555 = vector.extract_strided_slice %mul3A_553 {offsets = [0, 0], sizes = [16, 64], strides = [1, 1]} : vector<16x128xf32> to vector<16x64xf32>
    %slice3A_556 = vector.extract_strided_slice %mul3A_553 {offsets = [0, 64], sizes = [16, 64], strides = [1, 1]} : vector<16x128xf32> to vector<16x64xf32>
    %add3A_557 = arith.addf %slice3A_555, %slice3A_556 : vector<16x64xf32>
    %slice3A_558 = vector.extract_strided_slice %mul3A_554 {offsets = [0, 0], sizes = [16, 64], strides = [1, 1]} : vector<16x128xf32> to vector<16x64xf32>
    %slice3A_559 = vector.extract_strided_slice %mul3A_554 {offsets = [0, 64], sizes = [16, 64], strides = [1, 1]} : vector<16x128xf32> to vector<16x64xf32>
    %add3A_560 = arith.addf %slice3A_558, %slice3A_559 : vector<16x64xf32>
    %concatenate3A_561 = tpu.concatenate %add3A_557, %add3A_560 in 1 : vector<16x64xf32>, vector<16x64xf32> -> vector<16x128xf32>
    %mul3A_562 = arith.mulf %logistic3A_521, %tanh3A_530 : vector<16x128xf32>
    %add3A_563 = arith.addf %mul3A_562, %concatenate3A_561 : vector<16x128xf32>
    %tanh3A_564 = math.tanh %add3A_563 : vector<16x128xf32>
    %mul3A_565 = arith.mulf %logistic3A_528, %tanh3A_564 : vector<16x128xf32>
    %slice3A_566 = vector.extract_strided_slice %reshape3A {offsets = [0, 255, 0], sizes = [16, 1, 512], strides = [1, 1, 1]} : vector<16x256x512xf32> to vector<16x1x512xf32>
    %squeeze3A_567 = vector.shape_cast %slice3A_566 : vector<16x1x512xf32> to vector<16x512xf32>
    %slice3A_568 = vector.extract_strided_slice %mul3A_565 {offsets = [0, 0], sizes = [16, 64], strides = [1, 1]} : vector<16x128xf32> to vector<16x64xf32>
    %slice3A_569 = vector.extract_strided_slice %mul3A_565 {offsets = [0, 64], sizes = [16, 64], strides = [1, 1]} : vector<16x128xf32> to vector<16x64xf32>
    %add3A_570 = arith.addf %slice3A_568, %slice3A_569 : vector<16x64xf32>
    %dot_general3A_571 = arith.constant dense<0.000000e+00> : vector<16x192xf32>
    %dot_general3A_572 = tpu.matmul %add3A_570, %get3A_24, %dot_general3A_571 {dimension_numbers = #tpu.dot_dimension_numbers<[1], [0], [0], [1], [0, 0, 1, 1], [], []>, transpose_lhs_hint = false} : vector<16x64xf32>, vector<64x192xf32>, vector<16x192xf32> -> vector<16x192xf32>
    %slice3A_573 = vector.extract_strided_slice %squeeze3A_567 {offsets = [0, 0], sizes = [16, 64], strides = [1, 1]} : vector<16x512xf32> to vector<16x64xf32>
    %slice3A_574 = vector.extract_strided_slice %dot_general3A_572 {offsets = [0, 0], sizes = [16, 64], strides = [1, 1]} : vector<16x192xf32> to vector<16x64xf32>
    %add3A_575 = arith.addf %slice3A_573, %slice3A_574 : vector<16x64xf32>
    %logistic3A_576 = arith.negf %add3A_575 : vector<16x64xf32>
    %logistic3A_577 = math.exp %logistic3A_576 : vector<16x64xf32>
    %logistic3A_578 = arith.constant 1.000000e+00 : f32
    %logistic3A_579 = vector.broadcast %logistic3A_578 : f32 to vector<16x64xf32>
    %logistic3A_580 = arith.addf %logistic3A_579, %logistic3A_577 : vector<16x64xf32>
    %logistic3A_581 = arith.divf %logistic3A_579, %logistic3A_580 : vector<16x64xf32>
    %slice3A_582 = vector.extract_strided_slice %squeeze3A_567 {offsets = [0, 128], sizes = [16, 64], strides = [1, 1]} : vector<16x512xf32> to vector<16x64xf32>
    %slice3A_583 = vector.extract_strided_slice %dot_general3A_572 {offsets = [0, 64], sizes = [16, 64], strides = [1, 1]} : vector<16x192xf32> to vector<16x64xf32>
    %add3A_584 = arith.addf %slice3A_582, %slice3A_583 : vector<16x64xf32>
    %logistic3A_585 = arith.negf %add3A_584 : vector<16x64xf32>
    %logistic3A_586 = math.exp %logistic3A_585 : vector<16x64xf32>
    %logistic3A_587 = arith.constant 1.000000e+00 : f32
    %logistic3A_588 = vector.broadcast %logistic3A_587 : f32 to vector<16x64xf32>
    %logistic3A_589 = arith.addf %logistic3A_588, %logistic3A_586 : vector<16x64xf32>
    %logistic3A_590 = arith.divf %logistic3A_588, %logistic3A_589 : vector<16x64xf32>
    %slice3A_591 = vector.extract_strided_slice %squeeze3A_567 {offsets = [0, 256], sizes = [16, 64], strides = [1, 1]} : vector<16x512xf32> to vector<16x64xf32>
    %slice3A_592 = vector.extract_strided_slice %dot_general3A_572 {offsets = [0, 128], sizes = [16, 64], strides = [1, 1]} : vector<16x192xf32> to vector<16x64xf32>
    %add3A_593 = arith.addf %slice3A_591, %slice3A_592 : vector<16x64xf32>
    %tanh3A_594 = math.tanh %add3A_593 : vector<16x64xf32>
    %dot_general3A_595 = arith.constant dense<0.000000e+00> : vector<16x128xf32>
    %dot_general3A_596 = tpu.matmul %mul3A_565, %get3A_21, %dot_general3A_595 {dimension_numbers = #tpu.dot_dimension_numbers<[1], [0], [0], [1], [0, 0, 1, 1], [], []>, transpose_lhs_hint = false} : vector<16x128xf32>, vector<128x128xf32>, vector<16x128xf32> -> vector<16x128xf32>
    %slice3A_597 = vector.extract_strided_slice %squeeze3A_567 {offsets = [0, 384], sizes = [16, 64], strides = [1, 1]} : vector<16x512xf32> to vector<16x64xf32>
    %concatenate3A_598 = tpu.concatenate %slice3A_597, %slice3A_597 in 1 : vector<16x64xf32>, vector<16x64xf32> -> vector<16x128xf32>
    %add3A_599 = arith.addf %dot_general3A_596, %concatenate3A_598 : vector<16x128xf32>
    %logistic3A_600 = arith.negf %add3A_599 : vector<16x128xf32>
    %logistic3A_601 = math.exp %logistic3A_600 : vector<16x128xf32>
    %logistic3A_602 = arith.constant 1.000000e+00 : f32
    %logistic3A_603 = vector.broadcast %logistic3A_602 : f32 to vector<16x128xf32>
    %logistic3A_604 = arith.addf %logistic3A_603, %logistic3A_601 : vector<16x128xf32>
    %logistic3A_605 = arith.divf %logistic3A_603, %logistic3A_604 : vector<16x128xf32>
    %mul3A_606 = arith.mulf %logistic3A_605, %add3A_563 : vector<16x128xf32>
    %mul3A_607 = arith.mulf %logistic3A_581, %tanh3A_594 : vector<16x64xf32>
    %slice3A_608 = vector.extract_strided_slice %mul3A_606 {offsets = [0, 0], sizes = [16, 64], strides = [1, 1]} : vector<16x128xf32> to vector<16x64xf32>
    %add3A_609 = arith.addf %mul3A_607, %slice3A_608 : vector<16x64xf32>
    %slice3A_610 = vector.extract_strided_slice %mul3A_606 {offsets = [0, 64], sizes = [16, 64], strides = [1, 1]} : vector<16x128xf32> to vector<16x64xf32>
    %add3A_611 = arith.addf %add3A_609, %slice3A_610 : vector<16x64xf32>
    %tanh3A_612 = math.tanh %add3A_611 : vector<16x64xf32>
    %mul3A_613 = arith.mulf %logistic3A_590, %tanh3A_612 : vector<16x64xf32>
    %swap3A = arith.constant 0 : index
    %swap3A_614 = arith.constant 0 : index
    %swap3A_615 = vector.load %arg9[%swap3A, %swap3A_614] : memref<16x64xf32, #tpu.memory_space<vmem>>, vector<16x64xf32>
    tpu.vector_store %arg9[%swap3A, %swap3A_614], %mul3A_613 {strides = array<i32>} : memref<16x64xf32, #tpu.memory_space<vmem>>, vector<16x64xf32>,
    return
  }
  func.func @transform_0(%arg0: i32) -> (i32, i32) {
    %add3A = arith.constant 8 : i32
    %add3A_0 = arith.addi %arg0, %add3A : i32
    %c0_i32 = arith.constant 0 : i32
    %c0_i32_1 = arith.constant 0 : i32
    return %add3A_0, %c0_i32 : i32, i32
  }
  func.func @transform_1(%arg0: i32) -> (i32, i32) {
    %add3A = arith.constant 8 : i32
    %add3A_0 = arith.addi %arg0, %add3A : i32
    %c0_i32 = arith.constant 0 : i32
    %c0_i32_1 = arith.constant 0 : i32
    return %add3A_0, %c0_i32 : i32, i32
  }
  func.func @transform_2(%arg0: i32) -> (i32, i32) {
    %c0_i32 = arith.constant 0 : i32
    %c0_i32_0 = arith.constant 0 : i32
    return %arg0, %c0_i32 : i32, i32
  }
  func.func @transform_3(%arg0: i32) -> (i32, i32) {
    %c0_i32 = arith.constant 0 : i32
    %c0_i32_0 = arith.constant 0 : i32
    %c0_i32_1 = arith.constant 0 : i32
    return %c0_i32, %c0_i32_0 : i32, i32
  }
  func.func @transform_4(%arg0: i32) -> (i32, i32) {
    %c0_i32 = arith.constant 0 : i32
    %c0_i32_0 = arith.constant 0 : i32
    %c0_i32_1 = arith.constant 0 : i32
    return %c0_i32, %c0_i32_0 : i32, i32
  }
  func.func @transform_5(%arg0: i32) -> (i32, i32) {
    %c0_i32 = arith.constant 0 : i32
    %c0_i32_0 = arith.constant 0 : i32
    %c0_i32_1 = arith.constant 0 : i32
    return %c0_i32, %c0_i32_0 : i32, i32
  }
  func.func @transform_6(%arg0: i32) -> (i32, i32) {
    %c0_i32 = arith.constant 0 : i32
    %c0_i32_0 = arith.constant 0 : i32
    %c0_i32_1 = arith.constant 0 : i32
    return %c0_i32, %c0_i32_0 : i32, i32
  }
  func.func @transform_7(%arg0: i32) -> (i32, i32) {
    %c0_i32 = arith.constant 0 : i32
    %c0_i32_0 = arith.constant 0 : i32
    %c0_i32_1 = arith.constant 0 : i32
    return %c0_i32, %c0_i32_0 : i32, i32
  }
  func.func @transform_8(%arg0: i32) -> (i32, i32) {
    %c0_i32 = arith.constant 0 : i32
    %c0_i32_0 = arith.constant 0 : i32
    return %arg0, %c0_i32 : i32, i32
  }
}

module attributes {stable_mosaic.version = 14 : i64} {
  func.func @_mlp_body(%arg0: memref<128x64xf32, #tpu.memory_space<vmem>>, %arg1: memref<128x64xf32, #tpu.memory_space<vmem>>, %arg2: memref<129x64xf32, #tpu.memory_space<vmem>>, %arg3: memref<1x64xf32, #tpu.memory_space<vmem>>, %arg4: memref<64x2xf32, #tpu.memory_space<vmem>>, %arg5: memref<1x2xf32, #tpu.memory_space<vmem>>, %arg6: memref<128x2xf32, #tpu.memory_space<vmem>>) attributes {dimension_semantics = [], scalar_prefetch = 0 : i64, scratch_operands = 0 : i64, tpu.core_type = #tpu.core_type<tc>} {
    %get3A = arith.constant 0 : index
    %get3A_0 = arith.constant 0 : index
    %get3A_1 = vector.load %arg0[%get3A, %get3A_0] : memref<128x64xf32, #tpu.memory_space<vmem>>, vector<128x64xf32>
    %get3A_2 = arith.constant 0 : index
    %get3A_3 = arith.constant 0 : index
    %get3A_4 = vector.load %arg1[%get3A_2, %get3A_3] : memref<128x64xf32, #tpu.memory_space<vmem>>, vector<128x64xf32>
    %get3A_5 = arith.constant 0 : index
    %get3A_6 = arith.constant 0 : index
    %get3A_7 = vector.load %arg2[%get3A_5, %get3A_6] : memref<129x64xf32, #tpu.memory_space<vmem>>, vector<129x64xf32>
    %mul3A = arith.mulf %get3A_1, %get3A_4 : vector<128x64xf32>
    %reduce_sum3A = arith.constant dense<0.000000e+00> : vector<128xf32>
    %reduce_sum3A_8 = vector.multi_reduction <add>, %mul3A, %reduce_sum3A [1] : vector<128x64xf32> to vector<128xf32>
    %broadcast_in_dim3A = vector.shape_cast %reduce_sum3A_8 : vector<128xf32> to vector<128x1xf32>
    %slice3A = vector.extract_strided_slice %get3A_7 {offsets = [0, 0], sizes = [64, 64], strides = [1, 1]} : vector<129x64xf32> to vector<64x64xf32>
    %dot_general3A = arith.constant dense<0.000000e+00> : vector<128x64xf32>
    %dot_general3A_9 = tpu.matmul %get3A_1, %slice3A, %dot_general3A {dimension_numbers = #tpu.dot_dimension_numbers<[1], [0], [0], [1], [0, 0, 1, 1], [], []>, transpose_lhs_hint = false} : vector<128x64xf32>, vector<64x64xf32>, vector<128x64xf32> -> vector<128x64xf32>
    %slice3A_10 = vector.extract_strided_slice %get3A_7 {offsets = [64, 0], sizes = [64, 64], strides = [1, 1]} : vector<129x64xf32> to vector<64x64xf32>
    %dot_general3A_11 = arith.constant dense<0.000000e+00> : vector<128x64xf32>
    %dot_general3A_12 = tpu.matmul %get3A_4, %slice3A_10, %dot_general3A_11 {dimension_numbers = #tpu.dot_dimension_numbers<[1], [0], [0], [1], [0, 0, 1, 1], [], []>, transpose_lhs_hint = false} : vector<128x64xf32>, vector<64x64xf32>, vector<128x64xf32> -> vector<128x64xf32>
    %add3A = arith.addf %dot_general3A_9, %dot_general3A_12 : vector<128x64xf32>
    %slice3A_13 = vector.extract_strided_slice %get3A_7 {offsets = [128, 0], sizes = [1, 64], strides = [1, 1]} : vector<129x64xf32> to vector<1x64xf32>
    %mul3A_14 = vector.broadcast %broadcast_in_dim3A : vector<128x1xf32> to vector<128x64xf32>
    %mul3A_15 = vector.broadcast %slice3A_13 : vector<1x64xf32> to vector<128x64xf32>
    %mul3A_16 = arith.mulf %mul3A_14, %mul3A_15 : vector<128x64xf32>
    %add3A_17 = arith.addf %add3A, %mul3A_16 : vector<128x64xf32>
    %get3A_18 = arith.constant 0 : index
    %get3A_19 = arith.constant 0 : index
    %get3A_20 = vector.load %arg3[%get3A_18, %get3A_19] : memref<1x64xf32, #tpu.memory_space<vmem>>, vector<1x64xf32>
    %add3A_21 = vector.broadcast %get3A_20 : vector<1x64xf32> to vector<128x64xf32>
    %add3A_22 = arith.addf %add3A_17, %add3A_21 : vector<128x64xf32>
    %max3A = arith.constant 0.000000e+00 : f32
    %max3A_23 = vector.broadcast %max3A : f32 to vector<128x64xf32>
    %max3A_24 = arith.maximumf %add3A_22, %max3A_23 : vector<128x64xf32>
    %get3A_25 = arith.constant 0 : index
    %get3A_26 = arith.constant 0 : index
    %get3A_27 = vector.load %arg4[%get3A_25, %get3A_26] : memref<64x2xf32, #tpu.memory_space<vmem>>, vector<64x2xf32>
    %dot_general3A_28 = arith.constant dense<0.000000e+00> : vector<128x2xf32>
    %dot_general3A_29 = tpu.matmul %max3A_24, %get3A_27, %dot_general3A_28 {dimension_numbers = #tpu.dot_dimension_numbers<[1], [0], [0], [1], [0, 0, 1, 1], [], []>, transpose_lhs_hint = false} : vector<128x64xf32>, vector<64x2xf32>, vector<128x2xf32> -> vector<128x2xf32>
    %get3A_30 = arith.constant 0 : index
    %get3A_31 = arith.constant 0 : index
    %get3A_32 = vector.load %arg5[%get3A_30, %get3A_31] : memref<1x2xf32, #tpu.memory_space<vmem>>, vector<1x2xf32>
    %add3A_33 = vector.broadcast %get3A_32 : vector<1x2xf32> to vector<128x2xf32>
    %add3A_34 = arith.addf %dot_general3A_29, %add3A_33 : vector<128x2xf32>
    %swap3A = arith.constant 0 : index
    %swap3A_35 = arith.constant 0 : index
    %swap3A_36 = vector.load %arg6[%swap3A, %swap3A_35] : memref<128x2xf32, #tpu.memory_space<vmem>>, vector<128x2xf32>
    tpu.vector_store %arg6[%swap3A, %swap3A_35], %add3A_34 {strides = array<i32>} : memref<128x2xf32, #tpu.memory_space<vmem>>, vector<128x2xf32>,
    return
  }
}

</mosaic_0001>

<sc_bundles>
// kernel: kernel.6.cloned.1.call-start
scs
__scs_entry_jumppad:
0x0: {  	(pc) =	sbr.rel $0x88, $3  }
0x1: {  	(tag) =	ssettag $0x0;
	lr =	simm.s32 $0x1  }
0x2: {  	[smem:$0x3F93] =	sst lr;
	_ =	strace $0xD0000000  }
0x3: {  	_ = 	snop  }
0x4: {  	_ = 	snop  }
0x5: {  	_ = 	snop  }
0x6: {  	_ = 	snop  }
0x7: {  	_ = 	snop  }
__scs_overlays_trampoline_lowered:
0x8: {  	[smem:$0x3FA2] =	sst s0  }
0x9: {  	[smem:$0x3FA3] =	sst s1  }
0xa: {  	[smem:$0x3FA4] =	sst s2  }
0xb: {  	[smem:$0x3FA5] =	sst s3  }
0xc: {  	[smem:$0x3FA6] =	sst s4  }
0xd: {  	[smem:$0x3FA7] =	sst s5  }
0xe: {  	[smem:$0x3FA8] =	sst s6  }
0xf: {  	[smem:$0x3FA9] =	sst s7  }
0x10: {  	[smem:$0x3FAA] =	sst s8  }
0x11: {  	[smem:$0x3FAB] =	sst s9;
	s0 =	simm.s32 @!p0 $0x0  }
0x12: {  	s1 =	sld [smem:$0x3F91];
	s0 =	simm.s32 @p0 $0x1  }
0x13: {  	[smem:$0x3FAC] =	sst s0;
	s0 =	simm.s32 @!p1 $0x0  }
0x14: {  	s2 =	sld [smem:$0x3F90];
	s0 =	simm.s32 @p1 $0x1  }
0x15: {  	[smem:$0x3FAD] =	sst s0;
	s0 =	simm.s32 @!p2 $0x0  }
0x16: {  	s3 =	sld [smem:$0x3FDB];
	s0 =	simm.s32 @p2 $0x1  }
0x17: {  	s4 =	simm.s32 $0x1BF5;
	[smem:$0x3FAF] =	sst s0  }
0x18: {  	s0 =	sld [smem:$0x3F92];
	_ =	swait.ge [sflag:s4], $0x0  }
0x19: {  	s7 =	sld [smem:$0x3F93]  }
0x1a: {  	s8 =	sadd.s32 $0xFFFFE003, lr  }
0x1b: {  	s9 =	sadd.s32 $0xFFFFFEF7, lr;
	s5 =	simm.s32 $0xFFFFFFFF;
	p2 =	slt.u32 s8, $0xFFFFF086  }
0x1c: {  	p1 =	slt.u32 s9, $0xF7A;
	s5 =	simm.s32 @!p2 $0x0  }
0x1d: {  	s5 =	simm.s32 @p1 $0x1;
	p0 =	seq.s32 s7, s2  }
0x1e: {  	s7 =	smul.u32 @!p0 $0xF7A, s2;
	p2 =	seq.s32 @!p0 s5, $0x0  }
0x1f: {  	s9 =	smul.u32 $0xF7A, s1;
	s8 =	simm.s32 @!p0 $0x1BF5;
	p2 =	por !p2, p0  }
0x20: {  	[sflag:s8] =	ssyncset.s32 @!p0 $0xFFFFF086;
	s6 =	sadd.s32 @!p0 s3, s7;
	s7 =	simm.s32 @!p0 $0x108  }
0x21: {  	s3 =	sadd.s32 s3, s9;
	s6 =	sadd.s32 @!p0 $0x88, s6;
	s7 =	simm.s32 @p2 $0x1082  }
0x22: {  	[simem:s7], [sflag:s8] =	dma.local @!p0 [hbm:s6], $0xF7A  }
0x23: {  	s9 =	sor.u32 $0xD0000000, s2;
	s6 =	simm.s32 $0x108;
	_ =	swait.ge @!p0 [sflag:s8], $0x0  }
0x24: {  	s3 =	sadd.s32 $0x88, s3;
	s6 =	simm.s32 @!p1 $0x1082;
	[sflag:s4] =	ssyncset.s32 $0xFFFFF086  }
0x25: {  	[simem:s6], [sflag:s4] =	dma.local [hbm:s3], $0xF7A  }
0x26: {  	[smem:$0x3F93] =	sst s1;
	(tag) =	ssettag s2;
	_ =	strace s9  }
0x27: {  	s1 =	sld [smem:$0x3FA3]  }
0x28: {  	s2 =	sld [smem:$0x3FA4]  }
0x29: {  	s4 =	sld [smem:$0x3FA6]  }
0x2a: {  	p0 =	seq.s32 s5, $0x0;
	s5 =	sld [smem:$0x3FA7]  }
0x2b: {  	s6 =	sld [smem:$0x3FA8]  }
0x2c: {  	s7 =	sld [smem:$0x3FA9]  }
0x2d: {  	s3 =	simm.s32 $0x108;
	s8 =	sld [smem:$0x3FAA]  }
0x2e: {  	s3 =	simm.s32 @!p0 $0x1082;
	s9 =	sld [smem:$0x3FAB]  }
0x2f: {  	lr =	sadd.s32 s0, s3;
	s0 =	sld [smem:$0x3FA2]  }
0x30: {  	s3 =	sld [smem:$0x3FA5]  }
0x31: {  	[smem:$0x3FAE] =	sst s10  }
0x32: {  	s10 =	sld [smem:$0x3FAC];
	_ =	sdelay $0x3  }
0x33: {  	p0 =	seq.s32 s10, $0x1;
	s10 =	sld [smem:$0x3FAE];
	_ =	sdelay $0x3  }
0x34: {  	[smem:$0x3FAE] =	sst s10  }
0x35: {  	s10 =	sld [smem:$0x3FAD];
	_ =	sdelay $0x3  }
0x36: {  	p1 =	seq.s32 s10, $0x1;
	s10 =	sld [smem:$0x3FAE];
	_ =	sdelay $0x3  }
0x37: {  	[smem:$0x3FAE] =	sst s10  }
0x38: {  	s10 =	sld [smem:$0x3FAF]  }
0x39: {  	_ = 	snop;
	(pc) =	sbr.ind lr, $3  }
0x3a: {  	_ = 	snop  }
0x3b: {  	_ = 	snop  }
0x3c: {  	p2 =	seq.s32 s10, $0x1;
	s10 =	sld [smem:$0x3FAE]  }
0x3d: {  	_ =	shalt  }
0x3e: {  	_ =	shalt  }
0x3f: {  	_ =	shalt  }
0x40: {  	_ =	shalt  }
0x41: {  	_ =	shalt  }
0x42: {  	_ =	shalt  }
0x43: {  	_ =	shalt  }
0x44: {  	_ =	shalt  }
0x45: {  	_ =	shalt  }
0x46: {  	_ =	shalt  }
0x47: {  	_ =	shalt  }
0x48: {  	_ =	shalt  }
0x49: {  	_ =	shalt  }
0x4a: {  	_ =	shalt  }
0x4b: {  	_ =	shalt  }
0x4c: {  	_ =	shalt  }
0x4d: {  	_ =	shalt  }
0x4e: {  	_ =	shalt  }
0x4f: {  	_ =	shalt  }
0x50: {  	_ =	shalt  }
0x51: {  	_ =	shalt  }
0x52: {  	_ =	shalt  }
0x53: {  	_ =	shalt  }
0x54: {  	_ =	shalt  }
0x55: {  	_ =	shalt  }
0x56: {  	_ =	shalt  }
0x57: {  	_ =	shalt  }
0x58: {  	_ =	shalt  }
0x59: {  	_ =	shalt  }
0x5a: {  	_ =	shalt  }
0x5b: {  	_ =	shalt  }
0x5c: {  	_ =	shalt  }
0x5d: {  	_ =	shalt  }
0x5e: {  	_ =	shalt  }
0x5f: {  	_ =	shalt  }
0x60: {  	_ =	shalt  }
0x61: {  	_ =	shalt  }
0x62: {  	_ =	shalt  }
0x63: {  	_ =	shalt  }
0x64: {  	_ =	shalt  }
0x65: {  	_ =	shalt  }
0x66: {  	_ =	shalt  }
0x67: {  	_ =	shalt  }
0x68: {  	_ =	shalt  }
0x69: {  	_ =	shalt  }
0x6a: {  	_ =	shalt  }
0x6b: {  	_ =	shalt  }
0x6c: {  	_ =	shalt  }
0x6d: {  	_ =	shalt  }
0x6e: {  	_ =	shalt  }
0x6f: {  	_ =	shalt  }
0x70: {  	_ =	shalt  }
0x71: {  	_ =	shalt  }
0x72: {  	_ =	shalt  }
0x73: {  	_ =	shalt  }
0x74: {  	_ =	shalt  }
0x75: {  	_ =	shalt  }
0x76: {  	_ =	shalt  }
0x77: {  	_ =	shalt  }
0x78: {  	_ =	shalt  }
0x79: {  	_ =	shalt  }
0x7a: {  	_ =	shalt  }
0x7b: {  	_ =	shalt  }
0x7c: {  	_ =	shalt  }
0x7d: {  	_ =	shalt  }
0x7e: {  	_ =	shalt  }
0x7f: {  	_ =	shalt  }
0x80: {  	_ =	shalt  }
0x81: {  	_ =	shalt  }
0x82: {  	_ =	shalt  }
0x83: {  	_ =	shalt  }
0x84: {  	_ =	shalt  }
0x85: {  	_ =	shalt  }
0x86: {  	_ =	shalt  }
0x87: {  	_ =	shalt  }
.Lfunc_end0:
.L_simem_size_0:
called_computation_lowered:
.L_overlay_start_0:
0x88: {  	s2 =	sld [smem:$0x3FD9]  }
0x89: {  	s3 =	sld [smem:$0x3FFE];
	_ =	sdelay $0x1  }
0x8a: {  	s1 =	srdreg.scid  }
0x8b: {  	s0 =	sand.u32 $0x1, s1  }
0x8c: {  	s16 =	sshll.u32 s0, $0xA;
	s2 =	sadd.s32 s3, s2  }
0x8d: {  	s2 =	sadd.s32 s2, s16  }
0x8e: {  	[smem:$0x3FBA] =	sst s2  }
0x8f: {  	_ = 	snop  }
0x90: {  	(tm) =	ssettm $0x1  }
0x91: {  	s17 =	sld [smem:$0x3FFB];
	_ =	sdelay $0x3  }
0x92: {  	_ =	strace s17  }
0x93: {  	s2 =	sld [smem:$0x3FFC];
	_ =	sdelay $0x3  }
0x94: {  	_ =	strace s2  }
0x95: {  	s2 =	sld [smem:$0x3FFD];
	_ =	sdelay $0x3  }
0x96: {  	_ =	strace s2  }
0x97: {  	_ =	strace $0x8FFFFFFF  }
0x98: {  	s18 =	sld [smem:$0x3FDB];
	_ =	sdelay $0x1  }
0x99: {  	s19 =	simm.s32 $_scs_section_size  }
0x9a: {  	s4 =	simm.s32 $_size__tile_overlayer_lowered;
	s5 =	simm.s32 $_tile_overlayer_lowered  }
0x9b: {  	s22 =	simm.s32 $0x1BFF;
	s21 =	sshll.u32 s5, $0x1;
	s2 =	sadd.s32 s19, s18  }
0x9c: {  	s6 =	simm.s32 $0x0;
	s20 =	sshll.u32 s4, $0x1;
	s4 =	sadd.s32 s21, s2  }
0x9d: {  	[timem:s6], [sflag:s22] =	dma.local [hbm:s4], s20  }
0x9e: {  	_ =	swait.ge [sflag:s22], s20  }
0x9f: {  	s3 =	ssub.s32 $0x0, s20;
	[sflag:s22] =	ssyncset.done $0x0  }
0xa0: {  	[sflag:s22] =	ssyncadd.s32 s3;
	_ =	sdelay $0x1  }
0xa1: {  	s23 =	simm.s32 $0x1B8B  }
0xa2: {  	_ =	swait.ge [sflag:s23], $0x1  }
0xa3: {  	[sflag:s23] =	ssyncset.done $0x0  }
0xa4: {  	s25 =	simm.s32 $0x1B8E;
	s24 =	sld [smem:$0x3FFE];
	[sflag:s23] =	ssyncadd.s32 $0xFFFFFFFF  }
0xa5: {  	s26 =	simm.s32 $execute0_lowered;
	[smem:$0x3FD2] =	sst s25  }
0xa6: {  	s4 =	sshll.u32 s26, $0x1;
	_ =	strace $0x80000046;
	[dreg:$0x1] =	wrdreg $0xFFFFFFFF  }
0xa7: {  	s28 =	simm.s32 $_size_execute0_lowered;
	s2 =	sadd.s32 s2, s4;
	[dreg:$0x0] =	wrdreg $0x0  }
0xa8: {  	s4 =	sshll.u32 s28, $0x1;
	[dreg:$0x2] =	wrdreg s2  }
0xa9: {  	[dreg:$0x3] =	wrdreg s4  }
0xaa: {  	[dreg:$0x4] =	wrdreg $0xC0  }
0xab: {  	_ =	task [dreg:s6], $0x5FFFF  }
0xac: {  	[dreg:$0x1] =	wrdreg $0xFFFFFFFF  }
0xad: {  	[dreg:$0x0] =	wrdreg $0x60  }
0xae: {  	[dreg:$0x2] =	wrdreg s24  }
0xaf: {  	[dreg:$0x3] =	wrdreg $0x9  }
0xb0: {  	_ =	task.clear_ibuf [dreg:s6], $0x4FFFF;
	_ =	strace $0x90000046  }
0xb1: {  	s29 =	simm.s32 $0x9;
	_ =	strace $0x80000048  }
0xb2: {  	_ =	swait.ge [sflag:s29], $0x1  }
0xb3: {  	[sflag:s29] =	ssyncadd.s32 $0xFFFFFFFF  }
0xb4: {  	_ =	strace $0x90000048  }
0xb5: {  	_ =	sfence  }
0xb6: {  	s30 =	sld [smem:$0x0];
	_ =	sdelay $0x2  }
0xb7: {  	s31 =	sshll.u32 s1, $0xD;
	s1 =	sshrl.u32 s1, $0x2  }
0xb8: {  	s3 =	sand.u32 $0x4000, s31;
	s1 =	sadd.s32 s1, s30  }
0xb9: {  	s0 =	sor.u32 s3, s0;
	s1 =	sshll.u32 s1, $0x11  }
0xba: {  	s0 =	sor.u32 s1, s0  }
0xbb: {  	s0 =	sadd.s32 $0x8F2B, s0  }
0xbc: {  	[sflag:s0] =	ssyncadd.remote.s32 $0x1  }
0xbd: {  	_ =	sfence.sel $0xFFFF  }
0xbe: {  	[dreg:$0x0] =	wrdreg $0xFFFFFFFF;
	(pc) =	sbr.abs _section_cstart, $3  }
0xbf: {  	[dreg:$0x1] =	wrdreg $0xFFFFFFFF  }
0xc0: {  	_ =	task.clear_ibuf [dreg:s6], $0x2FFFF;
	_ =	strace $0x9FFFFFFF  }
0xc1: {  	(tm) =	ssettm $0x7FFFFFFF  }
tec
execute0_lowered:
.L_overlay_start_1:
0x0: {  	(tag) =	ssettag $0x1  }
0x1: {  	s0 =	rddreg [dreg:$0x0];
	s2 =	simm.s32 $0x0;
	s1 =	srdreg.scid  }
0x2: {  	s8 =	stileid.u32;
	s16 =	simm.s32 $0x2;
	s17 =	simm.s32 $0x1000  }
0x3: {  	s18 =	simm.s32 $0x80;
	s19 =	simm.s32 $0x2000;
	s20 =	simm.s32 $0x4000  }
0x4: {  	s22 =	simm.s32 $0x6000;
	s24 =	simm.s32 $0x8000;
	s25 =	simm.s32 $0x1  }
0x5: {  	s30 =	simm.s32 $0x0;
	[smem:$0x7FF] =	sst s2;
	s1 =	sand.u32 $0x1, s1  }
0x6: {  	s5 =	sshll.u32 s8, $0xA;
	s3 =	sadd.s32 $0x311800, s0;
	s4 =	sadd.s32 $0x4400, s0  }
0x7: {  	s10 =	sadd.s32 $0x10400, s0;
	s15 =	sshll.u32 s8, $0x10;
	_ =	strace $0x80000047  }
0x8: {  	s6 =	sshll.u32 s1, $0x9;
	s26 =	ssub.s32 $0x2, s1;
	s1 =	sshll.u32 s1, $0xF  }
0x9: {  	s31 =	sadd.s32 s15, s10;
	s5 =	sor.u32 s6, s5;
	s7 =	sshrl.u32 s26, $0x1  }
0xa: {  	s11 =	sor.u32 s1, s15;
	s6 =	sadd.s32 s5, s0;
	s0 =	sadd.s32 $0x110400, s0  }
0xb: {  	s7 =	ssub.s32 s26, s7;
	s12 =	sor.u32 $0x800, s11;
	s13 =	sor.u32 $0x400, s11  }
0xc: {  	s14 =	sor.u32 $0xC00, s11;
	s11 =	sadd.s32 s1, s31;
	s28 =	sadd.s32 $0x8400, s6  }
0xd: {  	s29 =	sadd.s32 $0xC400, s6;
	s8 =	sadd.s32 s12, s10;
	s9 =	sadd.s32 s13, s10  }
0xe: {  	s10 =	sadd.s32 s14, s10;
	s12 =	sadd.s32 s12, s0;
	s13 =	sadd.s32 s13, s0  }
0xf: {  	s14 =	sadd.s32 s14, s0;
	s0 =	sadd.s32 s15, s0;
	[dreg:$0x2] =	wrdreg s28  }
0x10: {  	s7 =	smax.u32 s7, $0x1;
	[dreg:$0x3] =	wrdreg s29;
	s15 =	sadd.s32 s1, s0  }
.LBB2_1:
0x11: {  	s0 =	rddreg [dreg:$0x2]  }
0x12: {  	[tilespmem:s2], [sflag:$0x2] =	stream.linear.gather [hbm4b:s0+s2], $0x1000, $0x38;
	[tilespmem:$0x12000] =	vst v63  }
0x13: {  	_ =	swait.ge [sflag:s16], $0x1000  }
0x14: {  	[sflag:s16] =	ssyncset.done $0x0  }
0x15: {  	s26 =	rddreg [dreg:$0x3];
	[sflag:s16] =	ssyncadd.s32 $0xFFFFF000  }
0x16: {  	[tilespmem:s17], [sflag:$0x2] =	stream.linear.gather [hbm4b:s26+s2], $0x1000, $0x38;
	[tilespmem:$0x12000] =	vst v63  }
0x17: {  	_ =	swait.ge [sflag:s16], $0x1000  }
0x18: {  	[sflag:s16] =	ssyncset.done $0x0  }
0x19: {  	[sflag:s16] =	ssyncadd.s32 $0xFFFFF000  }
0x1a: {  	[tilespmem:s19], [sflag:$0x1] =	stream.indirect.gather [hbm4b:s3+s18], $0x40, s2, s18, $0xb8;
	[tilespmem:$0x12000] =	vst v63  }
0x1b: {  	_ = 	snop  }
0x1c: {  	[tilespmem:s20], [sflag:$0x1] =	stream.indirect.gather [hbm4b:s3+s18], $0x40, s18, s18, $0xb8;
	[tilespmem:$0x12000] =	vst v63  }
0x1d: {  	s1 =	simm.s32 $0x100;
	p0 =	por $0x0, $0x0;
	s0 =	sand.u32 $0x1, s2  }
0x1e: {  	[tilespmem:s22], [sflag:$0x1] =	stream.indirect.gather [hbm4b:s3+s18], $0x40, s1, s18, $0xb8;
	[tilespmem:$0x12000] =	vst v63  }
0x1f: {  	s5 =	simm.s32 $0x180;
	s1 =	sshll.u32 @!p0 s0, $0xF  }
0x20: {  	[tilespmem:s24], [sflag:$0x1] =	stream.indirect.gather [hbm4b:s3+s18], $0x40, s5, s18, $0xb8;
	[tilespmem:$0x12000] =	vst v63  }
0x21: {  	s21 =	simm.s32 @!p0 $0x80;
	s26 =	simm.s32 @!p0 $0x200;
	s23 =	sxor.u32 @!p0 $0xA000, s1  }
0x22: {  	[tilespmem:s23], [sflag:$0x1] =	stream.indirect.gather @!p0 [hbm4b:s3+s21], $0x40, s26, s21, $0xb8;
	[tilespmem:$0x12000] =	vst v63  }
0x23: {  	s23 =	sxor.u32 @!p0 $0xC000, s1;
	s26 =	simm.s32 @!p0 $0x280  }
0x24: {  	[tilespmem:s23], [sflag:$0x1] =	stream.indirect.gather @!p0 [hbm4b:s3+s21], $0x40, s26, s21, $0xb8;
	[tilespmem:$0x12000] =	vst v63  }
0x25: {  	s23 =	sxor.u32 @!p0 $0xE000, s1;
	s26 =	simm.s32 @!p0 $0x300  }
0x26: {  	[tilespmem:s23], [sflag:$0x1] =	stream.indirect.gather @!p0 [hbm4b:s3+s21], $0x40, s26, s21, $0xb8;
	[tilespmem:$0x12000] =	vst v63  }
0x27: {  	s1 =	ssub.s32 @!p0 $0x10000, s1;
	s23 =	simm.s32 $0x380  }
0x28: {  	[tilespmem:s1], [sflag:$0x1] =	stream.indirect.gather @!p0 [hbm4b:s3+s21], $0x40, s23, s21, $0xb8;
	[tilespmem:$0x12000] =	vst v63  }
0x29: {  	_ =	swait.ge [sflag:s25], $0x2000  }
0x2a: {  	s23 =	sshll.u32 s0, $0xF;
	[sflag:s25] =	ssyncset.done $0x0  }
0x2b: {  	s6 =	sadd.s32 $0x0, s11;
	s0 =	sor.u32 $0x2000, s23;
	[sflag:s25] =	ssyncadd.s32 $0xFFFFE000  }
0x2c: {  	[hbm4b:s6+s2] =	stream.linear.scatter [tilespmem:s0], [sflag:$0x2], $0x2000, $0x38;
	[tilespmem:$0x12000] =	vst v63  }
0x2d: {  	_ =	swait.ge [sflag:s16], $0x2000  }
0x2e: {  	[sflag:s16] =	ssyncset.done $0x0  }
0x2f: {  	[sflag:s16] =	ssyncadd.s32 $0xFFFFE000  }
0x30: {  	_ =	swait.ge [sflag:s25], $0x2000  }
0x31: {  	[sflag:s25] =	ssyncset.done $0x0  }
0x32: {  	s26 =	sadd.s32 $0x0, s9;
	s21 =	sor.u32 $0x4000, s23;
	[sflag:s25] =	ssyncadd.s32 $0xFFFFE000  }
0x33: {  	[hbm4b:s26+s2] =	stream.linear.scatter [tilespmem:s21], [sflag:$0x2], $0x2000, $0x38;
	[tilespmem:$0x12000] =	vst v63  }
0x34: {  	_ =	swait.ge [sflag:s16], $0x2000  }
0x35: {  	[sflag:s16] =	ssyncset.done $0x0  }
0x36: {  	[sflag:s16] =	ssyncadd.s32 $0xFFFFE000  }
0x37: {  	_ =	swait.ge [sflag:s25], $0x2000  }
0x38: {  	[sflag:s25] =	ssyncset.done $0x0  }
0x39: {  	s5 =	sadd.s32 $0x0, s8;
	s1 =	sor.u32 $0x6000, s23;
	[sflag:s25] =	ssyncadd.s32 $0xFFFFE000  }
0x3a: {  	[hbm4b:s5+s2] =	stream.linear.scatter [tilespmem:s1], [sflag:$0x2], $0x2000, $0x38;
	[tilespmem:$0x12000] =	vst v63  }
0x3b: {  	_ =	swait.ge [sflag:s16], $0x2000  }
0x3c: {  	[sflag:s16] =	ssyncset.done $0x0  }
0x3d: {  	[sflag:s16] =	ssyncadd.s32 $0xFFFFE000  }
0x3e: {  	s31 =	simm.s32 $0x1000;
	p1 =	por $0x0, $0x0;
	_ =	swait.ge [sflag:s25], $0x2000  }
0x3f: {  	s28 =	simm.s32 @!p1 $0x80;
	s23 =	sadd.s32 $0x8000, s23;
	[sflag:s25] =	ssyncset.done $0x0  }
0x40: {  	s6 =	sadd.s32 $0x0, s10;
	s21 =	simm.s32 $0x1;
	[sflag:s25] =	ssyncadd.s32 $0xFFFFE000  }
0x41: {  	[hbm4b:s6+s2] =	stream.linear.scatter [tilespmem:s23], [sflag:$0x2], $0x2000, $0x38;
	[tilespmem:$0x12000] =	vst v63  }
0x42: {  	s0 =	simm.s32 $0x580;
	s26 =	sand.u32 $0x1, s21;
	_ =	swait.ge [sflag:s16], $0x2000  }
0x43: {  	s29 =	sshll.u32 @!p1 s26, $0xF;
	s1 =	simm.s32 $0x2000;
	[sflag:s16] =	ssyncset.done $0x0  }
.LBB2_2:
0x44: {  	s5 =	sxor.u32 @!p1 $0xA000, s29;
	s6 =	sadd.s32 @!p1 $0xFFFFFE80, s0  }
0x45: {  	[sflag:s16] =	ssyncadd.s32 $0xFFFFE000;
	s23 =	smov.u32 s31;
	s31 =	smov.u32 s1  }
0x46: {  	[tilespmem:s5], [sflag:$0x1] =	stream.indirect.gather @!p1 [hbm4b:s3+s28], $0x40, s6, s28, $0xb8;
	[tilespmem:$0x12000] =	vst v63  }
0x47: {  	s26 =	sshll.u32 s26, $0xF;
	s5 =	sxor.u32 @!p1 $0xC000, s29;
	s6 =	sadd.s32 @!p1 $0xFFFFFF00, s0  }
0x48: {  	[tilespmem:s5], [sflag:$0x1] =	stream.indirect.gather @!p1 [hbm4b:s3+s28], $0x40, s6, s28, $0xb8;
	[tilespmem:$0x12000] =	vst v63  }
0x49: {  	s1 =	sadd.s32 $0x1000, s1;
	s5 =	sxor.u32 @!p1 $0xE000, s29;
	s6 =	sadd.s32 @!p1 $0xFFFFFF80, s0  }
0x4a: {  	[tilespmem:s5], [sflag:$0x1] =	stream.indirect.gather @!p1 [hbm4b:s3+s28], $0x40, s6, s28, $0xb8;
	[tilespmem:$0x12000] =	vst v63  }
0x4b: {  	p0 =	sne.s32 s1, $0x8000;
	s5 =	ssub.s32 @!p1 $0x10000, s29  }
0x4c: {  	[tilespmem:s5], [sflag:$0x1] =	stream.indirect.gather @!p1 [hbm4b:s3+s28], $0x40, s0, s28, $0xb8;
	[tilespmem:$0x12000] =	vst v63  }
0x4d: {  	_ =	swait.ge [sflag:s25], $0x2000  }
0x4e: {  	[sflag:s25] =	ssyncset.done $0x0  }
0x4f: {  	s6 =	sadd.s32 s23, s11;
	s5 =	sor.u32 $0x2000, s26;
	[sflag:s25] =	ssyncadd.s32 $0xFFFFE000  }
0x50: {  	[hbm4b:s6+s2] =	stream.linear.scatter [tilespmem:s5], [sflag:$0x2], $0x2000, $0x38;
	[tilespmem:$0x12000] =	vst v63  }
0x51: {  	_ =	swait.ge [sflag:s16], $0x2000  }
0x52: {  	[sflag:s16] =	ssyncset.done $0x0  }
0x53: {  	[sflag:s16] =	ssyncadd.s32 $0xFFFFE000  }
0x54: {  	_ =	swait.ge [sflag:s25], $0x2000  }
0x55: {  	[sflag:s25] =	ssyncset.done $0x0  }
0x56: {  	s5 =	sor.u32 $0x4000, s26;
	s6 =	sadd.s32 s23, s9;
	[sflag:s25] =	ssyncadd.s32 $0xFFFFE000  }
0x57: {  	[hbm4b:s6+s2] =	stream.linear.scatter [tilespmem:s5], [sflag:$0x2], $0x2000, $0x38;
	[tilespmem:$0x12000] =	vst v63  }
0x58: {  	_ =	swait.ge [sflag:s16], $0x2000  }
0x59: {  	[sflag:s16] =	ssyncset.done $0x0  }
0x5a: {  	[sflag:s16] =	ssyncadd.s32 $0xFFFFE000  }
0x5b: {  	_ =	swait.ge [sflag:s25], $0x2000  }
0x5c: {  	[sflag:s25] =	ssyncset.done $0x0  }
0x5d: {  	s5 =	sor.u32 $0x6000, s26;
	s6 =	sadd.s32 s23, s8;
	[sflag:s25] =	ssyncadd.s32 $0xFFFFE000  }
0x5e: {  	[hbm4b:s6+s2] =	stream.linear.scatter [tilespmem:s5], [sflag:$0x2], $0x2000, $0x38;
	[tilespmem:$0x12000] =	vst v63  }
0x5f: {  	_ =	swait.ge [sflag:s16], $0x2000  }
0x60: {  	[sflag:s16] =	ssyncset.done $0x0  }
0x61: {  	[sflag:s16] =	ssyncadd.s32 $0xFFFFE000  }
0x62: {  	s0 =	sadd.s32 $0x200, s0;
	_ =	swait.ge [sflag:s25], $0x2000  }
.Ltmp0:
0x63: {  	s21 =	sadd.s32 $0x1, s21;
	[sflag:s25] =	ssyncset.done $0x0;
	(pc) =	sbr.rel @p0 .LBB2_2-.Ltmp0, $4  }
0x64: {  	s5 =	sadd.s32 $0x8000, s26;
	s6 =	sadd.s32 s23, s10;
	[sflag:s25] =	ssyncadd.s32 $0xFFFFE000  }
0x65: {  	[hbm4b:s6+s2] =	stream.linear.scatter [tilespmem:s5], [sflag:$0x2], $0x2000, $0x38;
	[tilespmem:$0x12000] =	vst v63  }
0x66: {  	p1 =	seq.s32 s31, $0x7000;
	s26 =	sand.u32 $0x1, s21;
	_ =	swait.ge [sflag:s16], $0x2000  }
0x67: {  	s28 =	simm.s32 @!p1 $0x80;
	s29 =	sshll.u32 @!p1 s26, $0xF;
	[sflag:s16] =	ssyncset.done $0x0  }
0x68: {  	s1 =	sxor.u32 @!p1 $0xA000, s29;
	s5 =	sadd.s32 @!p1 $0xFFFFFE80, s0;
	[sflag:s16] =	ssyncadd.s32 $0xFFFFE000  }
0x69: {  	[tilespmem:s1], [sflag:$0x1] =	stream.indirect.gather @!p1 [hbm4b:s3+s28], $0x40, s5, s28, $0xb8;
	[tilespmem:$0x12000] =	vst v63  }
0x6a: {  	s1 =	sxor.u32 @!p1 $0xC000, s29;
	s5 =	sadd.s32 @!p1 $0xFFFFFF00, s0  }
0x6b: {  	[tilespmem:s1], [sflag:$0x1] =	stream.indirect.gather @!p1 [hbm4b:s3+s28], $0x40, s5, s28, $0xb8;
	[tilespmem:$0x12000] =	vst v63  }
0x6c: {  	s1 =	sxor.u32 @!p1 $0xE000, s29;
	s5 =	sadd.s32 @!p1 $0xFFFFFF80, s0  }
0x6d: {  	[tilespmem:s1], [sflag:$0x1] =	stream.indirect.gather @!p1 [hbm4b:s3+s28], $0x40, s5, s28, $0xb8;
	[tilespmem:$0x12000] =	vst v63  }
0x6e: {  	s1 =	ssub.s32 @!p1 $0x10000, s29  }
0x6f: {  	[tilespmem:s1], [sflag:$0x1] =	stream.indirect.gather @!p1 [hbm4b:s3+s28], $0x40, s0, s28, $0xb8;
	[tilespmem:$0x12000] =	vst v63  }
0x70: {  	_ =	swait.ge [sflag:s25], $0x2000  }
0x71: {  	s0 =	sshll.u32 s26, $0xF;
	[sflag:s25] =	ssyncset.done $0x0  }
0x72: {  	s26 =	sadd.s32 s31, s11;
	s23 =	sor.u32 $0x2000, s0;
	[sflag:s25] =	ssyncadd.s32 $0xFFFFE000  }
0x73: {  	[hbm4b:s26+s2] =	stream.linear.scatter [tilespmem:s23], [sflag:$0x2], $0x2000, $0x38;
	[tilespmem:$0x12000] =	vst v63  }
0x74: {  	_ =	swait.ge [sflag:s16], $0x2000  }
0x75: {  	[sflag:s16] =	ssyncset.done $0x0  }
0x76: {  	[sflag:s16] =	ssyncadd.s32 $0xFFFFE000  }
0x77: {  	_ =	swait.ge [sflag:s25], $0x2000  }
0x78: {  	[sflag:s25] =	ssyncset.done $0x0  }
0x79: {  	s6 =	sadd.s32 s31, s9;
	s5 =	sor.u32 $0x4000, s0;
	[sflag:s25] =	ssyncadd.s32 $0xFFFFE000  }
0x7a: {  	[hbm4b:s6+s2] =	stream.linear.scatter [tilespmem:s5], [sflag:$0x2], $0x2000, $0x38;
	[tilespmem:$0x12000] =	vst v63  }
0x7b: {  	_ =	swait.ge [sflag:s16], $0x2000  }
0x7c: {  	[sflag:s16] =	ssyncset.done $0x0  }
0x7d: {  	[sflag:s16] =	ssyncadd.s32 $0xFFFFE000  }
0x7e: {  	_ =	swait.ge [sflag:s25], $0x2000  }
0x7f: {  	[sflag:s25] =	ssyncset.done $0x0  }
0x80: {  	s21 =	sor.u32 $0x6000, s0;
	s23 =	sadd.s32 s31, s8;
	[sflag:s25] =	ssyncadd.s32 $0xFFFFE000  }
0x81: {  	[hbm4b:s23+s2] =	stream.linear.scatter [tilespmem:s21], [sflag:$0x2], $0x2000, $0x38;
	[tilespmem:$0x12000] =	vst v63  }
0x82: {  	_ =	swait.ge [sflag:s16], $0x2000  }
0x83: {  	[sflag:s16] =	ssyncset.done $0x0  }
0x84: {  	[sflag:s16] =	ssyncadd.s32 $0xFFFFE000  }
0x85: {  	_ =	swait.ge [sflag:s25], $0x2000  }
0x86: {  	[sflag:s25] =	ssyncset.done $0x0  }
0x87: {  	s0 =	sadd.s32 $0x8000, s0;
	s26 =	sadd.s32 s31, s10;
	[sflag:s25] =	ssyncadd.s32 $0xFFFFE000  }
0x88: {  	[hbm4b:s26+s2] =	stream.linear.scatter [tilespmem:s0], [sflag:$0x2], $0x2000, $0x38;
	[tilespmem:$0x12000] =	vst v63  }
0x89: {  	_ =	swait.ge [sflag:s16], $0x2000  }
0x8a: {  	[sflag:s16] =	ssyncset.done $0x0  }
0x8b: {  	[sflag:s16] =	ssyncadd.s32 $0xFFFFE000  }
0x8c: {  	[tilespmem:s19], [sflag:$0x1] =	stream.indirect.gather [hbm4b:s4+s18], $0x40, s17, s18, $0xb8;
	[tilespmem:$0x12000] =	vst v63  }
0x8d: {  	s5 =	simm.s32 $0x1080;
	s23 =	simm.s32 $0x0  }
0x8e: {  	[tilespmem:s20], [sflag:$0x1] =	stream.indirect.gather [hbm4b:s4+s18], $0x40, s5, s18, $0xb8;
	[tilespmem:$0x12000] =	vst v63  }
0x8f: {  	p0 =	por $0x0, $0x0;
	s6 =	simm.s32 $0x1100;
	s0 =	sand.u32 $0x1, s23  }
0x90: {  	[tilespmem:s22], [sflag:$0x1] =	stream.indirect.gather [hbm4b:s4+s18], $0x40, s6, s18, $0xb8;
	[tilespmem:$0x12000] =	vst v63  }
0x91: {  	s21 =	simm.s32 $0x1180;
	s1 =	sshll.u32 @!p0 s0, $0xF  }
0x92: {  	[tilespmem:s24], [sflag:$0x1] =	stream.indirect.gather [hbm4b:s4+s18], $0x40, s21, s18, $0xb8;
	[tilespmem:$0x12000] =	vst v63  }
0x93: {  	s5 =	simm.s32 @!p0 $0x80;
	s6 =	sxor.u32 @!p0 $0xA000, s1;
	s21 =	simm.s32 @!p0 $0x1200  }
0x94: {  	[tilespmem:s6], [sflag:$0x1] =	stream.indirect.gather @!p0 [hbm4b:s4+s5], $0x40, s21, s5, $0xb8;
	[tilespmem:$0x12000] =	vst v63  }
0x95: {  	s6 =	sxor.u32 @!p0 $0xC000, s1;
	s21 =	simm.s32 @!p0 $0x1280  }
0x96: {  	[tilespmem:s6], [sflag:$0x1] =	stream.indirect.gather @!p0 [hbm4b:s4+s5], $0x40, s21, s5, $0xb8;
	[tilespmem:$0x12000] =	vst v63  }
0x97: {  	s6 =	sxor.u32 @!p0 $0xE000, s1;
	s21 =	simm.s32 @!p0 $0x1300  }
0x98: {  	[tilespmem:s6], [sflag:$0x1] =	stream.indirect.gather @!p0 [hbm4b:s4+s5], $0x40, s21, s5, $0xb8;
	[tilespmem:$0x12000] =	vst v63  }
0x99: {  	s1 =	ssub.s32 @!p0 $0x10000, s1;
	s6 =	simm.s32 $0x1380  }
0x9a: {  	[tilespmem:s1], [sflag:$0x1] =	stream.indirect.gather @!p0 [hbm4b:s4+s5], $0x40, s6, s5, $0xb8;
	[tilespmem:$0x12000] =	vst v63  }
0x9b: {  	_ =	swait.ge [sflag:s25], $0x2000  }
0x9c: {  	s5 =	sshll.u32 s0, $0xF;
	[sflag:s25] =	ssyncset.done $0x0  }
0x9d: {  	s26 =	sadd.s32 $0x0, s15;
	s0 =	sor.u32 $0x2000, s5;
	[sflag:s25] =	ssyncadd.s32 $0xFFFFE000  }
0x9e: {  	[hbm4b:s26+s2] =	stream.linear.scatter [tilespmem:s0], [sflag:$0x2], $0x2000, $0x38;
	[tilespmem:$0x12000] =	vst v63  }
0x9f: {  	_ =	swait.ge [sflag:s16], $0x2000  }
0xa0: {  	[sflag:s16] =	ssyncset.done $0x0  }
0xa1: {  	[sflag:s16] =	ssyncadd.s32 $0xFFFFE000  }
0xa2: {  	_ =	swait.ge [sflag:s25], $0x2000  }
0xa3: {  	[sflag:s25] =	ssyncset.done $0x0  }
0xa4: {  	s6 =	sadd.s32 $0x0, s13;
	s1 =	sor.u32 $0x4000, s5;
	[sflag:s25] =	ssyncadd.s32 $0xFFFFE000  }
0xa5: {  	[hbm4b:s6+s2] =	stream.linear.scatter [tilespmem:s1], [sflag:$0x2], $0x2000, $0x38;
	[tilespmem:$0x12000] =	vst v63  }
0xa6: {  	_ =	swait.ge [sflag:s16], $0x2000  }
0xa7: {  	[sflag:s16] =	ssyncset.done $0x0  }
0xa8: {  	[sflag:s16] =	ssyncadd.s32 $0xFFFFE000  }
0xa9: {  	_ =	swait.ge [sflag:s25], $0x2000  }
0xaa: {  	[sflag:s25] =	ssyncset.done $0x0  }
0xab: {  	s23 =	sadd.s32 $0x0, s12;
	s21 =	sor.u32 $0x6000, s5;
	[sflag:s25] =	ssyncadd.s32 $0xFFFFE000  }
0xac: {  	[hbm4b:s23+s2] =	stream.linear.scatter [tilespmem:s21], [sflag:$0x2], $0x2000, $0x38;
	[tilespmem:$0x12000] =	vst v63  }
0xad: {  	_ =	swait.ge [sflag:s16], $0x2000  }
0xae: {  	[sflag:s16] =	ssyncset.done $0x0  }
0xaf: {  	p1 =	por $0x0, $0x0;
	[sflag:s16] =	ssyncadd.s32 $0xFFFFE000  }
0xb0: {  	s28 =	simm.s32 @!p1 $0x80;
	_ =	swait.ge [sflag:s25], $0x2000  }
0xb1: {  	s31 =	simm.s32 $0x1000;
	s5 =	sadd.s32 $0x8000, s5;
	[sflag:s25] =	ssyncset.done $0x0  }
0xb2: {  	s26 =	sadd.s32 $0x0, s14;
	s21 =	simm.s32 $0x1;
	[sflag:s25] =	ssyncadd.s32 $0xFFFFE000  }
0xb3: {  	[hbm4b:s26+s2] =	stream.linear.scatter [tilespmem:s5], [sflag:$0x2], $0x2000, $0x38;
	[tilespmem:$0x12000] =	vst v63  }
0xb4: {  	s0 =	simm.s32 $0x1580;
	s26 =	sand.u32 $0x1, s21;
	_ =	swait.ge [sflag:s16], $0x2000  }
0xb5: {  	s1 =	simm.s32 $0x2000;
	s29 =	sshll.u32 @!p1 s26, $0xF;
	[sflag:s16] =	ssyncset.done $0x0  }
.LBB2_4:
0xb6: {  	s5 =	sxor.u32 @!p1 $0xA000, s29;
	s6 =	sadd.s32 @!p1 $0xFFFFFE80, s0  }
0xb7: {  	[sflag:s16] =	ssyncadd.s32 $0xFFFFE000;
	s23 =	smov.u32 s31;
	s31 =	smov.u32 s1  }
0xb8: {  	[tilespmem:s5], [sflag:$0x1] =	stream.indirect.gather @!p1 [hbm4b:s4+s28], $0x40, s6, s28, $0xb8;
	[tilespmem:$0x12000] =	vst v63  }
0xb9: {  	s26 =	sshll.u32 s26, $0xF;
	s5 =	sxor.u32 @!p1 $0xC000, s29;
	s6 =	sadd.s32 @!p1 $0xFFFFFF00, s0  }
0xba: {  	[tilespmem:s5], [sflag:$0x1] =	stream.indirect.gather @!p1 [hbm4b:s4+s28], $0x40, s6, s28, $0xb8;
	[tilespmem:$0x12000] =	vst v63  }
0xbb: {  	s1 =	sadd.s32 $0x1000, s1;
	s5 =	sxor.u32 @!p1 $0xE000, s29;
	s6 =	sadd.s32 @!p1 $0xFFFFFF80, s0  }
0xbc: {  	[tilespmem:s5], [sflag:$0x1] =	stream.indirect.gather @!p1 [hbm4b:s4+s28], $0x40, s6, s28, $0xb8;
	[tilespmem:$0x12000] =	vst v63  }
0xbd: {  	p0 =	sne.s32 s1, $0x8000;
	s5 =	ssub.s32 @!p1 $0x10000, s29  }
0xbe: {  	[tilespmem:s5], [sflag:$0x1] =	stream.indirect.gather @!p1 [hbm4b:s4+s28], $0x40, s0, s28, $0xb8;
	[tilespmem:$0x12000] =	vst v63  }
0xbf: {  	_ =	swait.ge [sflag:s25], $0x2000  }
0xc0: {  	[sflag:s25] =	ssyncset.done $0x0  }
0xc1: {  	s6 =	sadd.s32 s23, s15;
	s5 =	sor.u32 $0x2000, s26;
	[sflag:s25] =	ssyncadd.s32 $0xFFFFE000  }
0xc2: {  	[hbm4b:s6+s2] =	stream.linear.scatter [tilespmem:s5], [sflag:$0x2], $0x2000, $0x38;
	[tilespmem:$0x12000] =	vst v63  }
0xc3: {  	_ =	swait.ge [sflag:s16], $0x2000  }
0xc4: {  	[sflag:s16] =	ssyncset.done $0x0  }
0xc5: {  	[sflag:s16] =	ssyncadd.s32 $0xFFFFE000  }
0xc6: {  	_ =	swait.ge [sflag:s25], $0x2000  }
0xc7: {  	[sflag:s25] =	ssyncset.done $0x0  }
0xc8: {  	s5 =	sor.u32 $0x4000, s26;
	s6 =	sadd.s32 s23, s13;
	[sflag:s25] =	ssyncadd.s32 $0xFFFFE000  }
0xc9: {  	[hbm4b:s6+s2] =	stream.linear.scatter [tilespmem:s5], [sflag:$0x2], $0x2000, $0x38;
	[tilespmem:$0x12000] =	vst v63  }
0xca: {  	_ =	swait.ge [sflag:s16], $0x2000  }
0xcb: {  	[sflag:s16] =	ssyncset.done $0x0  }
0xcc: {  	[sflag:s16] =	ssyncadd.s32 $0xFFFFE000  }
0xcd: {  	_ =	swait.ge [sflag:s25], $0x2000  }
0xce: {  	[sflag:s25] =	ssyncset.done $0x0  }
0xcf: {  	s5 =	sor.u32 $0x6000, s26;
	s6 =	sadd.s32 s23, s12;
	[sflag:s25] =	ssyncadd.s32 $0xFFFFE000  }
0xd0: {  	[hbm4b:s6+s2] =	stream.linear.scatter [tilespmem:s5], [sflag:$0x2], $0x2000, $0x38;
	[tilespmem:$0x12000] =	vst v63  }
0xd1: {  	_ =	swait.ge [sflag:s16], $0x2000  }
0xd2: {  	[sflag:s16] =	ssyncset.done $0x0  }
0xd3: {  	[sflag:s16] =	ssyncadd.s32 $0xFFFFE000  }
0xd4: {  	s0 =	sadd.s32 $0x200, s0;
	_ =	swait.ge [sflag:s25], $0x2000  }
.Ltmp1:
0xd5: {  	s21 =	sadd.s32 $0x1, s21;
	[sflag:s25] =	ssyncset.done $0x0;
	(pc) =	sbr.rel @p0 .LBB2_4-.Ltmp1, $4  }
0xd6: {  	s5 =	sadd.s32 $0x8000, s26;
	s6 =	sadd.s32 s23, s14;
	[sflag:s25] =	ssyncadd.s32 $0xFFFFE000  }
0xd7: {  	[hbm4b:s6+s2] =	stream.linear.scatter [tilespmem:s5], [sflag:$0x2], $0x2000, $0x38;
	[tilespmem:$0x12000] =	vst v63  }
0xd8: {  	p1 =	seq.s32 s31, $0x7000;
	s26 =	sand.u32 $0x1, s21;
	_ =	swait.ge [sflag:s16], $0x2000  }
0xd9: {  	s28 =	simm.s32 @!p1 $0x80;
	s29 =	sshll.u32 @!p1 s26, $0xF;
	[sflag:s16] =	ssyncset.done $0x0  }
0xda: {  	s1 =	sxor.u32 @!p1 $0xA000, s29;
	s5 =	sadd.s32 @!p1 $0xFFFFFE80, s0;
	[sflag:s16] =	ssyncadd.s32 $0xFFFFE000  }
0xdb: {  	[tilespmem:s1], [sflag:$0x1] =	stream.indirect.gather @!p1 [hbm4b:s4+s28], $0x40, s5, s28, $0xb8;
	[tilespmem:$0x12000] =	vst v63  }
0xdc: {  	s1 =	sxor.u32 @!p1 $0xC000, s29;
	s5 =	sadd.s32 @!p1 $0xFFFFFF00, s0  }
0xdd: {  	[tilespmem:s1], [sflag:$0x1] =	stream.indirect.gather @!p1 [hbm4b:s4+s28], $0x40, s5, s28, $0xb8;
	[tilespmem:$0x12000] =	vst v63  }
0xde: {  	s1 =	sxor.u32 @!p1 $0xE000, s29;
	s5 =	sadd.s32 @!p1 $0xFFFFFF80, s0  }
0xdf: {  	[tilespmem:s1], [sflag:$0x1] =	stream.indirect.gather @!p1 [hbm4b:s4+s28], $0x40, s5, s28, $0xb8;
	[tilespmem:$0x12000] =	vst v63  }
0xe0: {  	s1 =	ssub.s32 @!p1 $0x10000, s29  }
0xe1: {  	[tilespmem:s1], [sflag:$0x1] =	stream.indirect.gather @!p1 [hbm4b:s4+s28], $0x40, s0, s28, $0xb8;
	[tilespmem:$0x12000] =	vst v63  }
0xe2: {  	_ =	swait.ge [sflag:s25], $0x2000  }
0xe3: {  	s0 =	sshll.u32 s26, $0xF;
	[sflag:s25] =	ssyncset.done $0x0  }
0xe4: {  	s21 =	sadd.s32 s31, s15;
	s6 =	sor.u32 $0x2000, s0;
	[sflag:s25] =	ssyncadd.s32 $0xFFFFE000  }
0xe5: {  	[hbm4b:s21+s2] =	stream.linear.scatter [tilespmem:s6], [sflag:$0x2], $0x2000, $0x38;
	[tilespmem:$0x12000] =	vst v63  }
0xe6: {  	_ =	swait.ge [sflag:s16], $0x2000  }
0xe7: {  	[sflag:s16] =	ssyncset.done $0x0  }
0xe8: {  	[sflag:s16] =	ssyncadd.s32 $0xFFFFE000  }
0xe9: {  	_ =	swait.ge [sflag:s25], $0x2000  }
0xea: {  	[sflag:s25] =	ssyncset.done $0x0  }
0xeb: {  	s26 =	sadd.s32 s31, s13;
	s23 =	sor.u32 $0x4000, s0;
	[sflag:s25] =	ssyncadd.s32 $0xFFFFE000  }
0xec: {  	[hbm4b:s26+s2] =	stream.linear.scatter [tilespmem:s23], [sflag:$0x2], $0x2000, $0x38;
	[tilespmem:$0x12000] =	vst v63  }
0xed: {  	_ =	swait.ge [sflag:s16], $0x2000  }
0xee: {  	[sflag:s16] =	ssyncset.done $0x0  }
0xef: {  	[sflag:s16] =	ssyncadd.s32 $0xFFFFE000  }
0xf0: {  	_ =	swait.ge [sflag:s25], $0x2000  }
0xf1: {  	[sflag:s25] =	ssyncset.done $0x0  }
0xf2: {  	s29 =	sadd.s32 s31, s12;
	s28 =	sor.u32 $0x6000, s0;
	[sflag:s25] =	ssyncadd.s32 $0xFFFFE000  }
0xf3: {  	[hbm4b:s29+s2] =	stream.linear.scatter [tilespmem:s28], [sflag:$0x2], $0x2000, $0x38;
	[tilespmem:$0x12000] =	vst v63  }
0xf4: {  	_ =	swait.ge [sflag:s16], $0x2000  }
0xf5: {  	[sflag:s16] =	ssyncset.done $0x0  }
0xf6: {  	[sflag:s16] =	ssyncadd.s32 $0xFFFFE000  }
0xf7: {  	s30 =	sadd.s32 $0x1, s30;
	_ =	swait.ge [sflag:s25], $0x2000  }
0xf8: {  	p0 =	sne.s32 s30, s7;
	s31 =	sadd.s32 s31, s14;
	[sflag:s25] =	ssyncset.done $0x0  }
.Ltmp2:
0xf9: {  	s0 =	sadd.s32 $0x8000, s0;
	[sflag:s25] =	ssyncadd.s32 $0xFFFFE000;
	(pc) =	sbr.rel @p0 .LBB2_1-.Ltmp2, $4  }
0xfa: {  	[hbm4b:s31+s2] =	stream.linear.scatter [tilespmem:s0], [sflag:$0x2], $0x2000, $0x38;
	[tilespmem:$0x12000] =	vst v63  }
0xfb: {  	_ =	swait.ge [sflag:s16], $0x2000  }
0xfc: {  	[sflag:s16] =	ssyncset.done $0x0  }
0xfd: {  	[sflag:s16] =	ssyncadd.s32 $0xFFFFE000  }
0xfe: {  	_ =	sfence.sel $0x180000  }
0xff: {  	[bflag:$0x0] =	sbarrier.arrive $0xFFFF  }
0x100: {  	_ =	strace $0x90000047  }
0x101: {  	s0 =	stileid.u32;
	[bflag:$0x2] =	sbarrier.arrive $0xFFFF  }
0x102: {  	p0 =	sne.s32 s0, $0x0;
	s0 =	rddreg [dreg:$0x1]  }
0x103: {  	s0 =	sadd.s32 @!p0 $0x100000, s0  }
0x104: {  	[sflag:s0] =	ssyncadd.tile.s32 @!p0 $0x1;
	_ =	shalt  }
.Lfunc_end2:
_tile_overlayer_lowered:
.L_overlay_start_2:
0x105: {  	(tag) =	ssettag $0x2  }
0x106: {  	s0 =	rddreg [dreg:$0x0];
	s2 =	stileid.u32  }
0x107: {  	s1 =	rddreg [dreg:$0x1];
	p0 =	sne.s32 s2, $0x0  }
0x108: {  	s3 =	rddreg [dreg:$0x2];
	[bflag:$0x3] =	sbarrier.arrive $0xFFFF;
	s2 =	simm.s32 @!p0 $0x1C02  }
0x109: {  	[timem:s3], [sflag:s2] =	dma.local @!p0 [hbm:s0], s1  }
0x10a: {  	s0 =	simm.s32 @!p0 $0x2  }
0x10b: {  	_ =	swait.ge @!p0 [sflag:s0], s1  }
0x10c: {  	s1 =	ssub.s32 @!p0 $0x0, s1;
	[sflag:s0] =	ssyncset.done @!p0 $0x0  }
0x10d: {  	[sflag:s0] =	ssyncadd.s32 @!p0 s1  }
0x10e: {  	[bflag:$0x3] =	sbarrier.arrive $0xFFFF  }
0x10f: {  	_ =	shalt  }

</sc_bundles>
